<compile_context>
chip_gen: v7x
topology: tpu7x:2x2x1
jax: 0.10.2.dev20260603
libtpu: 0.0.44.dev20260713+nightly
codegen_flags: <defaults>
</compile_context>

<pallas_src>
import jax
import jax.numpy as jnp
from jax import lax
from jax.experimental import pallas as pl
from jax.experimental.pallas import tpu as pltpu
from jax.experimental.pallas import tpu_sc as plsc

N = 320000
D = 128
K = 1024
RB = 128
BLK = 256
NBLK = N // BLK
NW = 32
BASE_BLKS = NBLK // NW
EXTRA = NBLK - BASE_BLKS * NW
NRING = 3
TRIPS = BASE_BLKS // NRING


def _sc_body(emb, lbl, part_o, cnt_o, sq_o, acc_sp,
             buf0, buf1, buf2, la0, lb0, la1, lb1, la2, lb2, cnt, cntred,
             sqbuf, zbuf, sin0, sin1, sin2, sl0, sl1, sl2, ssc0, ssc1, ssc2):
    c = lax.axis_index("c")
    s = lax.axis_index("s")
    wid = s * 2 + c

    zf16 = jnp.zeros((16,), jnp.float32)
    zi16 = jnp.zeros((16,), jnp.int32)
    iota16 = lax.broadcasted_iota(jnp.int32, (16,), 0)
    ones16 = jnp.ones((16,), jnp.int32)
    bufs = (buf0, buf1, buf2)
    las = (la0, la1, la2)
    lbs = (lb0, lb1, lb2)
    sins = (sin0, sin1, sin2)
    sls = (sl0, sl1, sl2)
    sscs = (ssc0, ssc1, ssc2)

    start = wid * BASE_BLKS

    def start_in(blkidx, p):
        row0 = blkidx * BLK
        pltpu.async_copy(emb.at[pl.ds(row0, BLK)], bufs[p], sins[p])
        pltpu.async_copy(lbl.at[pl.ds(row0, RB)], las[p], sls[p])
        pltpu.async_copy(lbl.at[pl.ds(row0 + RB, RB)], lbs[p], sls[p])

    for p in range(NRING):
        start_in(start + p, p)

    def zero_cnt(i, _):
        for j in range(16):
            cnt[j, pl.ds(i * 16, 16)] = zi16
        return 0
    lax.fori_loop(0, K // 16, zero_cnt, 0)
    sqbuf[pl.ds(0, 16)] = zf16

    def zero_zbuf(i, _):
        for v in range(8):
            zbuf[i, pl.ds(v * 16, 16)] = zf16
        return 0
    lax.fori_loop(0, 8, zero_zbuf, 0)

    for j in range(8):
        pltpu.sync_copy(zbuf, acc_sp.at[pl.ds(s * (K // 16) + 8 * j, 8)])

    plsc.subcore_barrier()

    def wait_in(p):
        pltpu.make_async_copy(emb.at[pl.ds(0, BLK)], bufs[p], sins[p]).wait()
        pltpu.make_async_copy(lbl.at[pl.ds(0, RB)], las[p], sls[p]).wait()
        pltpu.make_async_copy(lbl.at[pl.ds(0, RB)], lbs[p], sls[p]).wait()

    def start_scat(p):
        da = pltpu.async_copy(bufs[p].at[pl.ds(0, RB)],
                              acc_sp.at[las[p]], sscs[p], add=True)
        db = pltpu.async_copy(bufs[p].at[pl.ds(RB, RB)],
                              acc_sp.at[lbs[p]], sscs[p], add=True)
        return da, db

    def compute(p):
        bf = bufs[p]
        for lb_ref in (las[p], lbs[p]):
            for t in range(8):
                l16 = lb_ref[pl.ds(t * 16, 16)]
                plsc.addupdate_scatter(cnt, [iota16, l16], ones16)

        def srow(r, a):
            for v in range(8):
                x0 = bf[2 * r, pl.ds(v * 16, 16)]
                x1 = bf[2 * r + 1, pl.ds(v * 16, 16)]
                a = a + x0 * x0 + x1 * x1
            return a
        blocksq = lax.fori_loop(0, BLK // 2, srow, jnp.zeros((16,), jnp.float32))
        sqbuf[pl.ds(0, 16)] = sqbuf[pl.ds(0, 16)] + blocksq

    def tri_body(i, _):
        b0 = start + NRING * i
        for p in range(NRING):
            wait_in(p)
            d = start_scat(p)
            compute(p)
            d[0].wait()
            d[1].wait()

            @pl.when(i < TRIPS - 1)
            def _():
                start_in(b0 + p + NRING, p)
        return 0

    lax.fori_loop(0, TRIPS, tri_body, 0)

    @pl.when(wid < 2 * EXTRA)
    def _():
        row0 = NW * BASE_BLKS * BLK + wid * RB
        pltpu.sync_copy(emb.at[pl.ds(row0, RB)], buf0.at[pl.ds(0, RB)])
        pltpu.sync_copy(lbl.at[pl.ds(row0, RB)], la0)
        pltpu.sync_copy(buf0.at[pl.ds(0, RB)], acc_sp.at[la0], add=True)
        for t in range(8):
            l16 = la0[pl.ds(t * 16, 16)]
            plsc.addupdate_scatter(cnt, [iota16, l16], ones16)

        def srow2(r, a):
            for v in range(8):
                x0 = buf0[2 * r, pl.ds(v * 16, 16)]
                x1 = buf0[2 * r + 1, pl.ds(v * 16, 16)]
                a = a + x0 * x0 + x1 * x1
            return a
        tailsq = lax.fori_loop(0, RB // 2, srow2, jnp.zeros((16,), jnp.float32))
        sqbuf[pl.ds(0, 16)] = sqbuf[pl.ds(0, 16)] + tailsq

    def red_cnt(g, _):
        a = cnt[0, pl.ds(g * 16, 16)]
        for j in range(1, 16):
            a = a + cnt[j, pl.ds(g * 16, 16)]
        cntred[pl.ds(g * 16, 16)] = a
        return 0
    lax.fori_loop(0, K // 16, red_cnt, 0)

    pltpu.sync_copy(cntred, cnt_o.at[wid])
    pltpu.sync_copy(sqbuf, sq_o.at[wid])

    plsc.subcore_barrier()

    pltpu.sync_copy(acc_sp.at[pl.ds(s * (K // 16), K // 16)],
                    part_o.at[c, pl.ds(s * (K // 16), K // 16)])


def _epi_body(part_ref, cnt_ref, sq_ref, out_ref):
    S = part_ref[0] + part_ref[1]
    rowsq = jnp.sum(S * S, axis=1)
    tot = jnp.sum(S, axis=0)
    tot2 = jnp.sum(tot * tot)
    counts = jnp.sum(cnt_ref[...], axis=0)
    countsf = counts.astype(jnp.float32)
    present = counts > 0
    k = jnp.sum(present.astype(jnp.int32))
    safe = jnp.where(present, countsf, jnp.float32(1.0))
    T = jnp.sum(rowsq / safe)
    sumsq = jnp.sum(sq_ref[...])
    n = jnp.float32(N)
    bcss = T - tot2 / n
    wcss = sumsq - T
    kf = k.astype(jnp.float32)
    ch = bcss * (n - kf) / ((kf - 1.0) * wcss + jnp.float32(1e-10))
    val = jnp.where((k < 2) | (k == N), jnp.float32(0.0), -ch)
    out_ref[...] = jnp.broadcast_to(val, (1, 1))


def kernel(embeddings, labels):
    labels = labels.reshape(-1)
    mesh = plsc.VectorSubcoreMesh(core_axis_name="c", subcore_axis_name="s")
    part, cnt, sq = pl.kernel(
        _sc_body,
        out_type=(
            jax.ShapeDtypeStruct((2, K, D), jnp.float32),
            jax.ShapeDtypeStruct((NW, K), jnp.int32),
            jax.ShapeDtypeStruct((NW, 16), jnp.float32),
        ),
        mesh=mesh,
        compiler_params=pltpu.CompilerParams(needs_layout_passes=False),
        scratch_types=[
            pltpu.VMEM_SHARED((K, D), jnp.float32),
            pltpu.VMEM((BLK, D), jnp.float32),
            pltpu.VMEM((BLK, D), jnp.float32),
            pltpu.VMEM((BLK, D), jnp.float32),
            pltpu.VMEM((RB,), jnp.int32),
            pltpu.VMEM((RB,), jnp.int32),
            pltpu.VMEM((RB,), jnp.int32),
            pltpu.VMEM((RB,), jnp.int32),
            pltpu.VMEM((RB,), jnp.int32),
            pltpu.VMEM((RB,), jnp.int32),
            pltpu.VMEM((16, K), jnp.int32),
            pltpu.VMEM((K,), jnp.int32),
            pltpu.VMEM((16,), jnp.float32),
            pltpu.VMEM((8, D), jnp.float32),
            pltpu.SemaphoreType.DMA,
            pltpu.SemaphoreType.DMA,
            pltpu.SemaphoreType.DMA,
            pltpu.SemaphoreType.DMA,
            pltpu.SemaphoreType.DMA,
            pltpu.SemaphoreType.DMA,
            pltpu.SemaphoreType.DMA,
            pltpu.SemaphoreType.DMA,
            pltpu.SemaphoreType.DMA,
        ],
    )(embeddings, labels)
    res = pl.pallas_call(
        _epi_body,
        out_shape=jax.ShapeDtypeStruct((1, 1), jnp.float32),
    )(part, cnt, sq)
    return jnp.reshape(res, ())

# --- scband reference (transcript-rebuilt; emitter-appended) ---
"""Pipeline reference for scband-calinski-harabasz-loss-13606456394206 (READ-ONLY COPY).

The authoritative reference and input builder live on the scoring server;
editing this copy changes nothing except your own understanding.
"""

import jax, jax.numpy as jnp
import numpy as np


def setup_inputs(seed: int = 0) -> dict:
    key = jax.random.key(seed)
    k1 = jax.random.fold_in(key, 1)
    k2 = jax.random.fold_in(key, 2)
    embeddings = jax.random.normal(k1, (320000, 128), dtype=jnp.float32)
    labels = jax.random.randint(k2, (320000,), 0, 1024, dtype=jnp.int32)
    return {"embeddings": embeddings, "labels": labels}


def reference(embeddings, labels):
    labels = labels.reshape(-1)
    n = embeddings.shape[0]
    K = 1024
    counts_all = jnp.bincount(labels, minlength=K, length=K)
    present = counts_all > 0
    k = jnp.sum(present).astype(jnp.int32)
    sum_per_cluster = jnp.zeros((K, embeddings.shape[1]), dtype=embeddings.dtype)
    sum_per_cluster = sum_per_cluster.at[labels].add(embeddings)
    counts = counts_all.astype(jnp.float32).reshape(-1, 1)
    safe_counts = jnp.where(counts > 0, counts, jnp.float32(1.0))
    cluster_means = sum_per_cluster / safe_counts
    overall_mean = embeddings.mean(axis=0, keepdims=True)
    diff_b = jnp.where(present.reshape(-1, 1), cluster_means - overall_mean, jnp.float32(0.0))
    bcss = jnp.sum(jnp.sum(diff_b ** 2, axis=1) * counts.squeeze())
    cluster_means_expanded = cluster_means[labels]
    diff_w = embeddings - cluster_means_expanded
    wcss = jnp.sum(jnp.sum(diff_w ** 2, axis=1))
    ch_score = bcss * (n - k) / ((k - 1) * wcss + 1e-10)
    return jnp.where((k < 2) | (k == n), jnp.asarray(0.0, dtype=jnp.float32), -ch_score)

if __name__ == "__main__":
    import jax
    _d = setup_inputs()
    print(jax.jit(kernel)(*tuple(_d.values())))

</pallas_src>

<mosaic_0001>
#map = affine_map<(d0, d1) -> (0, 0)>
#map1 = affine_map<(d0, d1) -> (0)>
#map2 = affine_map<(d0, d1) -> (0, 0, 0)>
module attributes {stable_mosaic.version = 14 : i64} {
  func.func @_sc_body(%arg0: i32, %arg1: i32, %arg2: memref<320000x128xf32, #tpu.memory_space<hbm>>, %arg3: memref<320000xi32, #tpu.memory_space<hbm>>, %arg4: memref<2x1024x128xf32, #tpu.memory_space<hbm>>, %arg5: memref<32x1024xi32, #tpu.memory_space<hbm>>, %arg6: memref<32x16xf32, #tpu.memory_space<hbm>>, %arg7: memref<1024x128xf32, #tpu.memory_space<vmem_shared>>, %arg8: memref<256x128xf32, #tpu.memory_space<vmem>>, %arg9: memref<256x128xf32, #tpu.memory_space<vmem>>, %arg10: memref<256x128xf32, #tpu.memory_space<vmem>>, %arg11: memref<128xi32, #tpu.memory_space<vmem>>, %arg12: memref<128xi32, #tpu.memory_space<vmem>>, %arg13: memref<128xi32, #tpu.memory_space<vmem>>, %arg14: memref<128xi32, #tpu.memory_space<vmem>>, %arg15: memref<128xi32, #tpu.memory_space<vmem>>, %arg16: memref<128xi32, #tpu.memory_space<vmem>>, %arg17: memref<16x1024xi32, #tpu.memory_space<vmem>>, %arg18: memref<1024xi32, #tpu.memory_space<vmem>>, %arg19: memref<16xf32, #tpu.memory_space<vmem>>, %arg20: memref<8x128xf32, #tpu.memory_space<vmem>>, %arg21: memref<!tpu.dma_semaphore, #tpu.memory_space<semaphore_mem>>, %arg22: memref<!tpu.dma_semaphore, #tpu.memory_space<semaphore_mem>>, %arg23: memref<!tpu.dma_semaphore, #tpu.memory_space<semaphore_mem>>, %arg24: memref<!tpu.dma_semaphore, #tpu.memory_space<semaphore_mem>>, %arg25: memref<!tpu.dma_semaphore, #tpu.memory_space<semaphore_mem>>, %arg26: memref<!tpu.dma_semaphore, #tpu.memory_space<semaphore_mem>>, %arg27: memref<!tpu.dma_semaphore, #tpu.memory_space<semaphore_mem>>, %arg28: memref<!tpu.dma_semaphore, #tpu.memory_space<semaphore_mem>>, %arg29: memref<!tpu.dma_semaphore, #tpu.memory_space<semaphore_mem>>) attributes {dimension_semantics = [#tpu.dimension_semantics<core_parallel>, #tpu.dimension_semantics<subcore_parallel>], iteration_bounds = array<i64: 2, 16>, scalar_prefetch = 0 : i64, scratch_operands = 23 : i64, tpu.core_type = #tpu.core_type<sc_vector_subcore>, window_params = [{transform_indices = #map}, {transform_indices = #map1}, {transform_indices = #map2}, {transform_indices = #map}, {transform_indices = #map}]} {
    %mul3A = arith.constant 2 : i32
    %mul3A_0 = arith.muli %arg1, %mul3A : i32
    %add3A = arith.addi %mul3A_0, %arg0 : i32
    %broadcast_in_dim3A = arith.constant 0.000000e+00 : f32
    %broadcast_in_dim3A_1 = vector.broadcast %broadcast_in_dim3A : f32 to vector<16xf32>
    %broadcast_in_dim3A_2 = arith.constant 0 : i32
    %broadcast_in_dim3A_3 = vector.broadcast %broadcast_in_dim3A_2 : i32 to vector<16xi32>
    %iota3A = tpu.iota {dimensions = array<i32: 0>} : vector<16xi32>
    %broadcast_in_dim3A_4 = arith.constant 1 : i32
    %broadcast_in_dim3A_5 = vector.broadcast %broadcast_in_dim3A_4 : i32 to vector<16xi32>
    %mul3A_6 = arith.constant 39 : i32
    %mul3A_7 = arith.muli %add3A, %mul3A_6 : i32
    %add3A_8 = arith.constant 0 : i32
    %add3A_9 = arith.addi %mul3A_7, %add3A_8 : i32
    %mul3A_10 = arith.constant 256 : i32
    %mul3A_11 = arith.muli %add3A_9, %mul3A_10 : i32
    %dma_start3A = arith.constant 0 : i32
    %dma_start3A_12 = tpu.memref_slice %arg2[%mul3A_11, %dma_start3A] : memref<320000x128xf32, #tpu.memory_space<hbm>> -> memref<256x128xf32, #tpu.memory_space<hbm>>
    %dma_start3A_13 = arith.constant 0 : i32
    %dma_start3A_14 = tpu.memref_slice %arg2[%mul3A_11, %dma_start3A_13] : memref<320000x128xf32, #tpu.memory_space<hbm>> -> memref<256x128xf32, #tpu.memory_space<hbm>>
    tpu.enqueue_dma source(%dma_start3A_14 : memref<256x128xf32, #tpu.memory_space<hbm>>) target(%arg8 : memref<256x128xf32, #tpu.memory_space<vmem>>) target_semaphore(%arg21 : memref<!tpu.dma_semaphore, #tpu.memory_space<semaphore_mem>>)
    %dma_start3A_15 = tpu.memref_slice %arg3[%mul3A_11] : memref<320000xi32, #tpu.memory_space<hbm>> -> memref<128xi32, #tpu.memory_space<hbm>>
    %dma_start3A_16 = tpu.memref_slice %arg3[%mul3A_11] : memref<320000xi32, #tpu.memory_space<hbm>> -> memref<128xi32, #tpu.memory_space<hbm>>
    tpu.enqueue_dma source(%dma_start3A_16 : memref<128xi32, #tpu.memory_space<hbm>>) target(%arg11 : memref<128xi32, #tpu.memory_space<vmem>>) target_semaphore(%arg24 : memref<!tpu.dma_semaphore, #tpu.memory_space<semaphore_mem>>)
    %add3A_17 = arith.constant 128 : i32
    %add3A_18 = arith.addi %mul3A_11, %add3A_17 : i32
    %dma_start3A_19 = tpu.memref_slice %arg3[%add3A_18] : memref<320000xi32, #tpu.memory_space<hbm>> -> memref<128xi32, #tpu.memory_space<hbm>>
    %dma_start3A_20 = tpu.memref_slice %arg3[%add3A_18] : memref<320000xi32, #tpu.memory_space<hbm>> -> memref<128xi32, #tpu.memory_space<hbm>>
    tpu.enqueue_dma source(%dma_start3A_20 : memref<128xi32, #tpu.memory_space<hbm>>) target(%arg12 : memref<128xi32, #tpu.memory_space<vmem>>) target_semaphore(%arg24 : memref<!tpu.dma_semaphore, #tpu.memory_space<semaphore_mem>>)
    %add3A_21 = arith.constant 1 : i32
    %add3A_22 = arith.addi %mul3A_7, %add3A_21 : i32
    %mul3A_23 = arith.constant 256 : i32
    %mul3A_24 = arith.muli %add3A_22, %mul3A_23 : i32
    %dma_start3A_25 = arith.constant 0 : i32
    %dma_start3A_26 = tpu.memref_slice %arg2[%mul3A_24, %dma_start3A_25] : memref<320000x128xf32, #tpu.memory_space<hbm>> -> memref<256x128xf32, #tpu.memory_space<hbm>>
    %dma_start3A_27 = arith.constant 0 : i32
    %dma_start3A_28 = tpu.memref_slice %arg2[%mul3A_24, %dma_start3A_27] : memref<320000x128xf32, #tpu.memory_space<hbm>> -> memref<256x128xf32, #tpu.memory_space<hbm>>
    tpu.enqueue_dma source(%dma_start3A_28 : memref<256x128xf32, #tpu.memory_space<hbm>>) target(%arg9 : memref<256x128xf32, #tpu.memory_space<vmem>>) target_semaphore(%arg22 : memref<!tpu.dma_semaphore, #tpu.memory_space<semaphore_mem>>)
    %dma_start3A_29 = tpu.memref_slice %arg3[%mul3A_24] : memref<320000xi32, #tpu.memory_space<hbm>> -> memref<128xi32, #tpu.memory_space<hbm>>
    %dma_start3A_30 = tpu.memref_slice %arg3[%mul3A_24] : memref<320000xi32, #tpu.memory_space<hbm>> -> memref<128xi32, #tpu.memory_space<hbm>>
    tpu.enqueue_dma source(%dma_start3A_30 : memref<128xi32, #tpu.memory_space<hbm>>) target(%arg13 : memref<128xi32, #tpu.memory_space<vmem>>) target_semaphore(%arg25 : memref<!tpu.dma_semaphore, #tpu.memory_space<semaphore_mem>>)
    %add3A_31 = arith.constant 128 : i32
    %add3A_32 = arith.addi %mul3A_24, %add3A_31 : i32
    %dma_start3A_33 = tpu.memref_slice %arg3[%add3A_32] : memref<320000xi32, #tpu.memory_space<hbm>> -> memref<128xi32, #tpu.memory_space<hbm>>
    %dma_start3A_34 = tpu.memref_slice %arg3[%add3A_32] : memref<320000xi32, #tpu.memory_space<hbm>> -> memref<128xi32, #tpu.memory_space<hbm>>
    tpu.enqueue_dma source(%dma_start3A_34 : memref<128xi32, #tpu.memory_space<hbm>>) target(%arg14 : memref<128xi32, #tpu.memory_space<vmem>>) target_semaphore(%arg25 : memref<!tpu.dma_semaphore, #tpu.memory_space<semaphore_mem>>)
    %add3A_35 = arith.constant 2 : i32
    %add3A_36 = arith.addi %mul3A_7, %add3A_35 : i32
    %mul3A_37 = arith.constant 256 : i32
    %mul3A_38 = arith.muli %add3A_36, %mul3A_37 : i32
    %dma_start3A_39 = arith.constant 0 : i32
    %dma_start3A_40 = tpu.memref_slice %arg2[%mul3A_38, %dma_start3A_39] : memref<320000x128xf32, #tpu.memory_space<hbm>> -> memref<256x128xf32, #tpu.memory_space<hbm>>
    %dma_start3A_41 = arith.constant 0 : i32
    %dma_start3A_42 = tpu.memref_slice %arg2[%mul3A_38, %dma_start3A_41] : memref<320000x128xf32, #tpu.memory_space<hbm>> -> memref<256x128xf32, #tpu.memory_space<hbm>>
    tpu.enqueue_dma source(%dma_start3A_42 : memref<256x128xf32, #tpu.memory_space<hbm>>) target(%arg10 : memref<256x128xf32, #tpu.memory_space<vmem>>) target_semaphore(%arg23 : memref<!tpu.dma_semaphore, #tpu.memory_space<semaphore_mem>>)
    %dma_start3A_43 = tpu.memref_slice %arg3[%mul3A_38] : memref<320000xi32, #tpu.memory_space<hbm>> -> memref<128xi32, #tpu.memory_space<hbm>>
    %dma_start3A_44 = tpu.memref_slice %arg3[%mul3A_38] : memref<320000xi32, #tpu.memory_space<hbm>> -> memref<128xi32, #tpu.memory_space<hbm>>
    tpu.enqueue_dma source(%dma_start3A_44 : memref<128xi32, #tpu.memory_space<hbm>>) target(%arg15 : memref<128xi32, #tpu.memory_space<vmem>>) target_semaphore(%arg26 : memref<!tpu.dma_semaphore, #tpu.memory_space<semaphore_mem>>)
    %add3A_45 = arith.constant 128 : i32
    %add3A_46 = arith.addi %mul3A_38, %add3A_45 : i32
    %dma_start3A_47 = tpu.memref_slice %arg3[%add3A_46] : memref<320000xi32, #tpu.memory_space<hbm>> -> memref<128xi32, #tpu.memory_space<hbm>>
    %dma_start3A_48 = tpu.memref_slice %arg3[%add3A_46] : memref<320000xi32, #tpu.memory_space<hbm>> -> memref<128xi32, #tpu.memory_space<hbm>>
    tpu.enqueue_dma source(%dma_start3A_48 : memref<128xi32, #tpu.memory_space<hbm>>) target(%arg16 : memref<128xi32, #tpu.memory_space<vmem>>) target_semaphore(%arg26 : memref<!tpu.dma_semaphore, #tpu.memory_space<semaphore_mem>>)
    %scan3A = arith.constant 0 : i32
    %scan3A_49 = arith.constant 0 : i32
    %scan3A_50 = arith.constant 64 : i32
    %scan3A_51 = arith.addi %scan3A_49, %scan3A_50 : i32
    %scan3A_52 = arith.constant 1 : i32
    %scan3A_53 = scf.for %scan3A_116 = %scan3A_49 to %scan3A_51 step %scan3A_52 iter_args(%scan3A_117 = %scan3A) -> (i32)  : i32 {
      %mul3A_118 = arith.constant 16 : i32
      %mul3A_119 = arith.muli %scan3A_116, %mul3A_118 : i32
      %swap3A_120 = arith.constant 0 : i32
      %swap3A_121 = arith.index_cast %swap3A_120 : i32 to index
      %swap3A_122 = arith.index_cast %mul3A_119 : i32 to index
      %swap3A_123 = tpu.vector_load %arg17[%swap3A_121, %swap3A_122] {strides = array<i32>} : memref<16x1024xi32, #tpu.memory_space<vmem>>, vector<16xi32>,
      tpu.vector_store %arg17[%swap3A_121, %swap3A_122], %broadcast_in_dim3A_3 {strides = array<i32>} : memref<16x1024xi32, #tpu.memory_space<vmem>>, vector<16xi32>,
      %mul3A_124 = arith.constant 16 : i32
      %mul3A_125 = arith.muli %scan3A_116, %mul3A_124 : i32
      %swap3A_126 = arith.constant 1 : i32
      %swap3A_127 = arith.index_cast %swap3A_126 : i32 to index
      %swap3A_128 = arith.index_cast %mul3A_125 : i32 to index
      %swap3A_129 = tpu.vector_load %arg17[%swap3A_127, %swap3A_128] {strides = array<i32>} : memref<16x1024xi32, #tpu.memory_space<vmem>>, vector<16xi32>,
      tpu.vector_store %arg17[%swap3A_127, %swap3A_128], %broadcast_in_dim3A_3 {strides = array<i32>} : memref<16x1024xi32, #tpu.memory_space<vmem>>, vector<16xi32>,
      %mul3A_130 = arith.constant 16 : i32
      %mul3A_131 = arith.muli %scan3A_116, %mul3A_130 : i32
      %swap3A_132 = arith.constant 2 : i32
      %swap3A_133 = arith.index_cast %swap3A_132 : i32 to index
      %swap3A_134 = arith.index_cast %mul3A_131 : i32 to index
      %swap3A_135 = tpu.vector_load %arg17[%swap3A_133, %swap3A_134] {strides = array<i32>} : memref<16x1024xi32, #tpu.memory_space<vmem>>, vector<16xi32>,
      tpu.vector_store %arg17[%swap3A_133, %swap3A_134], %broadcast_in_dim3A_3 {strides = array<i32>} : memref<16x1024xi32, #tpu.memory_space<vmem>>, vector<16xi32>,
      %mul3A_136 = arith.constant 16 : i32
      %mul3A_137 = arith.muli %scan3A_116, %mul3A_136 : i32
      %swap3A_138 = arith.constant 3 : i32
      %swap3A_139 = arith.index_cast %swap3A_138 : i32 to index
      %swap3A_140 = arith.index_cast %mul3A_137 : i32 to index
      %swap3A_141 = tpu.vector_load %arg17[%swap3A_139, %swap3A_140] {strides = array<i32>} : memref<16x1024xi32, #tpu.memory_space<vmem>>, vector<16xi32>,
      tpu.vector_store %arg17[%swap3A_139, %swap3A_140], %broadcast_in_dim3A_3 {strides = array<i32>} : memref<16x1024xi32, #tpu.memory_space<vmem>>, vector<16xi32>,
      %mul3A_142 = arith.constant 16 : i32
      %mul3A_143 = arith.muli %scan3A_116, %mul3A_142 : i32
      %swap3A_144 = arith.constant 4 : i32
      %swap3A_145 = arith.index_cast %swap3A_144 : i32 to index
      %swap3A_146 = arith.index_cast %mul3A_143 : i32 to index
      %swap3A_147 = tpu.vector_load %arg17[%swap3A_145, %swap3A_146] {strides = array<i32>} : memref<16x1024xi32, #tpu.memory_space<vmem>>, vector<16xi32>,
      tpu.vector_store %arg17[%swap3A_145, %swap3A_146], %broadcast_in_dim3A_3 {strides = array<i32>} : memref<16x1024xi32, #tpu.memory_space<vmem>>, vector<16xi32>,
      %mul3A_148 = arith.constant 16 : i32
      %mul3A_149 = arith.muli %scan3A_116, %mul3A_148 : i32
      %swap3A_150 = arith.constant 5 : i32
      %swap3A_151 = arith.index_cast %swap3A_150 : i32 to index
      %swap3A_152 = arith.index_cast %mul3A_149 : i32 to index
      %swap3A_153 = tpu.vector_load %arg17[%swap3A_151, %swap3A_152] {strides = array<i32>} : memref<16x1024xi32, #tpu.memory_space<vmem>>, vector<16xi32>,
      tpu.vector_store %arg17[%swap3A_151, %swap3A_152], %broadcast_in_dim3A_3 {strides = array<i32>} : memref<16x1024xi32, #tpu.memory_space<vmem>>, vector<16xi32>,
      %mul3A_154 = arith.constant 16 : i32
      %mul3A_155 = arith.muli %scan3A_116, %mul3A_154 : i32
      %swap3A_156 = arith.constant 6 : i32
      %swap3A_157 = arith.index_cast %swap3A_156 : i32 to index
      %swap3A_158 = arith.index_cast %mul3A_155 : i32 to index
      %swap3A_159 = tpu.vector_load %arg17[%swap3A_157, %swap3A_158] {strides = array<i32>} : memref<16x1024xi32, #tpu.memory_space<vmem>>, vector<16xi32>,
      tpu.vector_store %arg17[%swap3A_157, %swap3A_158], %broadcast_in_dim3A_3 {strides = array<i32>} : memref<16x1024xi32, #tpu.memory_space<vmem>>, vector<16xi32>,
      %mul3A_160 = arith.constant 16 : i32
      %mul3A_161 = arith.muli %scan3A_116, %mul3A_160 : i32
      %swap3A_162 = arith.constant 7 : i32
      %swap3A_163 = arith.index_cast %swap3A_162 : i32 to index
      %swap3A_164 = arith.index_cast %mul3A_161 : i32 to index
      %swap3A_165 = tpu.vector_load %arg17[%swap3A_163, %swap3A_164] {strides = array<i32>} : memref<16x1024xi32, #tpu.memory_space<vmem>>, vector<16xi32>,
      tpu.vector_store %arg17[%swap3A_163, %swap3A_164], %broadcast_in_dim3A_3 {strides = array<i32>} : memref<16x1024xi32, #tpu.memory_space<vmem>>, vector<16xi32>,
      %mul3A_166 = arith.constant 16 : i32
      %mul3A_167 = arith.muli %scan3A_116, %mul3A_166 : i32
      %swap3A_168 = arith.constant 8 : i32
      %swap3A_169 = arith.index_cast %swap3A_168 : i32 to index
      %swap3A_170 = arith.index_cast %mul3A_167 : i32 to index
      %swap3A_171 = tpu.vector_load %arg17[%swap3A_169, %swap3A_170] {strides = array<i32>} : memref<16x1024xi32, #tpu.memory_space<vmem>>, vector<16xi32>,
      tpu.vector_store %arg17[%swap3A_169, %swap3A_170], %broadcast_in_dim3A_3 {strides = array<i32>} : memref<16x1024xi32, #tpu.memory_space<vmem>>, vector<16xi32>,
      %mul3A_172 = arith.constant 16 : i32
      %mul3A_173 = arith.muli %scan3A_116, %mul3A_172 : i32
      %swap3A_174 = arith.constant 9 : i32
      %swap3A_175 = arith.index_cast %swap3A_174 : i32 to index
      %swap3A_176 = arith.index_cast %mul3A_173 : i32 to index
      %swap3A_177 = tpu.vector_load %arg17[%swap3A_175, %swap3A_176] {strides = array<i32>} : memref<16x1024xi32, #tpu.memory_space<vmem>>, vector<16xi32>,
      tpu.vector_store %arg17[%swap3A_175, %swap3A_176], %broadcast_in_dim3A_3 {strides = array<i32>} : memref<16x1024xi32, #tpu.memory_space<vmem>>, vector<16xi32>,
      %mul3A_178 = arith.constant 16 : i32
      %mul3A_179 = arith.muli %scan3A_116, %mul3A_178 : i32
      %swap3A_180 = arith.constant 10 : i32
      %swap3A_181 = arith.index_cast %swap3A_180 : i32 to index
      %swap3A_182 = arith.index_cast %mul3A_179 : i32 to index
      %swap3A_183 = tpu.vector_load %arg17[%swap3A_181, %swap3A_182] {strides = array<i32>} : memref<16x1024xi32, #tpu.memory_space<vmem>>, vector<16xi32>,
      tpu.vector_store %arg17[%swap3A_181, %swap3A_182], %broadcast_in_dim3A_3 {strides = array<i32>} : memref<16x1024xi32, #tpu.memory_space<vmem>>, vector<16xi32>,
      %mul3A_184 = arith.constant 16 : i32
      %mul3A_185 = arith.muli %scan3A_116, %mul3A_184 : i32
      %swap3A_186 = arith.constant 11 : i32
      %swap3A_187 = arith.index_cast %swap3A_186 : i32 to index
      %swap3A_188 = arith.index_cast %mul3A_185 : i32 to index
      %swap3A_189 = tpu.vector_load %arg17[%swap3A_187, %swap3A_188] {strides = array<i32>} : memref<16x1024xi32, #tpu.memory_space<vmem>>, vector<16xi32>,
      tpu.vector_store %arg17[%swap3A_187, %swap3A_188], %broadcast_in_dim3A_3 {strides = array<i32>} : memref<16x1024xi32, #tpu.memory_space<vmem>>, vector<16xi32>,
      %mul3A_190 = arith.constant 16 : i32
      %mul3A_191 = arith.muli %scan3A_116, %mul3A_190 : i32
      %swap3A_192 = arith.constant 12 : i32
      %swap3A_193 = arith.index_cast %swap3A_192 : i32 to index
      %swap3A_194 = arith.index_cast %mul3A_191 : i32 to index
      %swap3A_195 = tpu.vector_load %arg17[%swap3A_193, %swap3A_194] {strides = array<i32>} : memref<16x1024xi32, #tpu.memory_space<vmem>>, vector<16xi32>,
      tpu.vector_store %arg17[%swap3A_193, %swap3A_194], %broadcast_in_dim3A_3 {strides = array<i32>} : memref<16x1024xi32, #tpu.memory_space<vmem>>, vector<16xi32>,
      %mul3A_196 = arith.constant 16 : i32
      %mul3A_197 = arith.muli %scan3A_116, %mul3A_196 : i32
      %swap3A_198 = arith.constant 13 : i32
      %swap3A_199 = arith.index_cast %swap3A_198 : i32 to index
      %swap3A_200 = arith.index_cast %mul3A_197 : i32 to index
      %swap3A_201 = tpu.vector_load %arg17[%swap3A_199, %swap3A_200] {strides = array<i32>} : memref<16x1024xi32, #tpu.memory_space<vmem>>, vector<16xi32>,
      tpu.vector_store %arg17[%swap3A_199, %swap3A_200], %broadcast_in_dim3A_3 {strides = array<i32>} : memref<16x1024xi32, #tpu.memory_space<vmem>>, vector<16xi32>,
      %mul3A_202 = arith.constant 16 : i32
      %mul3A_203 = arith.muli %scan3A_116, %mul3A_202 : i32
      %swap3A_204 = arith.constant 14 : i32
      %swap3A_205 = arith.index_cast %swap3A_204 : i32 to index
      %swap3A_206 = arith.index_cast %mul3A_203 : i32 to index
      %swap3A_207 = tpu.vector_load %arg17[%swap3A_205, %swap3A_206] {strides = array<i32>} : memref<16x1024xi32, #tpu.memory_space<vmem>>, vector<16xi32>,
      tpu.vector_store %arg17[%swap3A_205, %swap3A_206], %broadcast_in_dim3A_3 {strides = array<i32>} : memref<16x1024xi32, #tpu.memory_space<vmem>>, vector<16xi32>,
      %mul3A_208 = arith.constant 16 : i32
      %mul3A_209 = arith.muli %scan3A_116, %mul3A_208 : i32
      %swap3A_210 = arith.constant 15 : i32
      %swap3A_211 = arith.index_cast %swap3A_210 : i32 to index
      %swap3A_212 = arith.index_cast %mul3A_209 : i32 to index
      %swap3A_213 = tpu.vector_load %arg17[%swap3A_211, %swap3A_212] {strides = array<i32>} : memref<16x1024xi32, #tpu.memory_space<vmem>>, vector<16xi32>,
      tpu.vector_store %arg17[%swap3A_211, %swap3A_212], %broadcast_in_dim3A_3 {strides = array<i32>} : memref<16x1024xi32, #tpu.memory_space<vmem>>, vector<16xi32>,
      %scan3A_214 = arith.constant 0 : i32
      scf.yield %scan3A_214 : i32
    }
    %scan3A_54 = arith.constant 64 : i32
    %swap3A = arith.constant 0 : index
    %swap3A_55 = tpu.vector_load %arg19[%swap3A] {strides = array<i32>} : memref<16xf32, #tpu.memory_space<vmem>>, vector<16xf32>,
    tpu.vector_store %arg19[%swap3A], %broadcast_in_dim3A_1 {strides = array<i32>} : memref<16xf32, #tpu.memory_space<vmem>>, vector<16xf32>,
    %scan3A_56 = arith.constant 0 : i32
    %scan3A_57 = arith.constant 0 : i32
    %scan3A_58 = arith.constant 8 : i32
    %scan3A_59 = arith.addi %scan3A_57, %scan3A_58 : i32
    %scan3A_60 = arith.constant 1 : i32
    %scan3A_61 = scf.for %scan3A_116 = %scan3A_57 to %scan3A_59 step %scan3A_60 iter_args(%scan3A_117 = %scan3A_56) -> (i32)  : i32 {
      %swap3A_118 = arith.index_cast %scan3A_116 : i32 to index
      %swap3A_119 = arith.constant 0 : index
      %swap3A_120 = tpu.vector_load %arg20[%swap3A_118, %swap3A_119] {strides = array<i32>} : memref<8x128xf32, #tpu.memory_space<vmem>>, vector<16xf32>,
      tpu.vector_store %arg20[%swap3A_118, %swap3A_119], %broadcast_in_dim3A_1 {strides = array<i32>} : memref<8x128xf32, #tpu.memory_space<vmem>>, vector<16xf32>,
      %swap3A_121 = arith.index_cast %scan3A_116 : i32 to index
      %swap3A_122 = arith.constant 16 : index
      %swap3A_123 = tpu.vector_load %arg20[%swap3A_121, %swap3A_122] {strides = array<i32>} : memref<8x128xf32, #tpu.memory_space<vmem>>, vector<16xf32>,
      tpu.vector_store %arg20[%swap3A_121, %swap3A_122], %broadcast_in_dim3A_1 {strides = array<i32>} : memref<8x128xf32, #tpu.memory_space<vmem>>, vector<16xf32>,
      %swap3A_124 = arith.index_cast %scan3A_116 : i32 to index
      %swap3A_125 = arith.constant 32 : index
      %swap3A_126 = tpu.vector_load %arg20[%swap3A_124, %swap3A_125] {strides = array<i32>} : memref<8x128xf32, #tpu.memory_space<vmem>>, vector<16xf32>,
      tpu.vector_store %arg20[%swap3A_124, %swap3A_125], %broadcast_in_dim3A_1 {strides = array<i32>} : memref<8x128xf32, #tpu.memory_space<vmem>>, vector<16xf32>,
      %swap3A_127 = arith.index_cast %scan3A_116 : i32 to index
      %swap3A_128 = arith.constant 48 : index
      %swap3A_129 = tpu.vector_load %arg20[%swap3A_127, %swap3A_128] {strides = array<i32>} : memref<8x128xf32, #tpu.memory_space<vmem>>, vector<16xf32>,
      tpu.vector_store %arg20[%swap3A_127, %swap3A_128], %broadcast_in_dim3A_1 {strides = array<i32>} : memref<8x128xf32, #tpu.memory_space<vmem>>, vector<16xf32>,
      %swap3A_130 = arith.index_cast %scan3A_116 : i32 to index
      %swap3A_131 = arith.constant 64 : index
      %swap3A_132 = tpu.vector_load %arg20[%swap3A_130, %swap3A_131] {strides = array<i32>} : memref<8x128xf32, #tpu.memory_space<vmem>>, vector<16xf32>,
      tpu.vector_store %arg20[%swap3A_130, %swap3A_131], %broadcast_in_dim3A_1 {strides = array<i32>} : memref<8x128xf32, #tpu.memory_space<vmem>>, vector<16xf32>,
      %swap3A_133 = arith.index_cast %scan3A_116 : i32 to index
      %swap3A_134 = arith.constant 80 : index
      %swap3A_135 = tpu.vector_load %arg20[%swap3A_133, %swap3A_134] {strides = array<i32>} : memref<8x128xf32, #tpu.memory_space<vmem>>, vector<16xf32>,
      tpu.vector_store %arg20[%swap3A_133, %swap3A_134], %broadcast_in_dim3A_1 {strides = array<i32>} : memref<8x128xf32, #tpu.memory_space<vmem>>, vector<16xf32>,
      %swap3A_136 = arith.index_cast %scan3A_116 : i32 to index
      %swap3A_137 = arith.constant 96 : index
      %swap3A_138 = tpu.vector_load %arg20[%swap3A_136, %swap3A_137] {strides = array<i32>} : memref<8x128xf32, #tpu.memory_space<vmem>>, vector<16xf32>,
      tpu.vector_store %arg20[%swap3A_136, %swap3A_137], %broadcast_in_dim3A_1 {strides = array<i32>} : memref<8x128xf32, #tpu.memory_space<vmem>>, vector<16xf32>,
      %swap3A_139 = arith.index_cast %scan3A_116 : i32 to index
      %swap3A_140 = arith.constant 112 : index
      %swap3A_141 = tpu.vector_load %arg20[%swap3A_139, %swap3A_140] {strides = array<i32>} : memref<8x128xf32, #tpu.memory_space<vmem>>, vector<16xf32>,
      tpu.vector_store %arg20[%swap3A_139, %swap3A_140], %broadcast_in_dim3A_1 {strides = array<i32>} : memref<8x128xf32, #tpu.memory_space<vmem>>, vector<16xf32>,
      %scan3A_142 = arith.constant 0 : i32
      scf.yield %scan3A_142 : i32
    }
    %scan3A_62 = arith.constant 8 : i32
    %mul3A_63 = arith.constant 64 : i32
    %mul3A_64 = arith.muli %arg1, %mul3A_63 : i32
    %add3A_65 = arith.constant 0 : i32
    %add3A_66 = arith.addi %mul3A_64, %add3A_65 : i32
    "tpu.region"() ({
      %run_scoped3A = tpu.sem_alloc : memref<!tpu.dma_semaphore, #tpu.memory_space<semaphore_mem>>
      %dma_start3A_116 = arith.constant 0 : i32
      %dma_start3A_117 = tpu.memref_slice %arg7[%add3A_66, %dma_start3A_116] : memref<1024x128xf32, #tpu.memory_space<vmem_shared>> -> memref<8x128xf32, #tpu.memory_space<vmem_shared>>
      %dma_start3A_118 = arith.constant 0 : i32
      %dma_start3A_119 = tpu.memref_slice %arg7[%add3A_66, %dma_start3A_118] : memref<1024x128xf32, #tpu.memory_space<vmem_shared>> -> memref<8x128xf32, #tpu.memory_space<vmem_shared>>
      tpu.enqueue_dma source(%arg20 : memref<8x128xf32, #tpu.memory_space<vmem>>) target(%dma_start3A_119 : memref<8x128xf32, #tpu.memory_space<vmem_shared>>) target_semaphore(%run_scoped3A : memref<!tpu.dma_semaphore, #tpu.memory_space<semaphore_mem>>)
      %dma_wait3A = arith.constant 0 : i32
      %dma_wait3A_120 = tpu.memref_slice %arg7[%add3A_66, %dma_wait3A] : memref<1024x128xf32, #tpu.memory_space<vmem_shared>> -> memref<8x128xf32, #tpu.memory_space<vmem_shared>>
      %dma_wait3A_121 = arith.constant 0 : i32
      %dma_wait3A_122 = tpu.memref_slice %arg7[%add3A_66, %dma_wait3A_121] : memref<1024x128xf32, #tpu.memory_space<vmem_shared>> -> memref<8x128xf32, #tpu.memory_space<vmem_shared>>
      tpu.wait_dma2 semaphore(%run_scoped3A : memref<!tpu.dma_semaphore, #tpu.memory_space<semaphore_mem>>) src(%arg20 : memref<8x128xf32, #tpu.memory_space<vmem>>) dst(%dma_wait3A_122 : memref<8x128xf32, #tpu.memory_space<vmem_shared>>)
      tpu.yield
    }) : () -> ()
    %mul3A_67 = arith.constant 64 : i32
    %mul3A_68 = arith.muli %arg1, %mul3A_67 : i32
    %add3A_69 = arith.constant 8 : i32
    %add3A_70 = arith.addi %mul3A_68, %add3A_69 : i32
    "tpu.region"() ({
      %run_scoped3A = tpu.sem_alloc : memref<!tpu.dma_semaphore, #tpu.memory_space<semaphore_mem>>
      %dma_start3A_116 = arith.constant 0 : i32
      %dma_start3A_117 = tpu.memref_slice %arg7[%add3A_70, %dma_start3A_116] : memref<1024x128xf32, #tpu.memory_space<vmem_shared>> -> memref<8x128xf32, #tpu.memory_space<vmem_shared>>
      %dma_start3A_118 = arith.constant 0 : i32
      %dma_start3A_119 = tpu.memref_slice %arg7[%add3A_70, %dma_start3A_118] : memref<1024x128xf32, #tpu.memory_space<vmem_shared>> -> memref<8x128xf32, #tpu.memory_space<vmem_shared>>
      tpu.enqueue_dma source(%arg20 : memref<8x128xf32, #tpu.memory_space<vmem>>) target(%dma_start3A_119 : memref<8x128xf32, #tpu.memory_space<vmem_shared>>) target_semaphore(%run_scoped3A : memref<!tpu.dma_semaphore, #tpu.memory_space<semaphore_mem>>)
      %dma_wait3A = arith.constant 0 : i32
      %dma_wait3A_120 = tpu.memref_slice %arg7[%add3A_70, %dma_wait3A] : memref<1024x128xf32, #tpu.memory_space<vmem_shared>> -> memref<8x128xf32, #tpu.memory_space<vmem_shared>>
      %dma_wait3A_121 = arith.constant 0 : i32
      %dma_wait3A_122 = tpu.memref_slice %arg7[%add3A_70, %dma_wait3A_121] : memref<1024x128xf32, #tpu.memory_space<vmem_shared>> -> memref<8x128xf32, #tpu.memory_space<vmem_shared>>
      tpu.wait_dma2 semaphore(%run_scoped3A : memref<!tpu.dma_semaphore, #tpu.memory_space<semaphore_mem>>) src(%arg20 : memref<8x128xf32, #tpu.memory_space<vmem>>) dst(%dma_wait3A_122 : memref<8x128xf32, #tpu.memory_space<vmem_shared>>)
      tpu.yield
    }) : () -> ()
    %mul3A_71 = arith.constant 64 : i32
    %mul3A_72 = arith.muli %arg1, %mul3A_71 : i32
    %add3A_73 = arith.constant 16 : i32
    %add3A_74 = arith.addi %mul3A_72, %add3A_73 : i32
    "tpu.region"() ({
      %run_scoped3A = tpu.sem_alloc : memref<!tpu.dma_semaphore, #tpu.memory_space<semaphore_mem>>
      %dma_start3A_116 = arith.constant 0 : i32
      %dma_start3A_117 = tpu.memref_slice %arg7[%add3A_74, %dma_start3A_116] : memref<1024x128xf32, #tpu.memory_space<vmem_shared>> -> memref<8x128xf32, #tpu.memory_space<vmem_shared>>
      %dma_start3A_118 = arith.constant 0 : i32
      %dma_start3A_119 = tpu.memref_slice %arg7[%add3A_74, %dma_start3A_118] : memref<1024x128xf32, #tpu.memory_space<vmem_shared>> -> memref<8x128xf32, #tpu.memory_space<vmem_shared>>
      tpu.enqueue_dma source(%arg20 : memref<8x128xf32, #tpu.memory_space<vmem>>) target(%dma_start3A_119 : memref<8x128xf32, #tpu.memory_space<vmem_shared>>) target_semaphore(%run_scoped3A : memref<!tpu.dma_semaphore, #tpu.memory_space<semaphore_mem>>)
      %dma_wait3A = arith.constant 0 : i32
      %dma_wait3A_120 = tpu.memref_slice %arg7[%add3A_74, %dma_wait3A] : memref<1024x128xf32, #tpu.memory_space<vmem_shared>> -> memref<8x128xf32, #tpu.memory_space<vmem_shared>>
      %dma_wait3A_121 = arith.constant 0 : i32
      %dma_wait3A_122 = tpu.memref_slice %arg7[%add3A_74, %dma_wait3A_121] : memref<1024x128xf32, #tpu.memory_space<vmem_shared>> -> memref<8x128xf32, #tpu.memory_space<vmem_shared>>
      tpu.wait_dma2 semaphore(%run_scoped3A : memref<!tpu.dma_semaphore, #tpu.memory_space<semaphore_mem>>) src(%arg20 : memref<8x128xf32, #tpu.memory_space<vmem>>) dst(%dma_wait3A_122 : memref<8x128xf32, #tpu.memory_space<vmem_shared>>)
      tpu.yield
    }) : () -> ()
    %mul3A_75 = arith.constant 64 : i32
    %mul3A_76 = arith.muli %arg1, %mul3A_75 : i32
    %add3A_77 = arith.constant 24 : i32
    %add3A_78 = arith.addi %mul3A_76, %add3A_77 : i32
    "tpu.region"() ({
      %run_scoped3A = tpu.sem_alloc : memref<!tpu.dma_semaphore, #tpu.memory_space<semaphore_mem>>
      %dma_start3A_116 = arith.constant 0 : i32
      %dma_start3A_117 = tpu.memref_slice %arg7[%add3A_78, %dma_start3A_116] : memref<1024x128xf32, #tpu.memory_space<vmem_shared>> -> memref<8x128xf32, #tpu.memory_space<vmem_shared>>
      %dma_start3A_118 = arith.constant 0 : i32
      %dma_start3A_119 = tpu.memref_slice %arg7[%add3A_78, %dma_start3A_118] : memref<1024x128xf32, #tpu.memory_space<vmem_shared>> -> memref<8x128xf32, #tpu.memory_space<vmem_shared>>
      tpu.enqueue_dma source(%arg20 : memref<8x128xf32, #tpu.memory_space<vmem>>) target(%dma_start3A_119 : memref<8x128xf32, #tpu.memory_space<vmem_shared>>) target_semaphore(%run_scoped3A : memref<!tpu.dma_semaphore, #tpu.memory_space<semaphore_mem>>)
      %dma_wait3A = arith.constant 0 : i32
      %dma_wait3A_120 = tpu.memref_slice %arg7[%add3A_78, %dma_wait3A] : memref<1024x128xf32, #tpu.memory_space<vmem_shared>> -> memref<8x128xf32, #tpu.memory_space<vmem_shared>>
      %dma_wait3A_121 = arith.constant 0 : i32
      %dma_wait3A_122 = tpu.memref_slice %arg7[%add3A_78, %dma_wait3A_121] : memref<1024x128xf32, #tpu.memory_space<vmem_shared>> -> memref<8x128xf32, #tpu.memory_space<vmem_shared>>
      tpu.wait_dma2 semaphore(%run_scoped3A : memref<!tpu.dma_semaphore, #tpu.memory_space<semaphore_mem>>) src(%arg20 : memref<8x128xf32, #tpu.memory_space<vmem>>) dst(%dma_wait3A_122 : memref<8x128xf32, #tpu.memory_space<vmem_shared>>)
      tpu.yield
    }) : () -> ()
    %mul3A_79 = arith.constant 64 : i32
    %mul3A_80 = arith.muli %arg1, %mul3A_79 : i32
    %add3A_81 = arith.constant 32 : i32
    %add3A_82 = arith.addi %mul3A_80, %add3A_81 : i32
    "tpu.region"() ({
      %run_scoped3A = tpu.sem_alloc : memref<!tpu.dma_semaphore, #tpu.memory_space<semaphore_mem>>
      %dma_start3A_116 = arith.constant 0 : i32
      %dma_start3A_117 = tpu.memref_slice %arg7[%add3A_82, %dma_start3A_116] : memref<1024x128xf32, #tpu.memory_space<vmem_shared>> -> memref<8x128xf32, #tpu.memory_space<vmem_shared>>
      %dma_start3A_118 = arith.constant 0 : i32
      %dma_start3A_119 = tpu.memref_slice %arg7[%add3A_82, %dma_start3A_118] : memref<1024x128xf32, #tpu.memory_space<vmem_shared>> -> memref<8x128xf32, #tpu.memory_space<vmem_shared>>
      tpu.enqueue_dma source(%arg20 : memref<8x128xf32, #tpu.memory_space<vmem>>) target(%dma_start3A_119 : memref<8x128xf32, #tpu.memory_space<vmem_shared>>) target_semaphore(%run_scoped3A : memref<!tpu.dma_semaphore, #tpu.memory_space<semaphore_mem>>)
      %dma_wait3A = arith.constant 0 : i32
      %dma_wait3A_120 = tpu.memref_slice %arg7[%add3A_82, %dma_wait3A] : memref<1024x128xf32, #tpu.memory_space<vmem_shared>> -> memref<8x128xf32, #tpu.memory_space<vmem_shared>>
      %dma_wait3A_121 = arith.constant 0 : i32
      %dma_wait3A_122 = tpu.memref_slice %arg7[%add3A_82, %dma_wait3A_121] : memref<1024x128xf32, #tpu.memory_space<vmem_shared>> -> memref<8x128xf32, #tpu.memory_space<vmem_shared>>
      tpu.wait_dma2 semaphore(%run_scoped3A : memref<!tpu.dma_semaphore, #tpu.memory_space<semaphore_mem>>) src(%arg20 : memref<8x128xf32, #tpu.memory_space<vmem>>) dst(%dma_wait3A_122 : memref<8x128xf32, #tpu.memory_space<vmem_shared>>)
      tpu.yield
    }) : () -> ()
    %mul3A_83 = arith.constant 64 : i32
    %mul3A_84 = arith.muli %arg1, %mul3A_83 : i32
    %add3A_85 = arith.constant 40 : i32
    %add3A_86 = arith.addi %mul3A_84, %add3A_85 : i32
    "tpu.region"() ({
      %run_scoped3A = tpu.sem_alloc : memref<!tpu.dma_semaphore, #tpu.memory_space<semaphore_mem>>
      %dma_start3A_116 = arith.constant 0 : i32
      %dma_start3A_117 = tpu.memref_slice %arg7[%add3A_86, %dma_start3A_116] : memref<1024x128xf32, #tpu.memory_space<vmem_shared>> -> memref<8x128xf32, #tpu.memory_space<vmem_shared>>
      %dma_start3A_118 = arith.constant 0 : i32
      %dma_start3A_119 = tpu.memref_slice %arg7[%add3A_86, %dma_start3A_118] : memref<1024x128xf32, #tpu.memory_space<vmem_shared>> -> memref<8x128xf32, #tpu.memory_space<vmem_shared>>
      tpu.enqueue_dma source(%arg20 : memref<8x128xf32, #tpu.memory_space<vmem>>) target(%dma_start3A_119 : memref<8x128xf32, #tpu.memory_space<vmem_shared>>) target_semaphore(%run_scoped3A : memref<!tpu.dma_semaphore, #tpu.memory_space<semaphore_mem>>)
      %dma_wait3A = arith.constant 0 : i32
      %dma_wait3A_120 = tpu.memref_slice %arg7[%add3A_86, %dma_wait3A] : memref<1024x128xf32, #tpu.memory_space<vmem_shared>> -> memref<8x128xf32, #tpu.memory_space<vmem_shared>>
      %dma_wait3A_121 = arith.constant 0 : i32
      %dma_wait3A_122 = tpu.memref_slice %arg7[%add3A_86, %dma_wait3A_121] : memref<1024x128xf32, #tpu.memory_space<vmem_shared>> -> memref<8x128xf32, #tpu.memory_space<vmem_shared>>
      tpu.wait_dma2 semaphore(%run_scoped3A : memref<!tpu.dma_semaphore, #tpu.memory_space<semaphore_mem>>) src(%arg20 : memref<8x128xf32, #tpu.memory_space<vmem>>) dst(%dma_wait3A_122 : memref<8x128xf32, #tpu.memory_space<vmem_shared>>)
      tpu.yield
    }) : () -> ()
    %mul3A_87 = arith.constant 64 : i32
    %mul3A_88 = arith.muli %arg1, %mul3A_87 : i32
    %add3A_89 = arith.constant 48 : i32
    %add3A_90 = arith.addi %mul3A_88, %add3A_89 : i32
    "tpu.region"() ({
      %run_scoped3A = tpu.sem_alloc : memref<!tpu.dma_semaphore, #tpu.memory_space<semaphore_mem>>
      %dma_start3A_116 = arith.constant 0 : i32
      %dma_start3A_117 = tpu.memref_slice %arg7[%add3A_90, %dma_start3A_116] : memref<1024x128xf32, #tpu.memory_space<vmem_shared>> -> memref<8x128xf32, #tpu.memory_space<vmem_shared>>
      %dma_start3A_118 = arith.constant 0 : i32
      %dma_start3A_119 = tpu.memref_slice %arg7[%add3A_90, %dma_start3A_118] : memref<1024x128xf32, #tpu.memory_space<vmem_shared>> -> memref<8x128xf32, #tpu.memory_space<vmem_shared>>
      tpu.enqueue_dma source(%arg20 : memref<8x128xf32, #tpu.memory_space<vmem>>) target(%dma_start3A_119 : memref<8x128xf32, #tpu.memory_space<vmem_shared>>) target_semaphore(%run_scoped3A : memref<!tpu.dma_semaphore, #tpu.memory_space<semaphore_mem>>)
      %dma_wait3A = arith.constant 0 : i32
      %dma_wait3A_120 = tpu.memref_slice %arg7[%add3A_90, %dma_wait3A] : memref<1024x128xf32, #tpu.memory_space<vmem_shared>> -> memref<8x128xf32, #tpu.memory_space<vmem_shared>>
      %dma_wait3A_121 = arith.constant 0 : i32
      %dma_wait3A_122 = tpu.memref_slice %arg7[%add3A_90, %dma_wait3A_121] : memref<1024x128xf32, #tpu.memory_space<vmem_shared>> -> memref<8x128xf32, #tpu.memory_space<vmem_shared>>
      tpu.wait_dma2 semaphore(%run_scoped3A : memref<!tpu.dma_semaphore, #tpu.memory_space<semaphore_mem>>) src(%arg20 : memref<8x128xf32, #tpu.memory_space<vmem>>) dst(%dma_wait3A_122 : memref<8x128xf32, #tpu.memory_space<vmem_shared>>)
      tpu.yield
    }) : () -> ()
    %mul3A_91 = arith.constant 64 : i32
    %mul3A_92 = arith.muli %arg1, %mul3A_91 : i32
    %add3A_93 = arith.constant 56 : i32
    %add3A_94 = arith.addi %mul3A_92, %add3A_93 : i32
    "tpu.region"() ({
      %run_scoped3A = tpu.sem_alloc : memref<!tpu.dma_semaphore, #tpu.memory_space<semaphore_mem>>
      %dma_start3A_116 = arith.constant 0 : i32
      %dma_start3A_117 = tpu.memref_slice %arg7[%add3A_94, %dma_start3A_116] : memref<1024x128xf32, #tpu.memory_space<vmem_shared>> -> memref<8x128xf32, #tpu.memory_space<vmem_shared>>
      %dma_start3A_118 = arith.constant 0 : i32
      %dma_start3A_119 = tpu.memref_slice %arg7[%add3A_94, %dma_start3A_118] : memref<1024x128xf32, #tpu.memory_space<vmem_shared>> -> memref<8x128xf32, #tpu.memory_space<vmem_shared>>
      tpu.enqueue_dma source(%arg20 : memref<8x128xf32, #tpu.memory_space<vmem>>) target(%dma_start3A_119 : memref<8x128xf32, #tpu.memory_space<vmem_shared>>) target_semaphore(%run_scoped3A : memref<!tpu.dma_semaphore, #tpu.memory_space<semaphore_mem>>)
      %dma_wait3A = arith.constant 0 : i32
      %dma_wait3A_120 = tpu.memref_slice %arg7[%add3A_94, %dma_wait3A] : memref<1024x128xf32, #tpu.memory_space<vmem_shared>> -> memref<8x128xf32, #tpu.memory_space<vmem_shared>>
      %dma_wait3A_121 = arith.constant 0 : i32
      %dma_wait3A_122 = tpu.memref_slice %arg7[%add3A_94, %dma_wait3A_121] : memref<1024x128xf32, #tpu.memory_space<vmem_shared>> -> memref<8x128xf32, #tpu.memory_space<vmem_shared>>
      tpu.wait_dma2 semaphore(%run_scoped3A : memref<!tpu.dma_semaphore, #tpu.memory_space<semaphore_mem>>) src(%arg20 : memref<8x128xf32, #tpu.memory_space<vmem>>) dst(%dma_wait3A_122 : memref<8x128xf32, #tpu.memory_space<vmem_shared>>)
      tpu.yield
    }) : () -> ()
    %barrier3A = arith.constant 0 : index
    tpu.barrier barrier_id(%barrier3A)
    %scan3A_95 = arith.constant 0 : i32
    %scan3A_96 = arith.constant 0 : i32
    %scan3A_97 = arith.constant 13 : i32
    %scan3A_98 = arith.addi %scan3A_96, %scan3A_97 : i32
    %scan3A_99 = arith.constant 1 : i32
    %scan3A_100 = scf.for %scan3A_116 = %scan3A_96 to %scan3A_98 step %scan3A_99 iter_args(%scan3A_117 = %scan3A_95) -> (i32)  : i32 {
      %mul3A_118 = arith.constant 3 : i32
      %mul3A_119 = arith.muli %mul3A_118, %scan3A_116 : i32
      %add3A_120 = arith.addi %mul3A_7, %mul3A_119 : i32
      %dma_wait3A = arith.constant 0 : i32
      %dma_wait3A_121 = arith.constant 0 : i32
      %dma_wait3A_122 = tpu.memref_slice %arg2[%dma_wait3A, %dma_wait3A_121] : memref<320000x128xf32, #tpu.memory_space<hbm>> -> memref<256x128xf32, #tpu.memory_space<hbm>>
      %dma_wait3A_123 = arith.constant 0 : i32
      %dma_wait3A_124 = arith.constant 0 : i32
      %dma_wait3A_125 = tpu.memref_slice %arg2[%dma_wait3A_123, %dma_wait3A_124] : memref<320000x128xf32, #tpu.memory_space<hbm>> -> memref<256x128xf32, #tpu.memory_space<hbm>>
      tpu.wait_dma2 semaphore(%arg21 : memref<!tpu.dma_semaphore, #tpu.memory_space<semaphore_mem>>) src(%dma_wait3A_125 : memref<256x128xf32, #tpu.memory_space<hbm>>) dst(%arg8 : memref<256x128xf32, #tpu.memory_space<vmem>>)
      %dma_wait3A_126 = arith.constant 0 : i32
      %dma_wait3A_127 = tpu.memref_slice %arg3[%dma_wait3A_126] : memref<320000xi32, #tpu.memory_space<hbm>> -> memref<128xi32, #tpu.memory_space<hbm>>
      %dma_wait3A_128 = arith.constant 0 : i32
      %dma_wait3A_129 = tpu.memref_slice %arg3[%dma_wait3A_128] : memref<320000xi32, #tpu.memory_space<hbm>> -> memref<128xi32, #tpu.memory_space<hbm>>
      tpu.wait_dma2 semaphore(%arg24 : memref<!tpu.dma_semaphore, #tpu.memory_space<semaphore_mem>>) src(%dma_wait3A_129 : memref<128xi32, #tpu.memory_space<hbm>>) dst(%arg11 : memref<128xi32, #tpu.memory_space<vmem>>)
      %dma_wait3A_130 = arith.constant 0 : i32
      %dma_wait3A_131 = tpu.memref_slice %arg3[%dma_wait3A_130] : memref<320000xi32, #tpu.memory_space<hbm>> -> memref<128xi32, #tpu.memory_space<hbm>>
      %dma_wait3A_132 = arith.constant 0 : i32
      %dma_wait3A_133 = tpu.memref_slice %arg3[%dma_wait3A_132] : memref<320000xi32, #tpu.memory_space<hbm>> -> memref<128xi32, #tpu.memory_space<hbm>>
      tpu.wait_dma2 semaphore(%arg24 : memref<!tpu.dma_semaphore, #tpu.memory_space<semaphore_mem>>) src(%dma_wait3A_133 : memref<128xi32, #tpu.memory_space<hbm>>) dst(%arg12 : memref<128xi32, #tpu.memory_space<vmem>>)
      %dma_start3A_134 = arith.constant 0 : i32
      %dma_start3A_135 = arith.constant 0 : i32
      %dma_start3A_136 = tpu.memref_slice %arg8[%dma_start3A_134, %dma_start3A_135] : memref<256x128xf32, #tpu.memory_space<vmem>> -> memref<128x128xf32, #tpu.memory_space<vmem>>
      %dma_start3A_137 = arith.constant 0 : i32
      %dma_start3A_138 = arith.constant 0 : i32
      %dma_start3A_139 = tpu.memref_slice %arg7[%dma_start3A_137, %dma_start3A_138] : memref<1024x128xf32, #tpu.memory_space<vmem_shared>> -> memref<1024x128xf32, #tpu.memory_space<vmem_shared>>
      tpu.enqueue_indirect_dma source(%dma_start3A_136 : memref<128x128xf32, #tpu.memory_space<vmem>>) target(%dma_start3A_139 : memref<1024x128xf32, #tpu.memory_space<vmem_shared>>) offsets(%arg11 : memref<128xi32, #tpu.memory_space<vmem>>) semaphore(%arg27 : memref<!tpu.dma_semaphore, #tpu.memory_space<semaphore_mem>>) {add = true}
      %dma_start3A_140 = arith.constant 128 : i32
      %dma_start3A_141 = arith.constant 0 : i32
      %dma_start3A_142 = tpu.memref_slice %arg8[%dma_start3A_140, %dma_start3A_141] : memref<256x128xf32, #tpu.memory_space<vmem>> -> memref<128x128xf32, #tpu.memory_space<vmem>>
      %dma_start3A_143 = arith.constant 0 : i32
      %dma_start3A_144 = arith.constant 0 : i32
      %dma_start3A_145 = tpu.memref_slice %arg7[%dma_start3A_143, %dma_start3A_144] : memref<1024x128xf32, #tpu.memory_space<vmem_shared>> -> memref<1024x128xf32, #tpu.memory_space<vmem_shared>>
      tpu.enqueue_indirect_dma source(%dma_start3A_142 : memref<128x128xf32, #tpu.memory_space<vmem>>) target(%dma_start3A_145 : memref<1024x128xf32, #tpu.memory_space<vmem_shared>>) offsets(%arg12 : memref<128xi32, #tpu.memory_space<vmem>>) semaphore(%arg27 : memref<!tpu.dma_semaphore, #tpu.memory_space<semaphore_mem>>) {add = true}
      %get3A = arith.constant 0 : index
      %get3A_146 = tpu.vector_load %arg11[%get3A] {strides = array<i32>} : memref<128xi32, #tpu.memory_space<vmem>>, vector<16xi32>,
      tpu.vector_store_idx %arg17[%iota3A, %get3A_146], %broadcast_in_dim3A_5 {add = true} : memref<16x1024xi32, #tpu.memory_space<vmem>>[vector<16xi32>, vector<16xi32>], vector<16xi32>,
      %get3A_147 = arith.constant 16 : index
      %get3A_148 = tpu.vector_load %arg11[%get3A_147] {strides = array<i32>} : memref<128xi32, #tpu.memory_space<vmem>>, vector<16xi32>,
      tpu.vector_store_idx %arg17[%iota3A, %get3A_148], %broadcast_in_dim3A_5 {add = true} : memref<16x1024xi32, #tpu.memory_space<vmem>>[vector<16xi32>, vector<16xi32>], vector<16xi32>,
      %get3A_149 = arith.constant 32 : index
      %get3A_150 = tpu.vector_load %arg11[%get3A_149] {strides = array<i32>} : memref<128xi32, #tpu.memory_space<vmem>>, vector<16xi32>,
      tpu.vector_store_idx %arg17[%iota3A, %get3A_150], %broadcast_in_dim3A_5 {add = true} : memref<16x1024xi32, #tpu.memory_space<vmem>>[vector<16xi32>, vector<16xi32>], vector<16xi32>,
      %get3A_151 = arith.constant 48 : index
      %get3A_152 = tpu.vector_load %arg11[%get3A_151] {strides = array<i32>} : memref<128xi32, #tpu.memory_space<vmem>>, vector<16xi32>,
      tpu.vector_store_idx %arg17[%iota3A, %get3A_152], %broadcast_in_dim3A_5 {add = true} : memref<16x1024xi32, #tpu.memory_space<vmem>>[vector<16xi32>, vector<16xi32>], vector<16xi32>,
      %get3A_153 = arith.constant 64 : index
      %get3A_154 = tpu.vector_load %arg11[%get3A_153] {strides = array<i32>} : memref<128xi32, #tpu.memory_space<vmem>>, vector<16xi32>,
      tpu.vector_store_idx %arg17[%iota3A, %get3A_154], %broadcast_in_dim3A_5 {add = true} : memref<16x1024xi32, #tpu.memory_space<vmem>>[vector<16xi32>, vector<16xi32>], vector<16xi32>,
      %get3A_155 = arith.constant 80 : index
      %get3A_156 = tpu.vector_load %arg11[%get3A_155] {strides = array<i32>} : memref<128xi32, #tpu.memory_space<vmem>>, vector<16xi32>,
      tpu.vector_store_idx %arg17[%iota3A, %get3A_156], %broadcast_in_dim3A_5 {add = true} : memref<16x1024xi32, #tpu.memory_space<vmem>>[vector<16xi32>, vector<16xi32>], vector<16xi32>,
      %get3A_157 = arith.constant 96 : index
      %get3A_158 = tpu.vector_load %arg11[%get3A_157] {strides = array<i32>} : memref<128xi32, #tpu.memory_space<vmem>>, vector<16xi32>,
      tpu.vector_store_idx %arg17[%iota3A, %get3A_158], %broadcast_in_dim3A_5 {add = true} : memref<16x1024xi32, #tpu.memory_space<vmem>>[vector<16xi32>, vector<16xi32>], vector<16xi32>,
      %get3A_159 = arith.constant 112 : index
      %get3A_160 = tpu.vector_load %arg11[%get3A_159] {strides = array<i32>} : memref<128xi32, #tpu.memory_space<vmem>>, vector<16xi32>,
      tpu.vector_store_idx %arg17[%iota3A, %get3A_160], %broadcast_in_dim3A_5 {add = true} : memref<16x1024xi32, #tpu.memory_space<vmem>>[vector<16xi32>, vector<16xi32>], vector<16xi32>,
      %get3A_161 = arith.constant 0 : index
      %get3A_162 = tpu.vector_load %arg12[%get3A_161] {strides = array<i32>} : memref<128xi32, #tpu.memory_space<vmem>>, vector<16xi32>,
      tpu.vector_store_idx %arg17[%iota3A, %get3A_162], %broadcast_in_dim3A_5 {add = true} : memref<16x1024xi32, #tpu.memory_space<vmem>>[vector<16xi32>, vector<16xi32>], vector<16xi32>,
      %get3A_163 = arith.constant 16 : index
      %get3A_164 = tpu.vector_load %arg12[%get3A_163] {strides = array<i32>} : memref<128xi32, #tpu.memory_space<vmem>>, vector<16xi32>,
      tpu.vector_store_idx %arg17[%iota3A, %get3A_164], %broadcast_in_dim3A_5 {add = true} : memref<16x1024xi32, #tpu.memory_space<vmem>>[vector<16xi32>, vector<16xi32>], vector<16xi32>,
      %get3A_165 = arith.constant 32 : index
      %get3A_166 = tpu.vector_load %arg12[%get3A_165] {strides = array<i32>} : memref<128xi32, #tpu.memory_space<vmem>>, vector<16xi32>,
      tpu.vector_store_idx %arg17[%iota3A, %get3A_166], %broadcast_in_dim3A_5 {add = true} : memref<16x1024xi32, #tpu.memory_space<vmem>>[vector<16xi32>, vector<16xi32>], vector<16xi32>,
      %get3A_167 = arith.constant 48 : index
      %get3A_168 = tpu.vector_load %arg12[%get3A_167] {strides = array<i32>} : memref<128xi32, #tpu.memory_space<vmem>>, vector<16xi32>,
      tpu.vector_store_idx %arg17[%iota3A, %get3A_168], %broadcast_in_dim3A_5 {add = true} : memref<16x1024xi32, #tpu.memory_space<vmem>>[vector<16xi32>, vector<16xi32>], vector<16xi32>,
      %get3A_169 = arith.constant 64 : index
      %get3A_170 = tpu.vector_load %arg12[%get3A_169] {strides = array<i32>} : memref<128xi32, #tpu.memory_space<vmem>>, vector<16xi32>,
      tpu.vector_store_idx %arg17[%iota3A, %get3A_170], %broadcast_in_dim3A_5 {add = true} : memref<16x1024xi32, #tpu.memory_space<vmem>>[vector<16xi32>, vector<16xi32>], vector<16xi32>,
      %get3A_171 = arith.constant 80 : index
      %get3A_172 = tpu.vector_load %arg12[%get3A_171] {strides = array<i32>} : memref<128xi32, #tpu.memory_space<vmem>>, vector<16xi32>,
      tpu.vector_store_idx %arg17[%iota3A, %get3A_172], %broadcast_in_dim3A_5 {add = true} : memref<16x1024xi32, #tpu.memory_space<vmem>>[vector<16xi32>, vector<16xi32>], vector<16xi32>,
      %get3A_173 = arith.constant 96 : index
      %get3A_174 = tpu.vector_load %arg12[%get3A_173] {strides = array<i32>} : memref<128xi32, #tpu.memory_space<vmem>>, vector<16xi32>,
      tpu.vector_store_idx %arg17[%iota3A, %get3A_174], %broadcast_in_dim3A_5 {add = true} : memref<16x1024xi32, #tpu.memory_space<vmem>>[vector<16xi32>, vector<16xi32>], vector<16xi32>,
      %get3A_175 = arith.constant 112 : index
      %get3A_176 = tpu.vector_load %arg12[%get3A_175] {strides = array<i32>} : memref<128xi32, #tpu.memory_space<vmem>>, vector<16xi32>,
      tpu.vector_store_idx %arg17[%iota3A, %get3A_176], %broadcast_in_dim3A_5 {add = true} : memref<16x1024xi32, #tpu.memory_space<vmem>>[vector<16xi32>, vector<16xi32>], vector<16xi32>,
      %broadcast_in_dim3A_177 = arith.constant 0.000000e+00 : f32
      %broadcast_in_dim3A_178 = vector.broadcast %broadcast_in_dim3A_177 : f32 to vector<16xf32>
      %scan3A_179 = arith.constant 0 : i32
      %scan3A_180 = arith.constant 128 : i32
      %scan3A_181 = arith.addi %scan3A_179, %scan3A_180 : i32
      %scan3A_182 = arith.constant 1 : i32
      %scan3A_183 = scf.for %scan3A_384 = %scan3A_179 to %scan3A_181 step %scan3A_182 iter_args(%scan3A_385 = %broadcast_in_dim3A_178) -> (vector<16xf32>)  : i32 {
        %mul3A_386 = arith.constant 2 : i32
        %mul3A_387 = arith.muli %mul3A_386, %scan3A_384 : i32
        %get3A_388 = arith.index_cast %mul3A_387 : i32 to index
        %get3A_389 = arith.constant 0 : index
        %get3A_390 = tpu.vector_load %arg8[%get3A_388, %get3A_389] {strides = array<i32>} : memref<256x128xf32, #tpu.memory_space<vmem>>, vector<16xf32>,
        %mul3A_391 = arith.constant 2 : i32
        %mul3A_392 = arith.muli %mul3A_391, %scan3A_384 : i32
        %add3A_393 = arith.constant 1 : i32
        %add3A_394 = arith.addi %mul3A_392, %add3A_393 : i32
        %get3A_395 = arith.index_cast %add3A_394 : i32 to index
        %get3A_396 = arith.constant 0 : index
        %get3A_397 = tpu.vector_load %arg8[%get3A_395, %get3A_396] {strides = array<i32>} : memref<256x128xf32, #tpu.memory_space<vmem>>, vector<16xf32>,
        %mul3A_398 = arith.mulf %get3A_390, %get3A_390 : vector<16xf32>
        %add3A_399 = arith.addf %scan3A_385, %mul3A_398 : vector<16xf32>
        %mul3A_400 = arith.mulf %get3A_397, %get3A_397 : vector<16xf32>
        %add3A_401 = arith.addf %add3A_399, %mul3A_400 : vector<16xf32>
        %mul3A_402 = arith.constant 2 : i32
        %mul3A_403 = arith.muli %mul3A_402, %scan3A_384 : i32
        %get3A_404 = arith.index_cast %mul3A_403 : i32 to index
        %get3A_405 = arith.constant 16 : index
        %get3A_406 = tpu.vector_load %arg8[%get3A_404, %get3A_405] {strides = array<i32>} : memref<256x128xf32, #tpu.memory_space<vmem>>, vector<16xf32>,
        %mul3A_407 = arith.constant 2 : i32
        %mul3A_408 = arith.muli %mul3A_407, %scan3A_384 : i32
        %add3A_409 = arith.constant 1 : i32
        %add3A_410 = arith.addi %mul3A_408, %add3A_409 : i32
        %get3A_411 = arith.index_cast %add3A_410 : i32 to index
        %get3A_412 = arith.constant 16 : index
        %get3A_413 = tpu.vector_load %arg8[%get3A_411, %get3A_412] {strides = array<i32>} : memref<256x128xf32, #tpu.memory_space<vmem>>, vector<16xf32>,
        %mul3A_414 = arith.mulf %get3A_406, %get3A_406 : vector<16xf32>
        %add3A_415 = arith.addf %add3A_401, %mul3A_414 : vector<16xf32>
        %mul3A_416 = arith.mulf %get3A_413, %get3A_413 : vector<16xf32>
        %add3A_417 = arith.addf %add3A_415, %mul3A_416 : vector<16xf32>
        %mul3A_418 = arith.constant 2 : i32
        %mul3A_419 = arith.muli %mul3A_418, %scan3A_384 : i32
        %get3A_420 = arith.index_cast %mul3A_419 : i32 to index
        %get3A_421 = arith.constant 32 : index
        %get3A_422 = tpu.vector_load %arg8[%get3A_420, %get3A_421] {strides = array<i32>} : memref<256x128xf32, #tpu.memory_space<vmem>>, vector<16xf32>,
        %mul3A_423 = arith.constant 2 : i32
        %mul3A_424 = arith.muli %mul3A_423, %scan3A_384 : i32
        %add3A_425 = arith.constant 1 : i32
        %add3A_426 = arith.addi %mul3A_424, %add3A_425 : i32
        %get3A_427 = arith.index_cast %add3A_426 : i32 to index
        %get3A_428 = arith.constant 32 : index
        %get3A_429 = tpu.vector_load %arg8[%get3A_427, %get3A_428] {strides = array<i32>} : memref<256x128xf32, #tpu.memory_space<vmem>>, vector<16xf32>,
        %mul3A_430 = arith.mulf %get3A_422, %get3A_422 : vector<16xf32>
        %add3A_431 = arith.addf %add3A_417, %mul3A_430 : vector<16xf32>
        %mul3A_432 = arith.mulf %get3A_429, %get3A_429 : vector<16xf32>
        %add3A_433 = arith.addf %add3A_431, %mul3A_432 : vector<16xf32>
        %mul3A_434 = arith.constant 2 : i32
        %mul3A_435 = arith.muli %mul3A_434, %scan3A_384 : i32
        %get3A_436 = arith.index_cast %mul3A_435 : i32 to index
        %get3A_437 = arith.constant 48 : index
        %get3A_438 = tpu.vector_load %arg8[%get3A_436, %get3A_437] {strides = array<i32>} : memref<256x128xf32, #tpu.memory_space<vmem>>, vector<16xf32>,
        %mul3A_439 = arith.constant 2 : i32
        %mul3A_440 = arith.muli %mul3A_439, %scan3A_384 : i32
        %add3A_441 = arith.constant 1 : i32
        %add3A_442 = arith.addi %mul3A_440, %add3A_441 : i32
        %get3A_443 = arith.index_cast %add3A_442 : i32 to index
        %get3A_444 = arith.constant 48 : index
        %get3A_445 = tpu.vector_load %arg8[%get3A_443, %get3A_444] {strides = array<i32>} : memref<256x128xf32, #tpu.memory_space<vmem>>, vector<16xf32>,
        %mul3A_446 = arith.mulf %get3A_438, %get3A_438 : vector<16xf32>
        %add3A_447 = arith.addf %add3A_433, %mul3A_446 : vector<16xf32>
        %mul3A_448 = arith.mulf %get3A_445, %get3A_445 : vector<16xf32>
        %add3A_449 = arith.addf %add3A_447, %mul3A_448 : vector<16xf32>
        %mul3A_450 = arith.constant 2 : i32
        %mul3A_451 = arith.muli %mul3A_450, %scan3A_384 : i32
        %get3A_452 = arith.index_cast %mul3A_451 : i32 to index
        %get3A_453 = arith.constant 64 : index
        %get3A_454 = tpu.vector_load %arg8[%get3A_452, %get3A_453] {strides = array<i32>} : memref<256x128xf32, #tpu.memory_space<vmem>>, vector<16xf32>,
        %mul3A_455 = arith.constant 2 : i32
        %mul3A_456 = arith.muli %mul3A_455, %scan3A_384 : i32
        %add3A_457 = arith.constant 1 : i32
        %add3A_458 = arith.addi %mul3A_456, %add3A_457 : i32
        %get3A_459 = arith.index_cast %add3A_458 : i32 to index
        %get3A_460 = arith.constant 64 : index
        %get3A_461 = tpu.vector_load %arg8[%get3A_459, %get3A_460] {strides = array<i32>} : memref<256x128xf32, #tpu.memory_space<vmem>>, vector<16xf32>,
        %mul3A_462 = arith.mulf %get3A_454, %get3A_454 : vector<16xf32>
        %add3A_463 = arith.addf %add3A_449, %mul3A_462 : vector<16xf32>
        %mul3A_464 = arith.mulf %get3A_461, %get3A_461 : vector<16xf32>
        %add3A_465 = arith.addf %add3A_463, %mul3A_464 : vector<16xf32>
        %mul3A_466 = arith.constant 2 : i32
        %mul3A_467 = arith.muli %mul3A_466, %scan3A_384 : i32
        %get3A_468 = arith.index_cast %mul3A_467 : i32 to index
        %get3A_469 = arith.constant 80 : index
        %get3A_470 = tpu.vector_load %arg8[%get3A_468, %get3A_469] {strides = array<i32>} : memref<256x128xf32, #tpu.memory_space<vmem>>, vector<16xf32>,
        %mul3A_471 = arith.constant 2 : i32
        %mul3A_472 = arith.muli %mul3A_471, %scan3A_384 : i32
        %add3A_473 = arith.constant 1 : i32
        %add3A_474 = arith.addi %mul3A_472, %add3A_473 : i32
        %get3A_475 = arith.index_cast %add3A_474 : i32 to index
        %get3A_476 = arith.constant 80 : index
        %get3A_477 = tpu.vector_load %arg8[%get3A_475, %get3A_476] {strides = array<i32>} : memref<256x128xf32, #tpu.memory_space<vmem>>, vector<16xf32>,
        %mul3A_478 = arith.mulf %get3A_470, %get3A_470 : vector<16xf32>
        %add3A_479 = arith.addf %add3A_465, %mul3A_478 : vector<16xf32>
        %mul3A_480 = arith.mulf %get3A_477, %get3A_477 : vector<16xf32>
        %add3A_481 = arith.addf %add3A_479, %mul3A_480 : vector<16xf32>
        %mul3A_482 = arith.constant 2 : i32
        %mul3A_483 = arith.muli %mul3A_482, %scan3A_384 : i32
        %get3A_484 = arith.index_cast %mul3A_483 : i32 to index
        %get3A_485 = arith.constant 96 : index
        %get3A_486 = tpu.vector_load %arg8[%get3A_484, %get3A_485] {strides = array<i32>} : memref<256x128xf32, #tpu.memory_space<vmem>>, vector<16xf32>,
        %mul3A_487 = arith.constant 2 : i32
        %mul3A_488 = arith.muli %mul3A_487, %scan3A_384 : i32
        %add3A_489 = arith.constant 1 : i32
        %add3A_490 = arith.addi %mul3A_488, %add3A_489 : i32
        %get3A_491 = arith.index_cast %add3A_490 : i32 to index
        %get3A_492 = arith.constant 96 : index
        %get3A_493 = tpu.vector_load %arg8[%get3A_491, %get3A_492] {strides = array<i32>} : memref<256x128xf32, #tpu.memory_space<vmem>>, vector<16xf32>,
        %mul3A_494 = arith.mulf %get3A_486, %get3A_486 : vector<16xf32>
        %add3A_495 = arith.addf %add3A_481, %mul3A_494 : vector<16xf32>
        %mul3A_496 = arith.mulf %get3A_493, %get3A_493 : vector<16xf32>
        %add3A_497 = arith.addf %add3A_495, %mul3A_496 : vector<16xf32>
        %mul3A_498 = arith.constant 2 : i32
        %mul3A_499 = arith.muli %mul3A_498, %scan3A_384 : i32
        %get3A_500 = arith.index_cast %mul3A_499 : i32 to index
        %get3A_501 = arith.constant 112 : index
        %get3A_502 = tpu.vector_load %arg8[%get3A_500, %get3A_501] {strides = array<i32>} : memref<256x128xf32, #tpu.memory_space<vmem>>, vector<16xf32>,
        %mul3A_503 = arith.constant 2 : i32
        %mul3A_504 = arith.muli %mul3A_503, %scan3A_384 : i32
        %add3A_505 = arith.constant 1 : i32
        %add3A_506 = arith.addi %mul3A_504, %add3A_505 : i32
        %get3A_507 = arith.index_cast %add3A_506 : i32 to index
        %get3A_508 = arith.constant 112 : index
        %get3A_509 = tpu.vector_load %arg8[%get3A_507, %get3A_508] {strides = array<i32>} : memref<256x128xf32, #tpu.memory_space<vmem>>, vector<16xf32>,
        %mul3A_510 = arith.mulf %get3A_502, %get3A_502 : vector<16xf32>
        %add3A_511 = arith.addf %add3A_497, %mul3A_510 : vector<16xf32>
        %mul3A_512 = arith.mulf %get3A_509, %get3A_509 : vector<16xf32>
        %add3A_513 = arith.addf %add3A_511, %mul3A_512 : vector<16xf32>
        scf.yield %add3A_513 : vector<16xf32>
      }
      %scan3A_184 = arith.constant 128 : i32
      %get3A_185 = arith.constant 0 : index
      %get3A_186 = tpu.vector_load %arg19[%get3A_185] {strides = array<i32>} : memref<16xf32, #tpu.memory_space<vmem>>, vector<16xf32>,
      %add3A_187 = arith.addf %get3A_186, %scan3A_183 : vector<16xf32>
      %swap3A_188 = arith.constant 0 : index
      %swap3A_189 = tpu.vector_load %arg19[%swap3A_188] {strides = array<i32>} : memref<16xf32, #tpu.memory_space<vmem>>, vector<16xf32>,
      tpu.vector_store %arg19[%swap3A_188], %add3A_187 {strides = array<i32>} : memref<16xf32, #tpu.memory_space<vmem>>, vector<16xf32>,
      %dma_wait3A_190 = arith.constant 0 : i32
      %dma_wait3A_191 = arith.constant 0 : i32
      %dma_wait3A_192 = tpu.memref_slice %arg8[%dma_wait3A_190, %dma_wait3A_191] : memref<256x128xf32, #tpu.memory_space<vmem>> -> memref<128x128xf32, #tpu.memory_space<vmem>>
      %dma_wait3A_193 = arith.constant 0 : i32
      %dma_wait3A_194 = arith.constant 0 : i32
      %dma_wait3A_195 = tpu.memref_slice %arg7[%dma_wait3A_193, %dma_wait3A_194] : memref<1024x128xf32, #tpu.memory_space<vmem_shared>> -> memref<1024x128xf32, #tpu.memory_space<vmem_shared>>
      tpu.wait_indirect_dma semaphore(%arg27 : memref<!tpu.dma_semaphore, #tpu.memory_space<semaphore_mem>>) src(%dma_wait3A_192 : memref<128x128xf32, #tpu.memory_space<vmem>>) dst(%dma_wait3A_195 : memref<1024x128xf32, #tpu.memory_space<vmem_shared>>)
      %dma_wait3A_196 = arith.constant 128 : i32
      %dma_wait3A_197 = arith.constant 0 : i32
      %dma_wait3A_198 = tpu.memref_slice %arg8[%dma_wait3A_196, %dma_wait3A_197] : memref<256x128xf32, #tpu.memory_space<vmem>> -> memref<128x128xf32, #tpu.memory_space<vmem>>
      %dma_wait3A_199 = arith.constant 0 : i32
      %dma_wait3A_200 = arith.constant 0 : i32
      %dma_wait3A_201 = tpu.memref_slice %arg7[%dma_wait3A_199, %dma_wait3A_200] : memref<1024x128xf32, #tpu.memory_space<vmem_shared>> -> memref<1024x128xf32, #tpu.memory_space<vmem_shared>>
      tpu.wait_indirect_dma semaphore(%arg27 : memref<!tpu.dma_semaphore, #tpu.memory_space<semaphore_mem>>) src(%dma_wait3A_198 : memref<128x128xf32, #tpu.memory_space<vmem>>) dst(%dma_wait3A_201 : memref<1024x128xf32, #tpu.memory_space<vmem_shared>>)
      %lt3A_202 = arith.constant 12 : i32
      %lt3A_203 = arith.cmpi slt, %scan3A_116, %lt3A_202 : i32
      %convert_element_type3A_204 = arith.extui %lt3A_203 : i1 to i32
      %cond3A_205 = arith.constant 0 : i32
      %cond3A_206 = arith.cmpi ne, %convert_element_type3A_204, %cond3A_205 : i32
      scf.if %cond3A_206 {
        %add3A_384 = arith.constant 0 : i32
        %add3A_385 = arith.addi %add3A_120, %add3A_384 : i32
        %add3A_386 = arith.constant 3 : i32
        %add3A_387 = arith.addi %add3A_385, %add3A_386 : i32
        %mul3A_388 = arith.constant 256 : i32
        %mul3A_389 = arith.muli %add3A_387, %mul3A_388 : i32
        %dma_start3A_390 = arith.constant 0 : i32
        %dma_start3A_391 = tpu.memref_slice %arg2[%mul3A_389, %dma_start3A_390] : memref<320000x128xf32, #tpu.memory_space<hbm>> -> memref<256x128xf32, #tpu.memory_space<hbm>>
        %dma_start3A_392 = arith.constant 0 : i32
        %dma_start3A_393 = tpu.memref_slice %arg2[%mul3A_389, %dma_start3A_392] : memref<320000x128xf32, #tpu.memory_space<hbm>> -> memref<256x128xf32, #tpu.memory_space<hbm>>
        tpu.enqueue_dma source(%dma_start3A_393 : memref<256x128xf32, #tpu.memory_space<hbm>>) target(%arg8 : memref<256x128xf32, #tpu.memory_space<vmem>>) target_semaphore(%arg21 : memref<!tpu.dma_semaphore, #tpu.memory_space<semaphore_mem>>)
        %dma_start3A_394 = tpu.memref_slice %arg3[%mul3A_389] : memref<320000xi32, #tpu.memory_space<hbm>> -> memref<128xi32, #tpu.memory_space<hbm>>
        %dma_start3A_395 = tpu.memref_slice %arg3[%mul3A_389] : memref<320000xi32, #tpu.memory_space<hbm>> -> memref<128xi32, #tpu.memory_space<hbm>>
        tpu.enqueue_dma source(%dma_start3A_395 : memref<128xi32, #tpu.memory_space<hbm>>) target(%arg11 : memref<128xi32, #tpu.memory_space<vmem>>) target_semaphore(%arg24 : memref<!tpu.dma_semaphore, #tpu.memory_space<semaphore_mem>>)
        %add3A_396 = arith.constant 128 : i32
        %add3A_397 = arith.addi %mul3A_389, %add3A_396 : i32
        %dma_start3A_398 = tpu.memref_slice %arg3[%add3A_397] : memref<320000xi32, #tpu.memory_space<hbm>> -> memref<128xi32, #tpu.memory_space<hbm>>
        %dma_start3A_399 = tpu.memref_slice %arg3[%add3A_397] : memref<320000xi32, #tpu.memory_space<hbm>> -> memref<128xi32, #tpu.memory_space<hbm>>
        tpu.enqueue_dma source(%dma_start3A_399 : memref<128xi32, #tpu.memory_space<hbm>>) target(%arg12 : memref<128xi32, #tpu.memory_space<vmem>>) target_semaphore(%arg24 : memref<!tpu.dma_semaphore, #tpu.memory_space<semaphore_mem>>)
      } else {
      }
      %dma_wait3A_207 = arith.constant 0 : i32
      %dma_wait3A_208 = arith.constant 0 : i32
      %dma_wait3A_209 = tpu.memref_slice %arg2[%dma_wait3A_207, %dma_wait3A_208] : memref<320000x128xf32, #tpu.memory_space<hbm>> -> memref<256x128xf32, #tpu.memory_space<hbm>>
      %dma_wait3A_210 = arith.constant 0 : i32
      %dma_wait3A_211 = arith.constant 0 : i32
      %dma_wait3A_212 = tpu.memref_slice %arg2[%dma_wait3A_210, %dma_wait3A_211] : memref<320000x128xf32, #tpu.memory_space<hbm>> -> memref<256x128xf32, #tpu.memory_space<hbm>>
      tpu.wait_dma2 semaphore(%arg22 : memref<!tpu.dma_semaphore, #tpu.memory_space<semaphore_mem>>) src(%dma_wait3A_212 : memref<256x128xf32, #tpu.memory_space<hbm>>) dst(%arg9 : memref<256x128xf32, #tpu.memory_space<vmem>>)
      %dma_wait3A_213 = arith.constant 0 : i32
      %dma_wait3A_214 = tpu.memref_slice %arg3[%dma_wait3A_213] : memref<320000xi32, #tpu.memory_space<hbm>> -> memref<128xi32, #tpu.memory_space<hbm>>
      %dma_wait3A_215 = arith.constant 0 : i32
      %dma_wait3A_216 = tpu.memref_slice %arg3[%dma_wait3A_215] : memref<320000xi32, #tpu.memory_space<hbm>> -> memref<128xi32, #tpu.memory_space<hbm>>
      tpu.wait_dma2 semaphore(%arg25 : memref<!tpu.dma_semaphore, #tpu.memory_space<semaphore_mem>>) src(%dma_wait3A_216 : memref<128xi32, #tpu.memory_space<hbm>>) dst(%arg13 : memref<128xi32, #tpu.memory_space<vmem>>)
      %dma_wait3A_217 = arith.constant 0 : i32
      %dma_wait3A_218 = tpu.memref_slice %arg3[%dma_wait3A_217] : memref<320000xi32, #tpu.memory_space<hbm>> -> memref<128xi32, #tpu.memory_space<hbm>>
      %dma_wait3A_219 = arith.constant 0 : i32
      %dma_wait3A_220 = tpu.memref_slice %arg3[%dma_wait3A_219] : memref<320000xi32, #tpu.memory_space<hbm>> -> memref<128xi32, #tpu.memory_space<hbm>>
      tpu.wait_dma2 semaphore(%arg25 : memref<!tpu.dma_semaphore, #tpu.memory_space<semaphore_mem>>) src(%dma_wait3A_220 : memref<128xi32, #tpu.memory_space<hbm>>) dst(%arg14 : memref<128xi32, #tpu.memory_space<vmem>>)
      %dma_start3A_221 = arith.constant 0 : i32
      %dma_start3A_222 = arith.constant 0 : i32
      %dma_start3A_223 = tpu.memref_slice %arg9[%dma_start3A_221, %dma_start3A_222] : memref<256x128xf32, #tpu.memory_space<vmem>> -> memref<128x128xf32, #tpu.memory_space<vmem>>
      %dma_start3A_224 = arith.constant 0 : i32
      %dma_start3A_225 = arith.constant 0 : i32
      %dma_start3A_226 = tpu.memref_slice %arg7[%dma_start3A_224, %dma_start3A_225] : memref<1024x128xf32, #tpu.memory_space<vmem_shared>> -> memref<1024x128xf32, #tpu.memory_space<vmem_shared>>
      tpu.enqueue_indirect_dma source(%dma_start3A_223 : memref<128x128xf32, #tpu.memory_space<vmem>>) target(%dma_start3A_226 : memref<1024x128xf32, #tpu.memory_space<vmem_shared>>) offsets(%arg13 : memref<128xi32, #tpu.memory_space<vmem>>) semaphore(%arg28 : memref<!tpu.dma_semaphore, #tpu.memory_space<semaphore_mem>>) {add = true}
      %dma_start3A_227 = arith.constant 128 : i32
      %dma_start3A_228 = arith.constant 0 : i32
      %dma_start3A_229 = tpu.memref_slice %arg9[%dma_start3A_227, %dma_start3A_228] : memref<256x128xf32, #tpu.memory_space<vmem>> -> memref<128x128xf32, #tpu.memory_space<vmem>>
      %dma_start3A_230 = arith.constant 0 : i32
      %dma_start3A_231 = arith.constant 0 : i32
      %dma_start3A_232 = tpu.memref_slice %arg7[%dma_start3A_230, %dma_start3A_231] : memref<1024x128xf32, #tpu.memory_space<vmem_shared>> -> memref<1024x128xf32, #tpu.memory_space<vmem_shared>>
      tpu.enqueue_indirect_dma source(%dma_start3A_229 : memref<128x128xf32, #tpu.memory_space<vmem>>) target(%dma_start3A_232 : memref<1024x128xf32, #tpu.memory_space<vmem_shared>>) offsets(%arg14 : memref<128xi32, #tpu.memory_space<vmem>>) semaphore(%arg28 : memref<!tpu.dma_semaphore, #tpu.memory_space<semaphore_mem>>) {add = true}
      %get3A_233 = arith.constant 0 : index
      %get3A_234 = tpu.vector_load %arg13[%get3A_233] {strides = array<i32>} : memref<128xi32, #tpu.memory_space<vmem>>, vector<16xi32>,
      tpu.vector_store_idx %arg17[%iota3A, %get3A_234], %broadcast_in_dim3A_5 {add = true} : memref<16x1024xi32, #tpu.memory_space<vmem>>[vector<16xi32>, vector<16xi32>], vector<16xi32>,
      %get3A_235 = arith.constant 16 : index
      %get3A_236 = tpu.vector_load %arg13[%get3A_235] {strides = array<i32>} : memref<128xi32, #tpu.memory_space<vmem>>, vector<16xi32>,
      tpu.vector_store_idx %arg17[%iota3A, %get3A_236], %broadcast_in_dim3A_5 {add = true} : memref<16x1024xi32, #tpu.memory_space<vmem>>[vector<16xi32>, vector<16xi32>], vector<16xi32>,
      %get3A_237 = arith.constant 32 : index
      %get3A_238 = tpu.vector_load %arg13[%get3A_237] {strides = array<i32>} : memref<128xi32, #tpu.memory_space<vmem>>, vector<16xi32>,
      tpu.vector_store_idx %arg17[%iota3A, %get3A_238], %broadcast_in_dim3A_5 {add = true} : memref<16x1024xi32, #tpu.memory_space<vmem>>[vector<16xi32>, vector<16xi32>], vector<16xi32>,
      %get3A_239 = arith.constant 48 : index
      %get3A_240 = tpu.vector_load %arg13[%get3A_239] {strides = array<i32>} : memref<128xi32, #tpu.memory_space<vmem>>, vector<16xi32>,
      tpu.vector_store_idx %arg17[%iota3A, %get3A_240], %broadcast_in_dim3A_5 {add = true} : memref<16x1024xi32, #tpu.memory_space<vmem>>[vector<16xi32>, vector<16xi32>], vector<16xi32>,
      %get3A_241 = arith.constant 64 : index
      %get3A_242 = tpu.vector_load %arg13[%get3A_241] {strides = array<i32>} : memref<128xi32, #tpu.memory_space<vmem>>, vector<16xi32>,
      tpu.vector_store_idx %arg17[%iota3A, %get3A_242], %broadcast_in_dim3A_5 {add = true} : memref<16x1024xi32, #tpu.memory_space<vmem>>[vector<16xi32>, vector<16xi32>], vector<16xi32>,
      %get3A_243 = arith.constant 80 : index
      %get3A_244 = tpu.vector_load %arg13[%get3A_243] {strides = array<i32>} : memref<128xi32, #tpu.memory_space<vmem>>, vector<16xi32>,
      tpu.vector_store_idx %arg17[%iota3A, %get3A_244], %broadcast_in_dim3A_5 {add = true} : memref<16x1024xi32, #tpu.memory_space<vmem>>[vector<16xi32>, vector<16xi32>], vector<16xi32>,
      %get3A_245 = arith.constant 96 : index
      %get3A_246 = tpu.vector_load %arg13[%get3A_245] {strides = array<i32>} : memref<128xi32, #tpu.memory_space<vmem>>, vector<16xi32>,
      tpu.vector_store_idx %arg17[%iota3A, %get3A_246], %broadcast_in_dim3A_5 {add = true} : memref<16x1024xi32, #tpu.memory_space<vmem>>[vector<16xi32>, vector<16xi32>], vector<16xi32>,
      %get3A_247 = arith.constant 112 : index
      %get3A_248 = tpu.vector_load %arg13[%get3A_247] {strides = array<i32>} : memref<128xi32, #tpu.memory_space<vmem>>, vector<16xi32>,
      tpu.vector_store_idx %arg17[%iota3A, %get3A_248], %broadcast_in_dim3A_5 {add = true} : memref<16x1024xi32, #tpu.memory_space<vmem>>[vector<16xi32>, vector<16xi32>], vector<16xi32>,
      %get3A_249 = arith.constant 0 : index
      %get3A_250 = tpu.vector_load %arg14[%get3A_249] {strides = array<i32>} : memref<128xi32, #tpu.memory_space<vmem>>, vector<16xi32>,
      tpu.vector_store_idx %arg17[%iota3A, %get3A_250], %broadcast_in_dim3A_5 {add = true} : memref<16x1024xi32, #tpu.memory_space<vmem>>[vector<16xi32>, vector<16xi32>], vector<16xi32>,
      %get3A_251 = arith.constant 16 : index
      %get3A_252 = tpu.vector_load %arg14[%get3A_251] {strides = array<i32>} : memref<128xi32, #tpu.memory_space<vmem>>, vector<16xi32>,
      tpu.vector_store_idx %arg17[%iota3A, %get3A_252], %broadcast_in_dim3A_5 {add = true} : memref<16x1024xi32, #tpu.memory_space<vmem>>[vector<16xi32>, vector<16xi32>], vector<16xi32>,
      %get3A_253 = arith.constant 32 : index
      %get3A_254 = tpu.vector_load %arg14[%get3A_253] {strides = array<i32>} : memref<128xi32, #tpu.memory_space<vmem>>, vector<16xi32>,
      tpu.vector_store_idx %arg17[%iota3A, %get3A_254], %broadcast_in_dim3A_5 {add = true} : memref<16x1024xi32, #tpu.memory_space<vmem>>[vector<16xi32>, vector<16xi32>], vector<16xi32>,
      %get3A_255 = arith.constant 48 : index
      %get3A_256 = tpu.vector_load %arg14[%get3A_255] {strides = array<i32>} : memref<128xi32, #tpu.memory_space<vmem>>, vector<16xi32>,
      tpu.vector_store_idx %arg17[%iota3A, %get3A_256], %broadcast_in_dim3A_5 {add = true} : memref<16x1024xi32, #tpu.memory_space<vmem>>[vector<16xi32>, vector<16xi32>], vector<16xi32>,
      %get3A_257 = arith.constant 64 : index
      %get3A_258 = tpu.vector_load %arg14[%get3A_257] {strides = array<i32>} : memref<128xi32, #tpu.memory_space<vmem>>, vector<16xi32>,
      tpu.vector_store_idx %arg17[%iota3A, %get3A_258], %broadcast_in_dim3A_5 {add = true} : memref<16x1024xi32, #tpu.memory_space<vmem>>[vector<16xi32>, vector<16xi32>], vector<16xi32>,
      %get3A_259 = arith.constant 80 : index
      %get3A_260 = tpu.vector_load %arg14[%get3A_259] {strides = array<i32>} : memref<128xi32, #tpu.memory_space<vmem>>, vector<16xi32>,
      tpu.vector_store_idx %arg17[%iota3A, %get3A_260], %broadcast_in_dim3A_5 {add = true} : memref<16x1024xi32, #tpu.memory_space<vmem>>[vector<16xi32>, vector<16xi32>], vector<16xi32>,
      %get3A_261 = arith.constant 96 : index
      %get3A_262 = tpu.vector_load %arg14[%get3A_261] {strides = array<i32>} : memref<128xi32, #tpu.memory_space<vmem>>, vector<16xi32>,
      tpu.vector_store_idx %arg17[%iota3A, %get3A_262], %broadcast_in_dim3A_5 {add = true} : memref<16x1024xi32, #tpu.memory_space<vmem>>[vector<16xi32>, vector<16xi32>], vector<16xi32>,
      %get3A_263 = arith.constant 112 : index
      %get3A_264 = tpu.vector_load %arg14[%get3A_263] {strides = array<i32>} : memref<128xi32, #tpu.memory_space<vmem>>, vector<16xi32>,
      tpu.vector_store_idx %arg17[%iota3A, %get3A_264], %broadcast_in_dim3A_5 {add = true} : memref<16x1024xi32, #tpu.memory_space<vmem>>[vector<16xi32>, vector<16xi32>], vector<16xi32>,
      %broadcast_in_dim3A_265 = arith.constant 0.000000e+00 : f32
      %broadcast_in_dim3A_266 = vector.broadcast %broadcast_in_dim3A_265 : f32 to vector<16xf32>
      %scan3A_267 = arith.constant 0 : i32
      %scan3A_268 = arith.constant 128 : i32
      %scan3A_269 = arith.addi %scan3A_267, %scan3A_268 : i32
      %scan3A_270 = arith.constant 1 : i32
      %scan3A_271 = scf.for %scan3A_384 = %scan3A_267 to %scan3A_269 step %scan3A_270 iter_args(%scan3A_385 = %broadcast_in_dim3A_266) -> (vector<16xf32>)  : i32 {
        %mul3A_386 = arith.constant 2 : i32
        %mul3A_387 = arith.muli %mul3A_386, %scan3A_384 : i32
        %get3A_388 = arith.index_cast %mul3A_387 : i32 to index
        %get3A_389 = arith.constant 0 : index
        %get3A_390 = tpu.vector_load %arg9[%get3A_388, %get3A_389] {strides = array<i32>} : memref<256x128xf32, #tpu.memory_space<vmem>>, vector<16xf32>,
        %mul3A_391 = arith.constant 2 : i32
        %mul3A_392 = arith.muli %mul3A_391, %scan3A_384 : i32
        %add3A_393 = arith.constant 1 : i32
        %add3A_394 = arith.addi %mul3A_392, %add3A_393 : i32
        %get3A_395 = arith.index_cast %add3A_394 : i32 to index
        %get3A_396 = arith.constant 0 : index
        %get3A_397 = tpu.vector_load %arg9[%get3A_395, %get3A_396] {strides = array<i32>} : memref<256x128xf32, #tpu.memory_space<vmem>>, vector<16xf32>,
        %mul3A_398 = arith.mulf %get3A_390, %get3A_390 : vector<16xf32>
        %add3A_399 = arith.addf %scan3A_385, %mul3A_398 : vector<16xf32>
        %mul3A_400 = arith.mulf %get3A_397, %get3A_397 : vector<16xf32>
        %add3A_401 = arith.addf %add3A_399, %mul3A_400 : vector<16xf32>
        %mul3A_402 = arith.constant 2 : i32
        %mul3A_403 = arith.muli %mul3A_402, %scan3A_384 : i32
        %get3A_404 = arith.index_cast %mul3A_403 : i32 to index
        %get3A_405 = arith.constant 16 : index
        %get3A_406 = tpu.vector_load %arg9[%get3A_404, %get3A_405] {strides = array<i32>} : memref<256x128xf32, #tpu.memory_space<vmem>>, vector<16xf32>,
        %mul3A_407 = arith.constant 2 : i32
        %mul3A_408 = arith.muli %mul3A_407, %scan3A_384 : i32
        %add3A_409 = arith.constant 1 : i32
        %add3A_410 = arith.addi %mul3A_408, %add3A_409 : i32
        %get3A_411 = arith.index_cast %add3A_410 : i32 to index
        %get3A_412 = arith.constant 16 : index
        %get3A_413 = tpu.vector_load %arg9[%get3A_411, %get3A_412] {strides = array<i32>} : memref<256x128xf32, #tpu.memory_space<vmem>>, vector<16xf32>,
        %mul3A_414 = arith.mulf %get3A_406, %get3A_406 : vector<16xf32>
        %add3A_415 = arith.addf %add3A_401, %mul3A_414 : vector<16xf32>
        %mul3A_416 = arith.mulf %get3A_413, %get3A_413 : vector<16xf32>
        %add3A_417 = arith.addf %add3A_415, %mul3A_416 : vector<16xf32>
        %mul3A_418 = arith.constant 2 : i32
        %mul3A_419 = arith.muli %mul3A_418, %scan3A_384 : i32
        %get3A_420 = arith.index_cast %mul3A_419 : i32 to index
        %get3A_421 = arith.constant 32 : index
        %get3A_422 = tpu.vector_load %arg9[%get3A_420, %get3A_421] {strides = array<i32>} : memref<256x128xf32, #tpu.memory_space<vmem>>, vector<16xf32>,
        %mul3A_423 = arith.constant 2 : i32
        %mul3A_424 = arith.muli %mul3A_423, %scan3A_384 : i32
        %add3A_425 = arith.constant 1 : i32
        %add3A_426 = arith.addi %mul3A_424, %add3A_425 : i32
        %get3A_427 = arith.index_cast %add3A_426 : i32 to index
        %get3A_428 = arith.constant 32 : index
        %get3A_429 = tpu.vector_load %arg9[%get3A_427, %get3A_428] {strides = array<i32>} : memref<256x128xf32, #tpu.memory_space<vmem>>, vector<16xf32>,
        %mul3A_430 = arith.mulf %get3A_422, %get3A_422 : vector<16xf32>
        %add3A_431 = arith.addf %add3A_417, %mul3A_430 : vector<16xf32>
        %mul3A_432 = arith.mulf %get3A_429, %get3A_429 : vector<16xf32>
        %add3A_433 = arith.addf %add3A_431, %mul3A_432 : vector<16xf32>
        %mul3A_434 = arith.constant 2 : i32
        %mul3A_435 = arith.muli %mul3A_434, %scan3A_384 : i32
        %get3A_436 = arith.index_cast %mul3A_435 : i32 to index
        %get3A_437 = arith.constant 48 : index
        %get3A_438 = tpu.vector_load %arg9[%get3A_436, %get3A_437] {strides = array<i32>} : memref<256x128xf32, #tpu.memory_space<vmem>>, vector<16xf32>,
        %mul3A_439 = arith.constant 2 : i32
        %mul3A_440 = arith.muli %mul3A_439, %scan3A_384 : i32
        %add3A_441 = arith.constant 1 : i32
        %add3A_442 = arith.addi %mul3A_440, %add3A_441 : i32
        %get3A_443 = arith.index_cast %add3A_442 : i32 to index
        %get3A_444 = arith.constant 48 : index
        %get3A_445 = tpu.vector_load %arg9[%get3A_443, %get3A_444] {strides = array<i32>} : memref<256x128xf32, #tpu.memory_space<vmem>>, vector<16xf32>,
        %mul3A_446 = arith.mulf %get3A_438, %get3A_438 : vector<16xf32>
        %add3A_447 = arith.addf %add3A_433, %mul3A_446 : vector<16xf32>
        %mul3A_448 = arith.mulf %get3A_445, %get3A_445 : vector<16xf32>
        %add3A_449 = arith.addf %add3A_447, %mul3A_448 : vector<16xf32>
        %mul3A_450 = arith.constant 2 : i32
        %mul3A_451 = arith.muli %mul3A_450, %scan3A_384 : i32
        %get3A_452 = arith.index_cast %mul3A_451 : i32 to index
        %get3A_453 = arith.constant 64 : index
        %get3A_454 = tpu.vector_load %arg9[%get3A_452, %get3A_453] {strides = array<i32>} : memref<256x128xf32, #tpu.memory_space<vmem>>, vector<16xf32>,
        %mul3A_455 = arith.constant 2 : i32
        %mul3A_456 = arith.muli %mul3A_455, %scan3A_384 : i32
        %add3A_457 = arith.constant 1 : i32
        %add3A_458 = arith.addi %mul3A_456, %add3A_457 : i32
        %get3A_459 = arith.index_cast %add3A_458 : i32 to index
        %get3A_460 = arith.constant 64 : index
        %get3A_461 = tpu.vector_load %arg9[%get3A_459, %get3A_460] {strides = array<i32>} : memref<256x128xf32, #tpu.memory_space<vmem>>, vector<16xf32>,
        %mul3A_462 = arith.mulf %get3A_454, %get3A_454 : vector<16xf32>
        %add3A_463 = arith.addf %add3A_449, %mul3A_462 : vector<16xf32>
        %mul3A_464 = arith.mulf %get3A_461, %get3A_461 : vector<16xf32>
        %add3A_465 = arith.addf %add3A_463, %mul3A_464 : vector<16xf32>
        %mul3A_466 = arith.constant 2 : i32
        %mul3A_467 = arith.muli %mul3A_466, %scan3A_384 : i32
        %get3A_468 = arith.index_cast %mul3A_467 : i32 to index
        %get3A_469 = arith.constant 80 : index
        %get3A_470 = tpu.vector_load %arg9[%get3A_468, %get3A_469] {strides = array<i32>} : memref<256x128xf32, #tpu.memory_space<vmem>>, vector<16xf32>,
        %mul3A_471 = arith.constant 2 : i32
        %mul3A_472 = arith.muli %mul3A_471, %scan3A_384 : i32
        %add3A_473 = arith.constant 1 : i32
        %add3A_474 = arith.addi %mul3A_472, %add3A_473 : i32
        %get3A_475 = arith.index_cast %add3A_474 : i32 to index
        %get3A_476 = arith.constant 80 : index
        %get3A_477 = tpu.vector_load %arg9[%get3A_475, %get3A_476] {strides = array<i32>} : memref<256x128xf32, #tpu.memory_space<vmem>>, vector<16xf32>,
        %mul3A_478 = arith.mulf %get3A_470, %get3A_470 : vector<16xf32>
        %add3A_479 = arith.addf %add3A_465, %mul3A_478 : vector<16xf32>
        %mul3A_480 = arith.mulf %get3A_477, %get3A_477 : vector<16xf32>
        %add3A_481 = arith.addf %add3A_479, %mul3A_480 : vector<16xf32>
        %mul3A_482 = arith.constant 2 : i32
        %mul3A_483 = arith.muli %mul3A_482, %scan3A_384 : i32
        %get3A_484 = arith.index_cast %mul3A_483 : i32 to index
        %get3A_485 = arith.constant 96 : index
        %get3A_486 = tpu.vector_load %arg9[%get3A_484, %get3A_485] {strides = array<i32>} : memref<256x128xf32, #tpu.memory_space<vmem>>, vector<16xf32>,
        %mul3A_487 = arith.constant 2 : i32
        %mul3A_488 = arith.muli %mul3A_487, %scan3A_384 : i32
        %add3A_489 = arith.constant 1 : i32
        %add3A_490 = arith.addi %mul3A_488, %add3A_489 : i32
        %get3A_491 = arith.index_cast %add3A_490 : i32 to index
        %get3A_492 = arith.constant 96 : index
        %get3A_493 = tpu.vector_load %arg9[%get3A_491, %get3A_492] {strides = array<i32>} : memref<256x128xf32, #tpu.memory_space<vmem>>, vector<16xf32>,
        %mul3A_494 = arith.mulf %get3A_486, %get3A_486 : vector<16xf32>
        %add3A_495 = arith.addf %add3A_481, %mul3A_494 : vector<16xf32>
        %mul3A_496 = arith.mulf %get3A_493, %get3A_493 : vector<16xf32>
        %add3A_497 = arith.addf %add3A_495, %mul3A_496 : vector<16xf32>
        %mul3A_498 = arith.constant 2 : i32
        %mul3A_499 = arith.muli %mul3A_498, %scan3A_384 : i32
        %get3A_500 = arith.index_cast %mul3A_499 : i32 to index
        %get3A_501 = arith.constant 112 : index
        %get3A_502 = tpu.vector_load %arg9[%get3A_500, %get3A_501] {strides = array<i32>} : memref<256x128xf32, #tpu.memory_space<vmem>>, vector<16xf32>,
        %mul3A_503 = arith.constant 2 : i32
        %mul3A_504 = arith.muli %mul3A_503, %scan3A_384 : i32
        %add3A_505 = arith.constant 1 : i32
        %add3A_506 = arith.addi %mul3A_504, %add3A_505 : i32
        %get3A_507 = arith.index_cast %add3A_506 : i32 to index
        %get3A_508 = arith.constant 112 : index
        %get3A_509 = tpu.vector_load %arg9[%get3A_507, %get3A_508] {strides = array<i32>} : memref<256x128xf32, #tpu.memory_space<vmem>>, vector<16xf32>,
        %mul3A_510 = arith.mulf %get3A_502, %get3A_502 : vector<16xf32>
        %add3A_511 = arith.addf %add3A_497, %mul3A_510 : vector<16xf32>
        %mul3A_512 = arith.mulf %get3A_509, %get3A_509 : vector<16xf32>
        %add3A_513 = arith.addf %add3A_511, %mul3A_512 : vector<16xf32>
        scf.yield %add3A_513 : vector<16xf32>
      }
      %scan3A_272 = arith.constant 128 : i32
      %get3A_273 = arith.constant 0 : index
      %get3A_274 = tpu.vector_load %arg19[%get3A_273] {strides = array<i32>} : memref<16xf32, #tpu.memory_space<vmem>>, vector<16xf32>,
      %add3A_275 = arith.addf %get3A_274, %scan3A_271 : vector<16xf32>
      %swap3A_276 = arith.constant 0 : index
      %swap3A_277 = tpu.vector_load %arg19[%swap3A_276] {strides = array<i32>} : memref<16xf32, #tpu.memory_space<vmem>>, vector<16xf32>,
      tpu.vector_store %arg19[%swap3A_276], %add3A_275 {strides = array<i32>} : memref<16xf32, #tpu.memory_space<vmem>>, vector<16xf32>,
      %dma_wait3A_278 = arith.constant 0 : i32
      %dma_wait3A_279 = arith.constant 0 : i32
      %dma_wait3A_280 = tpu.memref_slice %arg9[%dma_wait3A_278, %dma_wait3A_279] : memref<256x128xf32, #tpu.memory_space<vmem>> -> memref<128x128xf32, #tpu.memory_space<vmem>>
      %dma_wait3A_281 = arith.constant 0 : i32
      %dma_wait3A_282 = arith.constant 0 : i32
      %dma_wait3A_283 = tpu.memref_slice %arg7[%dma_wait3A_281, %dma_wait3A_282] : memref<1024x128xf32, #tpu.memory_space<vmem_shared>> -> memref<1024x128xf32, #tpu.memory_space<vmem_shared>>
      tpu.wait_indirect_dma semaphore(%arg28 : memref<!tpu.dma_semaphore, #tpu.memory_space<semaphore_mem>>) src(%dma_wait3A_280 : memref<128x128xf32, #tpu.memory_space<vmem>>) dst(%dma_wait3A_283 : memref<1024x128xf32, #tpu.memory_space<vmem_shared>>)
      %dma_wait3A_284 = arith.constant 128 : i32
      %dma_wait3A_285 = arith.constant 0 : i32
      %dma_wait3A_286 = tpu.memref_slice %arg9[%dma_wait3A_284, %dma_wait3A_285] : memref<256x128xf32, #tpu.memory_space<vmem>> -> memref<128x128xf32, #tpu.memory_space<vmem>>
      %dma_wait3A_287 = arith.constant 0 : i32
      %dma_wait3A_288 = arith.constant 0 : i32
      %dma_wait3A_289 = tpu.memref_slice %arg7[%dma_wait3A_287, %dma_wait3A_288] : memref<1024x128xf32, #tpu.memory_space<vmem_shared>> -> memref<1024x128xf32, #tpu.memory_space<vmem_shared>>
      tpu.wait_indirect_dma semaphore(%arg28 : memref<!tpu.dma_semaphore, #tpu.memory_space<semaphore_mem>>) src(%dma_wait3A_286 : memref<128x128xf32, #tpu.memory_space<vmem>>) dst(%dma_wait3A_289 : memref<1024x128xf32, #tpu.memory_space<vmem_shared>>)
      %lt3A_290 = arith.constant 12 : i32
      %lt3A_291 = arith.cmpi slt, %scan3A_116, %lt3A_290 : i32
      %convert_element_type3A_292 = arith.extui %lt3A_291 : i1 to i32
      %cond3A_293 = arith.constant 0 : i32
      %cond3A_294 = arith.cmpi ne, %convert_element_type3A_292, %cond3A_293 : i32
      scf.if %cond3A_294 {
        %add3A_384 = arith.constant 1 : i32
        %add3A_385 = arith.addi %add3A_120, %add3A_384 : i32
        %add3A_386 = arith.constant 3 : i32
        %add3A_387 = arith.addi %add3A_385, %add3A_386 : i32
        %mul3A_388 = arith.constant 256 : i32
        %mul3A_389 = arith.muli %add3A_387, %mul3A_388 : i32
        %dma_start3A_390 = arith.constant 0 : i32
        %dma_start3A_391 = tpu.memref_slice %arg2[%mul3A_389, %dma_start3A_390] : memref<320000x128xf32, #tpu.memory_space<hbm>> -> memref<256x128xf32, #tpu.memory_space<hbm>>
        %dma_start3A_392 = arith.constant 0 : i32
        %dma_start3A_393 = tpu.memref_slice %arg2[%mul3A_389, %dma_start3A_392] : memref<320000x128xf32, #tpu.memory_space<hbm>> -> memref<256x128xf32, #tpu.memory_space<hbm>>
        tpu.enqueue_dma source(%dma_start3A_393 : memref<256x128xf32, #tpu.memory_space<hbm>>) target(%arg9 : memref<256x128xf32, #tpu.memory_space<vmem>>) target_semaphore(%arg22 : memref<!tpu.dma_semaphore, #tpu.memory_space<semaphore_mem>>)
        %dma_start3A_394 = tpu.memref_slice %arg3[%mul3A_389] : memref<320000xi32, #tpu.memory_space<hbm>> -> memref<128xi32, #tpu.memory_space<hbm>>
        %dma_start3A_395 = tpu.memref_slice %arg3[%mul3A_389] : memref<320000xi32, #tpu.memory_space<hbm>> -> memref<128xi32, #tpu.memory_space<hbm>>
        tpu.enqueue_dma source(%dma_start3A_395 : memref<128xi32, #tpu.memory_space<hbm>>) target(%arg13 : memref<128xi32, #tpu.memory_space<vmem>>) target_semaphore(%arg25 : memref<!tpu.dma_semaphore, #tpu.memory_space<semaphore_mem>>)
        %add3A_396 = arith.constant 128 : i32
        %add3A_397 = arith.addi %mul3A_389, %add3A_396 : i32
        %dma_start3A_398 = tpu.memref_slice %arg3[%add3A_397] : memref<320000xi32, #tpu.memory_space<hbm>> -> memref<128xi32, #tpu.memory_space<hbm>>
        %dma_start3A_399 = tpu.memref_slice %arg3[%add3A_397] : memref<320000xi32, #tpu.memory_space<hbm>> -> memref<128xi32, #tpu.memory_space<hbm>>
        tpu.enqueue_dma source(%dma_start3A_399 : memref<128xi32, #tpu.memory_space<hbm>>) target(%arg14 : memref<128xi32, #tpu.memory_space<vmem>>) target_semaphore(%arg25 : memref<!tpu.dma_semaphore, #tpu.memory_space<semaphore_mem>>)
      } else {
      }
      %dma_wait3A_295 = arith.constant 0 : i32
      %dma_wait3A_296 = arith.constant 0 : i32
      %dma_wait3A_297 = tpu.memref_slice %arg2[%dma_wait3A_295, %dma_wait3A_296] : memref<320000x128xf32, #tpu.memory_space<hbm>> -> memref<256x128xf32, #tpu.memory_space<hbm>>
      %dma_wait3A_298 = arith.constant 0 : i32
      %dma_wait3A_299 = arith.constant 0 : i32
      %dma_wait3A_300 = tpu.memref_slice %arg2[%dma_wait3A_298, %dma_wait3A_299] : memref<320000x128xf32, #tpu.memory_space<hbm>> -> memref<256x128xf32, #tpu.memory_space<hbm>>
      tpu.wait_dma2 semaphore(%arg23 : memref<!tpu.dma_semaphore, #tpu.memory_space<semaphore_mem>>) src(%dma_wait3A_300 : memref<256x128xf32, #tpu.memory_space<hbm>>) dst(%arg10 : memref<256x128xf32, #tpu.memory_space<vmem>>)
      %dma_wait3A_301 = arith.constant 0 : i32
      %dma_wait3A_302 = tpu.memref_slice %arg3[%dma_wait3A_301] : memref<320000xi32, #tpu.memory_space<hbm>> -> memref<128xi32, #tpu.memory_space<hbm>>
      %dma_wait3A_303 = arith.constant 0 : i32
      %dma_wait3A_304 = tpu.memref_slice %arg3[%dma_wait3A_303] : memref<320000xi32, #tpu.memory_space<hbm>> -> memref<128xi32, #tpu.memory_space<hbm>>
      tpu.wait_dma2 semaphore(%arg26 : memref<!tpu.dma_semaphore, #tpu.memory_space<semaphore_mem>>) src(%dma_wait3A_304 : memref<128xi32, #tpu.memory_space<hbm>>) dst(%arg15 : memref<128xi32, #tpu.memory_space<vmem>>)
      %dma_wait3A_305 = arith.constant 0 : i32
      %dma_wait3A_306 = tpu.memref_slice %arg3[%dma_wait3A_305] : memref<320000xi32, #tpu.memory_space<hbm>> -> memref<128xi32, #tpu.memory_space<hbm>>
      %dma_wait3A_307 = arith.constant 0 : i32
      %dma_wait3A_308 = tpu.memref_slice %arg3[%dma_wait3A_307] : memref<320000xi32, #tpu.memory_space<hbm>> -> memref<128xi32, #tpu.memory_space<hbm>>
      tpu.wait_dma2 semaphore(%arg26 : memref<!tpu.dma_semaphore, #tpu.memory_space<semaphore_mem>>) src(%dma_wait3A_308 : memref<128xi32, #tpu.memory_space<hbm>>) dst(%arg16 : memref<128xi32, #tpu.memory_space<vmem>>)
      %dma_start3A_309 = arith.constant 0 : i32
      %dma_start3A_310 = arith.constant 0 : i32
      %dma_start3A_311 = tpu.memref_slice %arg10[%dma_start3A_309, %dma_start3A_310] : memref<256x128xf32, #tpu.memory_space<vmem>> -> memref<128x128xf32, #tpu.memory_space<vmem>>
      %dma_start3A_312 = arith.constant 0 : i32
      %dma_start3A_313 = arith.constant 0 : i32
      %dma_start3A_314 = tpu.memref_slice %arg7[%dma_start3A_312, %dma_start3A_313] : memref<1024x128xf32, #tpu.memory_space<vmem_shared>> -> memref<1024x128xf32, #tpu.memory_space<vmem_shared>>
      tpu.enqueue_indirect_dma source(%dma_start3A_311 : memref<128x128xf32, #tpu.memory_space<vmem>>) target(%dma_start3A_314 : memref<1024x128xf32, #tpu.memory_space<vmem_shared>>) offsets(%arg15 : memref<128xi32, #tpu.memory_space<vmem>>) semaphore(%arg29 : memref<!tpu.dma_semaphore, #tpu.memory_space<semaphore_mem>>) {add = true}
      %dma_start3A_315 = arith.constant 128 : i32
      %dma_start3A_316 = arith.constant 0 : i32
      %dma_start3A_317 = tpu.memref_slice %arg10[%dma_start3A_315, %dma_start3A_316] : memref<256x128xf32, #tpu.memory_space<vmem>> -> memref<128x128xf32, #tpu.memory_space<vmem>>
      %dma_start3A_318 = arith.constant 0 : i32
      %dma_start3A_319 = arith.constant 0 : i32
      %dma_start3A_320 = tpu.memref_slice %arg7[%dma_start3A_318, %dma_start3A_319] : memref<1024x128xf32, #tpu.memory_space<vmem_shared>> -> memref<1024x128xf32, #tpu.memory_space<vmem_shared>>
      tpu.enqueue_indirect_dma source(%dma_start3A_317 : memref<128x128xf32, #tpu.memory_space<vmem>>) target(%dma_start3A_320 : memref<1024x128xf32, #tpu.memory_space<vmem_shared>>) offsets(%arg16 : memref<128xi32, #tpu.memory_space<vmem>>) semaphore(%arg29 : memref<!tpu.dma_semaphore, #tpu.memory_space<semaphore_mem>>) {add = true}
      %get3A_321 = arith.constant 0 : index
      %get3A_322 = tpu.vector_load %arg15[%get3A_321] {strides = array<i32>} : memref<128xi32, #tpu.memory_space<vmem>>, vector<16xi32>,
      tpu.vector_store_idx %arg17[%iota3A, %get3A_322], %broadcast_in_dim3A_5 {add = true} : memref<16x1024xi32, #tpu.memory_space<vmem>>[vector<16xi32>, vector<16xi32>], vector<16xi32>,
      %get3A_323 = arith.constant 16 : index
      %get3A_324 = tpu.vector_load %arg15[%get3A_323] {strides = array<i32>} : memref<128xi32, #tpu.memory_space<vmem>>, vector<16xi32>,
      tpu.vector_store_idx %arg17[%iota3A, %get3A_324], %broadcast_in_dim3A_5 {add = true} : memref<16x1024xi32, #tpu.memory_space<vmem>>[vector<16xi32>, vector<16xi32>], vector<16xi32>,
      %get3A_325 = arith.constant 32 : index
      %get3A_326 = tpu.vector_load %arg15[%get3A_325] {strides = array<i32>} : memref<128xi32, #tpu.memory_space<vmem>>, vector<16xi32>,
      tpu.vector_store_idx %arg17[%iota3A, %get3A_326], %broadcast_in_dim3A_5 {add = true} : memref<16x1024xi32, #tpu.memory_space<vmem>>[vector<16xi32>, vector<16xi32>], vector<16xi32>,
      %get3A_327 = arith.constant 48 : index
      %get3A_328 = tpu.vector_load %arg15[%get3A_327] {strides = array<i32>} : memref<128xi32, #tpu.memory_space<vmem>>, vector<16xi32>,
      tpu.vector_store_idx %arg17[%iota3A, %get3A_328], %broadcast_in_dim3A_5 {add = true} : memref<16x1024xi32, #tpu.memory_space<vmem>>[vector<16xi32>, vector<16xi32>], vector<16xi32>,
      %get3A_329 = arith.constant 64 : index
      %get3A_330 = tpu.vector_load %arg15[%get3A_329] {strides = array<i32>} : memref<128xi32, #tpu.memory_space<vmem>>, vector<16xi32>,
      tpu.vector_store_idx %arg17[%iota3A, %get3A_330], %broadcast_in_dim3A_5 {add = true} : memref<16x1024xi32, #tpu.memory_space<vmem>>[vector<16xi32>, vector<16xi32>], vector<16xi32>,
      %get3A_331 = arith.constant 80 : index
      %get3A_332 = tpu.vector_load %arg15[%get3A_331] {strides = array<i32>} : memref<128xi32, #tpu.memory_space<vmem>>, vector<16xi32>,
      tpu.vector_store_idx %arg17[%iota3A, %get3A_332], %broadcast_in_dim3A_5 {add = true} : memref<16x1024xi32, #tpu.memory_space<vmem>>[vector<16xi32>, vector<16xi32>], vector<16xi32>,
      %get3A_333 = arith.constant 96 : index
      %get3A_334 = tpu.vector_load %arg15[%get3A_333] {strides = array<i32>} : memref<128xi32, #tpu.memory_space<vmem>>, vector<16xi32>,
      tpu.vector_store_idx %arg17[%iota3A, %get3A_334], %broadcast_in_dim3A_5 {add = true} : memref<16x1024xi32, #tpu.memory_space<vmem>>[vector<16xi32>, vector<16xi32>], vector<16xi32>,
      %get3A_335 = arith.constant 112 : index
      %get3A_336 = tpu.vector_load %arg15[%get3A_335] {strides = array<i32>} : memref<128xi32, #tpu.memory_space<vmem>>, vector<16xi32>,
      tpu.vector_store_idx %arg17[%iota3A, %get3A_336], %broadcast_in_dim3A_5 {add = true} : memref<16x1024xi32, #tpu.memory_space<vmem>>[vector<16xi32>, vector<16xi32>], vector<16xi32>,
      %get3A_337 = arith.constant 0 : index
      %get3A_338 = tpu.vector_load %arg16[%get3A_337] {strides = array<i32>} : memref<128xi32, #tpu.memory_space<vmem>>, vector<16xi32>,
      tpu.vector_store_idx %arg17[%iota3A, %get3A_338], %broadcast_in_dim3A_5 {add = true} : memref<16x1024xi32, #tpu.memory_space<vmem>>[vector<16xi32>, vector<16xi32>], vector<16xi32>,
      %get3A_339 = arith.constant 16 : index
      %get3A_340 = tpu.vector_load %arg16[%get3A_339] {strides = array<i32>} : memref<128xi32, #tpu.memory_space<vmem>>, vector<16xi32>,
      tpu.vector_store_idx %arg17[%iota3A, %get3A_340], %broadcast_in_dim3A_5 {add = true} : memref<16x1024xi32, #tpu.memory_space<vmem>>[vector<16xi32>, vector<16xi32>], vector<16xi32>,
      %get3A_341 = arith.constant 32 : index
      %get3A_342 = tpu.vector_load %arg16[%get3A_341] {strides = array<i32>} : memref<128xi32, #tpu.memory_space<vmem>>, vector<16xi32>,
      tpu.vector_store_idx %arg17[%iota3A, %get3A_342], %broadcast_in_dim3A_5 {add = true} : memref<16x1024xi32, #tpu.memory_space<vmem>>[vector<16xi32>, vector<16xi32>], vector<16xi32>,
      %get3A_343 = arith.constant 48 : index
      %get3A_344 = tpu.vector_load %arg16[%get3A_343] {strides = array<i32>} : memref<128xi32, #tpu.memory_space<vmem>>, vector<16xi32>,
      tpu.vector_store_idx %arg17[%iota3A, %get3A_344], %broadcast_in_dim3A_5 {add = true} : memref<16x1024xi32, #tpu.memory_space<vmem>>[vector<16xi32>, vector<16xi32>], vector<16xi32>,
      %get3A_345 = arith.constant 64 : index
      %get3A_346 = tpu.vector_load %arg16[%get3A_345] {strides = array<i32>} : memref<128xi32, #tpu.memory_space<vmem>>, vector<16xi32>,
      tpu.vector_store_idx %arg17[%iota3A, %get3A_346], %broadcast_in_dim3A_5 {add = true} : memref<16x1024xi32, #tpu.memory_space<vmem>>[vector<16xi32>, vector<16xi32>], vector<16xi32>,
      %get3A_347 = arith.constant 80 : index
      %get3A_348 = tpu.vector_load %arg16[%get3A_347] {strides = array<i32>} : memref<128xi32, #tpu.memory_space<vmem>>, vector<16xi32>,
      tpu.vector_store_idx %arg17[%iota3A, %get3A_348], %broadcast_in_dim3A_5 {add = true} : memref<16x1024xi32, #tpu.memory_space<vmem>>[vector<16xi32>, vector<16xi32>], vector<16xi32>,
      %get3A_349 = arith.constant 96 : index
      %get3A_350 = tpu.vector_load %arg16[%get3A_349] {strides = array<i32>} : memref<128xi32, #tpu.memory_space<vmem>>, vector<16xi32>,
      tpu.vector_store_idx %arg17[%iota3A, %get3A_350], %broadcast_in_dim3A_5 {add = true} : memref<16x1024xi32, #tpu.memory_space<vmem>>[vector<16xi32>, vector<16xi32>], vector<16xi32>,
      %get3A_351 = arith.constant 112 : index
      %get3A_352 = tpu.vector_load %arg16[%get3A_351] {strides = array<i32>} : memref<128xi32, #tpu.memory_space<vmem>>, vector<16xi32>,
      tpu.vector_store_idx %arg17[%iota3A, %get3A_352], %broadcast_in_dim3A_5 {add = true} : memref<16x1024xi32, #tpu.memory_space<vmem>>[vector<16xi32>, vector<16xi32>], vector<16xi32>,
      %broadcast_in_dim3A_353 = arith.constant 0.000000e+00 : f32
      %broadcast_in_dim3A_354 = vector.broadcast %broadcast_in_dim3A_353 : f32 to vector<16xf32>
      %scan3A_355 = arith.constant 0 : i32
      %scan3A_356 = arith.constant 128 : i32
      %scan3A_357 = arith.addi %scan3A_355, %scan3A_356 : i32
      %scan3A_358 = arith.constant 1 : i32
      %scan3A_359 = scf.for %scan3A_384 = %scan3A_355 to %scan3A_357 step %scan3A_358 iter_args(%scan3A_385 = %broadcast_in_dim3A_354) -> (vector<16xf32>)  : i32 {
        %mul3A_386 = arith.constant 2 : i32
        %mul3A_387 = arith.muli %mul3A_386, %scan3A_384 : i32
        %get3A_388 = arith.index_cast %mul3A_387 : i32 to index
        %get3A_389 = arith.constant 0 : index
        %get3A_390 = tpu.vector_load %arg10[%get3A_388, %get3A_389] {strides = array<i32>} : memref<256x128xf32, #tpu.memory_space<vmem>>, vector<16xf32>,
        %mul3A_391 = arith.constant 2 : i32
        %mul3A_392 = arith.muli %mul3A_391, %scan3A_384 : i32
        %add3A_393 = arith.constant 1 : i32
        %add3A_394 = arith.addi %mul3A_392, %add3A_393 : i32
        %get3A_395 = arith.index_cast %add3A_394 : i32 to index
        %get3A_396 = arith.constant 0 : index
        %get3A_397 = tpu.vector_load %arg10[%get3A_395, %get3A_396] {strides = array<i32>} : memref<256x128xf32, #tpu.memory_space<vmem>>, vector<16xf32>,
        %mul3A_398 = arith.mulf %get3A_390, %get3A_390 : vector<16xf32>
        %add3A_399 = arith.addf %scan3A_385, %mul3A_398 : vector<16xf32>
        %mul3A_400 = arith.mulf %get3A_397, %get3A_397 : vector<16xf32>
        %add3A_401 = arith.addf %add3A_399, %mul3A_400 : vector<16xf32>
        %mul3A_402 = arith.constant 2 : i32
        %mul3A_403 = arith.muli %mul3A_402, %scan3A_384 : i32
        %get3A_404 = arith.index_cast %mul3A_403 : i32 to index
        %get3A_405 = arith.constant 16 : index
        %get3A_406 = tpu.vector_load %arg10[%get3A_404, %get3A_405] {strides = array<i32>} : memref<256x128xf32, #tpu.memory_space<vmem>>, vector<16xf32>,
        %mul3A_407 = arith.constant 2 : i32
        %mul3A_408 = arith.muli %mul3A_407, %scan3A_384 : i32
        %add3A_409 = arith.constant 1 : i32
        %add3A_410 = arith.addi %mul3A_408, %add3A_409 : i32
        %get3A_411 = arith.index_cast %add3A_410 : i32 to index
        %get3A_412 = arith.constant 16 : index
        %get3A_413 = tpu.vector_load %arg10[%get3A_411, %get3A_412] {strides = array<i32>} : memref<256x128xf32, #tpu.memory_space<vmem>>, vector<16xf32>,
        %mul3A_414 = arith.mulf %get3A_406, %get3A_406 : vector<16xf32>
        %add3A_415 = arith.addf %add3A_401, %mul3A_414 : vector<16xf32>
        %mul3A_416 = arith.mulf %get3A_413, %get3A_413 : vector<16xf32>
        %add3A_417 = arith.addf %add3A_415, %mul3A_416 : vector<16xf32>
        %mul3A_418 = arith.constant 2 : i32
        %mul3A_419 = arith.muli %mul3A_418, %scan3A_384 : i32
        %get3A_420 = arith.index_cast %mul3A_419 : i32 to index
        %get3A_421 = arith.constant 32 : index
        %get3A_422 = tpu.vector_load %arg10[%get3A_420, %get3A_421] {strides = array<i32>} : memref<256x128xf32, #tpu.memory_space<vmem>>, vector<16xf32>,
        %mul3A_423 = arith.constant 2 : i32
        %mul3A_424 = arith.muli %mul3A_423, %scan3A_384 : i32
        %add3A_425 = arith.constant 1 : i32
        %add3A_426 = arith.addi %mul3A_424, %add3A_425 : i32
        %get3A_427 = arith.index_cast %add3A_426 : i32 to index
        %get3A_428 = arith.constant 32 : index
        %get3A_429 = tpu.vector_load %arg10[%get3A_427, %get3A_428] {strides = array<i32>} : memref<256x128xf32, #tpu.memory_space<vmem>>, vector<16xf32>,
        %mul3A_430 = arith.mulf %get3A_422, %get3A_422 : vector<16xf32>
        %add3A_431 = arith.addf %add3A_417, %mul3A_430 : vector<16xf32>
        %mul3A_432 = arith.mulf %get3A_429, %get3A_429 : vector<16xf32>
        %add3A_433 = arith.addf %add3A_431, %mul3A_432 : vector<16xf32>
        %mul3A_434 = arith.constant 2 : i32
        %mul3A_435 = arith.muli %mul3A_434, %scan3A_384 : i32
        %get3A_436 = arith.index_cast %mul3A_435 : i32 to index
        %get3A_437 = arith.constant 48 : index
        %get3A_438 = tpu.vector_load %arg10[%get3A_436, %get3A_437] {strides = array<i32>} : memref<256x128xf32, #tpu.memory_space<vmem>>, vector<16xf32>,
        %mul3A_439 = arith.constant 2 : i32
        %mul3A_440 = arith.muli %mul3A_439, %scan3A_384 : i32
        %add3A_441 = arith.constant 1 : i32
        %add3A_442 = arith.addi %mul3A_440, %add3A_441 : i32
        %get3A_443 = arith.index_cast %add3A_442 : i32 to index
        %get3A_444 = arith.constant 48 : index
        %get3A_445 = tpu.vector_load %arg10[%get3A_443, %get3A_444] {strides = array<i32>} : memref<256x128xf32, #tpu.memory_space<vmem>>, vector<16xf32>,
        %mul3A_446 = arith.mulf %get3A_438, %get3A_438 : vector<16xf32>
        %add3A_447 = arith.addf %add3A_433, %mul3A_446 : vector<16xf32>
        %mul3A_448 = arith.mulf %get3A_445, %get3A_445 : vector<16xf32>
        %add3A_449 = arith.addf %add3A_447, %mul3A_448 : vector<16xf32>
        %mul3A_450 = arith.constant 2 : i32
        %mul3A_451 = arith.muli %mul3A_450, %scan3A_384 : i32
        %get3A_452 = arith.index_cast %mul3A_451 : i32 to index
        %get3A_453 = arith.constant 64 : index
        %get3A_454 = tpu.vector_load %arg10[%get3A_452, %get3A_453] {strides = array<i32>} : memref<256x128xf32, #tpu.memory_space<vmem>>, vector<16xf32>,
        %mul3A_455 = arith.constant 2 : i32
        %mul3A_456 = arith.muli %mul3A_455, %scan3A_384 : i32
        %add3A_457 = arith.constant 1 : i32
        %add3A_458 = arith.addi %mul3A_456, %add3A_457 : i32
        %get3A_459 = arith.index_cast %add3A_458 : i32 to index
        %get3A_460 = arith.constant 64 : index
        %get3A_461 = tpu.vector_load %arg10[%get3A_459, %get3A_460] {strides = array<i32>} : memref<256x128xf32, #tpu.memory_space<vmem>>, vector<16xf32>,
        %mul3A_462 = arith.mulf %get3A_454, %get3A_454 : vector<16xf32>
        %add3A_463 = arith.addf %add3A_449, %mul3A_462 : vector<16xf32>
        %mul3A_464 = arith.mulf %get3A_461, %get3A_461 : vector<16xf32>
        %add3A_465 = arith.addf %add3A_463, %mul3A_464 : vector<16xf32>
        %mul3A_466 = arith.constant 2 : i32
        %mul3A_467 = arith.muli %mul3A_466, %scan3A_384 : i32
        %get3A_468 = arith.index_cast %mul3A_467 : i32 to index
        %get3A_469 = arith.constant 80 : index
        %get3A_470 = tpu.vector_load %arg10[%get3A_468, %get3A_469] {strides = array<i32>} : memref<256x128xf32, #tpu.memory_space<vmem>>, vector<16xf32>,
        %mul3A_471 = arith.constant 2 : i32
        %mul3A_472 = arith.muli %mul3A_471, %scan3A_384 : i32
        %add3A_473 = arith.constant 1 : i32
        %add3A_474 = arith.addi %mul3A_472, %add3A_473 : i32
        %get3A_475 = arith.index_cast %add3A_474 : i32 to index
        %get3A_476 = arith.constant 80 : index
        %get3A_477 = tpu.vector_load %arg10[%get3A_475, %get3A_476] {strides = array<i32>} : memref<256x128xf32, #tpu.memory_space<vmem>>, vector<16xf32>,
        %mul3A_478 = arith.mulf %get3A_470, %get3A_470 : vector<16xf32>
        %add3A_479 = arith.addf %add3A_465, %mul3A_478 : vector<16xf32>
        %mul3A_480 = arith.mulf %get3A_477, %get3A_477 : vector<16xf32>
        %add3A_481 = arith.addf %add3A_479, %mul3A_480 : vector<16xf32>
        %mul3A_482 = arith.constant 2 : i32
        %mul3A_483 = arith.muli %mul3A_482, %scan3A_384 : i32
        %get3A_484 = arith.index_cast %mul3A_483 : i32 to index
        %get3A_485 = arith.constant 96 : index
        %get3A_486 = tpu.vector_load %arg10[%get3A_484, %get3A_485] {strides = array<i32>} : memref<256x128xf32, #tpu.memory_space<vmem>>, vector<16xf32>,
        %mul3A_487 = arith.constant 2 : i32
        %mul3A_488 = arith.muli %mul3A_487, %scan3A_384 : i32
        %add3A_489 = arith.constant 1 : i32
        %add3A_490 = arith.addi %mul3A_488, %add3A_489 : i32
        %get3A_491 = arith.index_cast %add3A_490 : i32 to index
        %get3A_492 = arith.constant 96 : index
        %get3A_493 = tpu.vector_load %arg10[%get3A_491, %get3A_492] {strides = array<i32>} : memref<256x128xf32, #tpu.memory_space<vmem>>, vector<16xf32>,
        %mul3A_494 = arith.mulf %get3A_486, %get3A_486 : vector<16xf32>
        %add3A_495 = arith.addf %add3A_481, %mul3A_494 : vector<16xf32>
        %mul3A_496 = arith.mulf %get3A_493, %get3A_493 : vector<16xf32>
        %add3A_497 = arith.addf %add3A_495, %mul3A_496 : vector<16xf32>
        %mul3A_498 = arith.constant 2 : i32
        %mul3A_499 = arith.muli %mul3A_498, %scan3A_384 : i32
        %get3A_500 = arith.index_cast %mul3A_499 : i32 to index
        %get3A_501 = arith.constant 112 : index
        %get3A_502 = tpu.vector_load %arg10[%get3A_500, %get3A_501] {strides = array<i32>} : memref<256x128xf32, #tpu.memory_space<vmem>>, vector<16xf32>,
        %mul3A_503 = arith.constant 2 : i32
        %mul3A_504 = arith.muli %mul3A_503, %scan3A_384 : i32
        %add3A_505 = arith.constant 1 : i32
        %add3A_506 = arith.addi %mul3A_504, %add3A_505 : i32
        %get3A_507 = arith.index_cast %add3A_506 : i32 to index
        %get3A_508 = arith.constant 112 : index
        %get3A_509 = tpu.vector_load %arg10[%get3A_507, %get3A_508] {strides = array<i32>} : memref<256x128xf32, #tpu.memory_space<vmem>>, vector<16xf32>,
        %mul3A_510 = arith.mulf %get3A_502, %get3A_502 : vector<16xf32>
        %add3A_511 = arith.addf %add3A_497, %mul3A_510 : vector<16xf32>
        %mul3A_512 = arith.mulf %get3A_509, %get3A_509 : vector<16xf32>
        %add3A_513 = arith.addf %add3A_511, %mul3A_512 : vector<16xf32>
        scf.yield %add3A_513 : vector<16xf32>
      }
      %scan3A_360 = arith.constant 128 : i32
      %get3A_361 = arith.constant 0 : index
      %get3A_362 = tpu.vector_load %arg19[%get3A_361] {strides = array<i32>} : memref<16xf32, #tpu.memory_space<vmem>>, vector<16xf32>,
      %add3A_363 = arith.addf %get3A_362, %scan3A_359 : vector<16xf32>
      %swap3A_364 = arith.constant 0 : index
      %swap3A_365 = tpu.vector_load %arg19[%swap3A_364] {strides = array<i32>} : memref<16xf32, #tpu.memory_space<vmem>>, vector<16xf32>,
      tpu.vector_store %arg19[%swap3A_364], %add3A_363 {strides = array<i32>} : memref<16xf32, #tpu.memory_space<vmem>>, vector<16xf32>,
      %dma_wait3A_366 = arith.constant 0 : i32
      %dma_wait3A_367 = arith.constant 0 : i32
      %dma_wait3A_368 = tpu.memref_slice %arg10[%dma_wait3A_366, %dma_wait3A_367] : memref<256x128xf32, #tpu.memory_space<vmem>> -> memref<128x128xf32, #tpu.memory_space<vmem>>
      %dma_wait3A_369 = arith.constant 0 : i32
      %dma_wait3A_370 = arith.constant 0 : i32
      %dma_wait3A_371 = tpu.memref_slice %arg7[%dma_wait3A_369, %dma_wait3A_370] : memref<1024x128xf32, #tpu.memory_space<vmem_shared>> -> memref<1024x128xf32, #tpu.memory_space<vmem_shared>>
      tpu.wait_indirect_dma semaphore(%arg29 : memref<!tpu.dma_semaphore, #tpu.memory_space<semaphore_mem>>) src(%dma_wait3A_368 : memref<128x128xf32, #tpu.memory_space<vmem>>) dst(%dma_wait3A_371 : memref<1024x128xf32, #tpu.memory_space<vmem_shared>>)
      %dma_wait3A_372 = arith.constant 128 : i32
      %dma_wait3A_373 = arith.constant 0 : i32
      %dma_wait3A_374 = tpu.memref_slice %arg10[%dma_wait3A_372, %dma_wait3A_373] : memref<256x128xf32, #tpu.memory_space<vmem>> -> memref<128x128xf32, #tpu.memory_space<vmem>>
      %dma_wait3A_375 = arith.constant 0 : i32
      %dma_wait3A_376 = arith.constant 0 : i32
      %dma_wait3A_377 = tpu.memref_slice %arg7[%dma_wait3A_375, %dma_wait3A_376] : memref<1024x128xf32, #tpu.memory_space<vmem_shared>> -> memref<1024x128xf32, #tpu.memory_space<vmem_shared>>
      tpu.wait_indirect_dma semaphore(%arg29 : memref<!tpu.dma_semaphore, #tpu.memory_space<semaphore_mem>>) src(%dma_wait3A_374 : memref<128x128xf32, #tpu.memory_space<vmem>>) dst(%dma_wait3A_377 : memref<1024x128xf32, #tpu.memory_space<vmem_shared>>)
      %lt3A_378 = arith.constant 12 : i32
      %lt3A_379 = arith.cmpi slt, %scan3A_116, %lt3A_378 : i32
      %convert_element_type3A_380 = arith.extui %lt3A_379 : i1 to i32
      %cond3A_381 = arith.constant 0 : i32
      %cond3A_382 = arith.cmpi ne, %convert_element_type3A_380, %cond3A_381 : i32
      scf.if %cond3A_382 {
        %add3A_384 = arith.constant 2 : i32
        %add3A_385 = arith.addi %add3A_120, %add3A_384 : i32
        %add3A_386 = arith.constant 3 : i32
        %add3A_387 = arith.addi %add3A_385, %add3A_386 : i32
        %mul3A_388 = arith.constant 256 : i32
        %mul3A_389 = arith.muli %add3A_387, %mul3A_388 : i32
        %dma_start3A_390 = arith.constant 0 : i32
        %dma_start3A_391 = tpu.memref_slice %arg2[%mul3A_389, %dma_start3A_390] : memref<320000x128xf32, #tpu.memory_space<hbm>> -> memref<256x128xf32, #tpu.memory_space<hbm>>
        %dma_start3A_392 = arith.constant 0 : i32
        %dma_start3A_393 = tpu.memref_slice %arg2[%mul3A_389, %dma_start3A_392] : memref<320000x128xf32, #tpu.memory_space<hbm>> -> memref<256x128xf32, #tpu.memory_space<hbm>>
        tpu.enqueue_dma source(%dma_start3A_393 : memref<256x128xf32, #tpu.memory_space<hbm>>) target(%arg10 : memref<256x128xf32, #tpu.memory_space<vmem>>) target_semaphore(%arg23 : memref<!tpu.dma_semaphore, #tpu.memory_space<semaphore_mem>>)
        %dma_start3A_394 = tpu.memref_slice %arg3[%mul3A_389] : memref<320000xi32, #tpu.memory_space<hbm>> -> memref<128xi32, #tpu.memory_space<hbm>>
        %dma_start3A_395 = tpu.memref_slice %arg3[%mul3A_389] : memref<320000xi32, #tpu.memory_space<hbm>> -> memref<128xi32, #tpu.memory_space<hbm>>
        tpu.enqueue_dma source(%dma_start3A_395 : memref<128xi32, #tpu.memory_space<hbm>>) target(%arg15 : memref<128xi32, #tpu.memory_space<vmem>>) target_semaphore(%arg26 : memref<!tpu.dma_semaphore, #tpu.memory_space<semaphore_mem>>)
        %add3A_396 = arith.constant 128 : i32
        %add3A_397 = arith.addi %mul3A_389, %add3A_396 : i32
        %dma_start3A_398 = tpu.memref_slice %arg3[%add3A_397] : memref<320000xi32, #tpu.memory_space<hbm>> -> memref<128xi32, #tpu.memory_space<hbm>>
        %dma_start3A_399 = tpu.memref_slice %arg3[%add3A_397] : memref<320000xi32, #tpu.memory_space<hbm>> -> memref<128xi32, #tpu.memory_space<hbm>>
        tpu.enqueue_dma source(%dma_start3A_399 : memref<128xi32, #tpu.memory_space<hbm>>) target(%arg16 : memref<128xi32, #tpu.memory_space<vmem>>) target_semaphore(%arg26 : memref<!tpu.dma_semaphore, #tpu.memory_space<semaphore_mem>>)
      } else {
      }
      %scan3A_383 = arith.constant 0 : i32
      scf.yield %scan3A_383 : i32
    }
    %scan3A_101 = arith.constant 13 : i32
    %lt3A = arith.constant 4 : i32
    %lt3A_102 = arith.cmpi slt, %add3A, %lt3A : i32
    %convert_element_type3A = arith.extui %lt3A_102 : i1 to i32
    %cond3A = arith.constant 0 : i32
    %cond3A_103 = arith.cmpi ne, %convert_element_type3A, %cond3A : i32
    scf.if %cond3A_103 {
      %mul3A_116 = arith.constant 128 : i32
      %mul3A_117 = arith.muli %add3A, %mul3A_116 : i32
      %add3A_118 = arith.constant 319488 : i32
      %add3A_119 = arith.addi %add3A_118, %mul3A_117 : i32
      "tpu.region"() ({
        %run_scoped3A = tpu.sem_alloc : memref<!tpu.dma_semaphore, #tpu.memory_space<semaphore_mem>>
        %dma_start3A_148 = arith.constant 0 : i32
        %dma_start3A_149 = arith.constant 0 : i32
        %dma_start3A_150 = tpu.memref_slice %arg8[%dma_start3A_148, %dma_start3A_149] : memref<256x128xf32, #tpu.memory_space<vmem>> -> memref<128x128xf32, #tpu.memory_space<vmem>>
        %dma_start3A_151 = arith.constant 0 : i32
        %dma_start3A_152 = tpu.memref_slice %arg2[%add3A_119, %dma_start3A_151] : memref<320000x128xf32, #tpu.memory_space<hbm>> -> memref<128x128xf32, #tpu.memory_space<hbm>>
        %dma_start3A_153 = arith.constant 0 : i32
        %dma_start3A_154 = arith.constant 0 : i32
        %dma_start3A_155 = tpu.memref_slice %arg8[%dma_start3A_153, %dma_start3A_154] : memref<256x128xf32, #tpu.memory_space<vmem>> -> memref<128x128xf32, #tpu.memory_space<vmem>>
        %dma_start3A_156 = arith.constant 0 : i32
        %dma_start3A_157 = tpu.memref_slice %arg2[%add3A_119, %dma_start3A_156] : memref<320000x128xf32, #tpu.memory_space<hbm>> -> memref<128x128xf32, #tpu.memory_space<hbm>>
        tpu.enqueue_dma source(%dma_start3A_157 : memref<128x128xf32, #tpu.memory_space<hbm>>) target(%dma_start3A_155 : memref<128x128xf32, #tpu.memory_space<vmem>>) target_semaphore(%run_scoped3A : memref<!tpu.dma_semaphore, #tpu.memory_space<semaphore_mem>>)
        %dma_wait3A = arith.constant 0 : i32
        %dma_wait3A_158 = arith.constant 0 : i32
        %dma_wait3A_159 = tpu.memref_slice %arg8[%dma_wait3A, %dma_wait3A_158] : memref<256x128xf32, #tpu.memory_space<vmem>> -> memref<128x128xf32, #tpu.memory_space<vmem>>
        %dma_wait3A_160 = arith.constant 0 : i32
        %dma_wait3A_161 = tpu.memref_slice %arg2[%add3A_119, %dma_wait3A_160] : memref<320000x128xf32, #tpu.memory_space<hbm>> -> memref<128x128xf32, #tpu.memory_space<hbm>>
        %dma_wait3A_162 = arith.constant 0 : i32
        %dma_wait3A_163 = arith.constant 0 : i32
        %dma_wait3A_164 = tpu.memref_slice %arg8[%dma_wait3A_162, %dma_wait3A_163] : memref<256x128xf32, #tpu.memory_space<vmem>> -> memref<128x128xf32, #tpu.memory_space<vmem>>
        %dma_wait3A_165 = arith.constant 0 : i32
        %dma_wait3A_166 = tpu.memref_slice %arg2[%add3A_119, %dma_wait3A_165] : memref<320000x128xf32, #tpu.memory_space<hbm>> -> memref<128x128xf32, #tpu.memory_space<hbm>>
        tpu.wait_dma2 semaphore(%run_scoped3A : memref<!tpu.dma_semaphore, #tpu.memory_space<semaphore_mem>>) src(%dma_wait3A_166 : memref<128x128xf32, #tpu.memory_space<hbm>>) dst(%dma_wait3A_164 : memref<128x128xf32, #tpu.memory_space<vmem>>)
        tpu.yield
      }) : () -> ()
      "tpu.region"() ({
        %run_scoped3A = tpu.sem_alloc : memref<!tpu.dma_semaphore, #tpu.memory_space<semaphore_mem>>
        %dma_start3A_148 = tpu.memref_slice %arg3[%add3A_119] : memref<320000xi32, #tpu.memory_space<hbm>> -> memref<128xi32, #tpu.memory_space<hbm>>
        %dma_start3A_149 = tpu.memref_slice %arg3[%add3A_119] : memref<320000xi32, #tpu.memory_space<hbm>> -> memref<128xi32, #tpu.memory_space<hbm>>
        tpu.enqueue_dma source(%dma_start3A_149 : memref<128xi32, #tpu.memory_space<hbm>>) target(%arg11 : memref<128xi32, #tpu.memory_space<vmem>>) target_semaphore(%run_scoped3A : memref<!tpu.dma_semaphore, #tpu.memory_space<semaphore_mem>>)
        %dma_wait3A = tpu.memref_slice %arg3[%add3A_119] : memref<320000xi32, #tpu.memory_space<hbm>> -> memref<128xi32, #tpu.memory_space<hbm>>
        %dma_wait3A_150 = tpu.memref_slice %arg3[%add3A_119] : memref<320000xi32, #tpu.memory_space<hbm>> -> memref<128xi32, #tpu.memory_space<hbm>>
        tpu.wait_dma2 semaphore(%run_scoped3A : memref<!tpu.dma_semaphore, #tpu.memory_space<semaphore_mem>>) src(%dma_wait3A_150 : memref<128xi32, #tpu.memory_space<hbm>>) dst(%arg11 : memref<128xi32, #tpu.memory_space<vmem>>)
        tpu.yield
      }) : () -> ()
      "tpu.region"() ({
        %run_scoped3A = tpu.sem_alloc : memref<!tpu.dma_semaphore, #tpu.memory_space<semaphore_mem>>
        %dma_start3A_148 = arith.constant 0 : i32
        %dma_start3A_149 = arith.constant 0 : i32
        %dma_start3A_150 = tpu.memref_slice %arg8[%dma_start3A_148, %dma_start3A_149] : memref<256x128xf32, #tpu.memory_space<vmem>> -> memref<128x128xf32, #tpu.memory_space<vmem>>
        %dma_start3A_151 = arith.constant 0 : i32
        %dma_start3A_152 = arith.constant 0 : i32
        %dma_start3A_153 = tpu.memref_slice %arg7[%dma_start3A_151, %dma_start3A_152] : memref<1024x128xf32, #tpu.memory_space<vmem_shared>> -> memref<1024x128xf32, #tpu.memory_space<vmem_shared>>
        tpu.enqueue_indirect_dma source(%dma_start3A_150 : memref<128x128xf32, #tpu.memory_space<vmem>>) target(%dma_start3A_153 : memref<1024x128xf32, #tpu.memory_space<vmem_shared>>) offsets(%arg11 : memref<128xi32, #tpu.memory_space<vmem>>) semaphore(%run_scoped3A : memref<!tpu.dma_semaphore, #tpu.memory_space<semaphore_mem>>) {add = true}
        %dma_wait3A = arith.constant 0 : i32
        %dma_wait3A_154 = arith.constant 0 : i32
        %dma_wait3A_155 = tpu.memref_slice %arg8[%dma_wait3A, %dma_wait3A_154] : memref<256x128xf32, #tpu.memory_space<vmem>> -> memref<128x128xf32, #tpu.memory_space<vmem>>
        %dma_wait3A_156 = arith.constant 0 : i32
        %dma_wait3A_157 = arith.constant 0 : i32
        %dma_wait3A_158 = tpu.memref_slice %arg7[%dma_wait3A_156, %dma_wait3A_157] : memref<1024x128xf32, #tpu.memory_space<vmem_shared>> -> memref<1024x128xf32, #tpu.memory_space<vmem_shared>>
        tpu.wait_indirect_dma semaphore(%run_scoped3A : memref<!tpu.dma_semaphore, #tpu.memory_space<semaphore_mem>>) src(%dma_wait3A_155 : memref<128x128xf32, #tpu.memory_space<vmem>>) dst(%dma_wait3A_158 : memref<1024x128xf32, #tpu.memory_space<vmem_shared>>)
        tpu.yield
      }) : () -> ()
      %get3A = arith.constant 0 : index
      %get3A_120 = tpu.vector_load %arg11[%get3A] {strides = array<i32>} : memref<128xi32, #tpu.memory_space<vmem>>, vector<16xi32>,
      tpu.vector_store_idx %arg17[%iota3A, %get3A_120], %broadcast_in_dim3A_5 {add = true} : memref<16x1024xi32, #tpu.memory_space<vmem>>[vector<16xi32>, vector<16xi32>], vector<16xi32>,
      %get3A_121 = arith.constant 16 : index
      %get3A_122 = tpu.vector_load %arg11[%get3A_121] {strides = array<i32>} : memref<128xi32, #tpu.memory_space<vmem>>, vector<16xi32>,
      tpu.vector_store_idx %arg17[%iota3A, %get3A_122], %broadcast_in_dim3A_5 {add = true} : memref<16x1024xi32, #tpu.memory_space<vmem>>[vector<16xi32>, vector<16xi32>], vector<16xi32>,
      %get3A_123 = arith.constant 32 : index
      %get3A_124 = tpu.vector_load %arg11[%get3A_123] {strides = array<i32>} : memref<128xi32, #tpu.memory_space<vmem>>, vector<16xi32>,
      tpu.vector_store_idx %arg17[%iota3A, %get3A_124], %broadcast_in_dim3A_5 {add = true} : memref<16x1024xi32, #tpu.memory_space<vmem>>[vector<16xi32>, vector<16xi32>], vector<16xi32>,
      %get3A_125 = arith.constant 48 : index
      %get3A_126 = tpu.vector_load %arg11[%get3A_125] {strides = array<i32>} : memref<128xi32, #tpu.memory_space<vmem>>, vector<16xi32>,
      tpu.vector_store_idx %arg17[%iota3A, %get3A_126], %broadcast_in_dim3A_5 {add = true} : memref<16x1024xi32, #tpu.memory_space<vmem>>[vector<16xi32>, vector<16xi32>], vector<16xi32>,
      %get3A_127 = arith.constant 64 : index
      %get3A_128 = tpu.vector_load %arg11[%get3A_127] {strides = array<i32>} : memref<128xi32, #tpu.memory_space<vmem>>, vector<16xi32>,
      tpu.vector_store_idx %arg17[%iota3A, %get3A_128], %broadcast_in_dim3A_5 {add = true} : memref<16x1024xi32, #tpu.memory_space<vmem>>[vector<16xi32>, vector<16xi32>], vector<16xi32>,
      %get3A_129 = arith.constant 80 : index
      %get3A_130 = tpu.vector_load %arg11[%get3A_129] {strides = array<i32>} : memref<128xi32, #tpu.memory_space<vmem>>, vector<16xi32>,
      tpu.vector_store_idx %arg17[%iota3A, %get3A_130], %broadcast_in_dim3A_5 {add = true} : memref<16x1024xi32, #tpu.memory_space<vmem>>[vector<16xi32>, vector<16xi32>], vector<16xi32>,
      %get3A_131 = arith.constant 96 : index
      %get3A_132 = tpu.vector_load %arg11[%get3A_131] {strides = array<i32>} : memref<128xi32, #tpu.memory_space<vmem>>, vector<16xi32>,
      tpu.vector_store_idx %arg17[%iota3A, %get3A_132], %broadcast_in_dim3A_5 {add = true} : memref<16x1024xi32, #tpu.memory_space<vmem>>[vector<16xi32>, vector<16xi32>], vector<16xi32>,
      %get3A_133 = arith.constant 112 : index
      %get3A_134 = tpu.vector_load %arg11[%get3A_133] {strides = array<i32>} : memref<128xi32, #tpu.memory_space<vmem>>, vector<16xi32>,
      tpu.vector_store_idx %arg17[%iota3A, %get3A_134], %broadcast_in_dim3A_5 {add = true} : memref<16x1024xi32, #tpu.memory_space<vmem>>[vector<16xi32>, vector<16xi32>], vector<16xi32>,
      %broadcast_in_dim3A_135 = arith.constant 0.000000e+00 : f32
      %broadcast_in_dim3A_136 = vector.broadcast %broadcast_in_dim3A_135 : f32 to vector<16xf32>
      %scan3A_137 = arith.constant 0 : i32
      %scan3A_138 = arith.constant 64 : i32
      %scan3A_139 = arith.addi %scan3A_137, %scan3A_138 : i32
      %scan3A_140 = arith.constant 1 : i32
      %scan3A_141 = scf.for %scan3A_148 = %scan3A_137 to %scan3A_139 step %scan3A_140 iter_args(%scan3A_149 = %broadcast_in_dim3A_136) -> (vector<16xf32>)  : i32 {
        %mul3A_150 = arith.constant 2 : i32
        %mul3A_151 = arith.muli %mul3A_150, %scan3A_148 : i32
        %get3A_152 = arith.index_cast %mul3A_151 : i32 to index
        %get3A_153 = arith.constant 0 : index
        %get3A_154 = tpu.vector_load %arg8[%get3A_152, %get3A_153] {strides = array<i32>} : memref<256x128xf32, #tpu.memory_space<vmem>>, vector<16xf32>,
        %mul3A_155 = arith.constant 2 : i32
        %mul3A_156 = arith.muli %mul3A_155, %scan3A_148 : i32
        %add3A_157 = arith.constant 1 : i32
        %add3A_158 = arith.addi %mul3A_156, %add3A_157 : i32
        %get3A_159 = arith.index_cast %add3A_158 : i32 to index
        %get3A_160 = arith.constant 0 : index
        %get3A_161 = tpu.vector_load %arg8[%get3A_159, %get3A_160] {strides = array<i32>} : memref<256x128xf32, #tpu.memory_space<vmem>>, vector<16xf32>,
        %mul3A_162 = arith.mulf %get3A_154, %get3A_154 : vector<16xf32>
        %add3A_163 = arith.addf %scan3A_149, %mul3A_162 : vector<16xf32>
        %mul3A_164 = arith.mulf %get3A_161, %get3A_161 : vector<16xf32>
        %add3A_165 = arith.addf %add3A_163, %mul3A_164 : vector<16xf32>
        %mul3A_166 = arith.constant 2 : i32
        %mul3A_167 = arith.muli %mul3A_166, %scan3A_148 : i32
        %get3A_168 = arith.index_cast %mul3A_167 : i32 to index
        %get3A_169 = arith.constant 16 : index
        %get3A_170 = tpu.vector_load %arg8[%get3A_168, %get3A_169] {strides = array<i32>} : memref<256x128xf32, #tpu.memory_space<vmem>>, vector<16xf32>,
        %mul3A_171 = arith.constant 2 : i32
        %mul3A_172 = arith.muli %mul3A_171, %scan3A_148 : i32
        %add3A_173 = arith.constant 1 : i32
        %add3A_174 = arith.addi %mul3A_172, %add3A_173 : i32
        %get3A_175 = arith.index_cast %add3A_174 : i32 to index
        %get3A_176 = arith.constant 16 : index
        %get3A_177 = tpu.vector_load %arg8[%get3A_175, %get3A_176] {strides = array<i32>} : memref<256x128xf32, #tpu.memory_space<vmem>>, vector<16xf32>,
        %mul3A_178 = arith.mulf %get3A_170, %get3A_170 : vector<16xf32>
        %add3A_179 = arith.addf %add3A_165, %mul3A_178 : vector<16xf32>
        %mul3A_180 = arith.mulf %get3A_177, %get3A_177 : vector<16xf32>
        %add3A_181 = arith.addf %add3A_179, %mul3A_180 : vector<16xf32>
        %mul3A_182 = arith.constant 2 : i32
        %mul3A_183 = arith.muli %mul3A_182, %scan3A_148 : i32
        %get3A_184 = arith.index_cast %mul3A_183 : i32 to index
        %get3A_185 = arith.constant 32 : index
        %get3A_186 = tpu.vector_load %arg8[%get3A_184, %get3A_185] {strides = array<i32>} : memref<256x128xf32, #tpu.memory_space<vmem>>, vector<16xf32>,
        %mul3A_187 = arith.constant 2 : i32
        %mul3A_188 = arith.muli %mul3A_187, %scan3A_148 : i32
        %add3A_189 = arith.constant 1 : i32
        %add3A_190 = arith.addi %mul3A_188, %add3A_189 : i32
        %get3A_191 = arith.index_cast %add3A_190 : i32 to index
        %get3A_192 = arith.constant 32 : index
        %get3A_193 = tpu.vector_load %arg8[%get3A_191, %get3A_192] {strides = array<i32>} : memref<256x128xf32, #tpu.memory_space<vmem>>, vector<16xf32>,
        %mul3A_194 = arith.mulf %get3A_186, %get3A_186 : vector<16xf32>
        %add3A_195 = arith.addf %add3A_181, %mul3A_194 : vector<16xf32>
        %mul3A_196 = arith.mulf %get3A_193, %get3A_193 : vector<16xf32>
        %add3A_197 = arith.addf %add3A_195, %mul3A_196 : vector<16xf32>
        %mul3A_198 = arith.constant 2 : i32
        %mul3A_199 = arith.muli %mul3A_198, %scan3A_148 : i32
        %get3A_200 = arith.index_cast %mul3A_199 : i32 to index
        %get3A_201 = arith.constant 48 : index
        %get3A_202 = tpu.vector_load %arg8[%get3A_200, %get3A_201] {strides = array<i32>} : memref<256x128xf32, #tpu.memory_space<vmem>>, vector<16xf32>,
        %mul3A_203 = arith.constant 2 : i32
        %mul3A_204 = arith.muli %mul3A_203, %scan3A_148 : i32
        %add3A_205 = arith.constant 1 : i32
        %add3A_206 = arith.addi %mul3A_204, %add3A_205 : i32
        %get3A_207 = arith.index_cast %add3A_206 : i32 to index
        %get3A_208 = arith.constant 48 : index
        %get3A_209 = tpu.vector_load %arg8[%get3A_207, %get3A_208] {strides = array<i32>} : memref<256x128xf32, #tpu.memory_space<vmem>>, vector<16xf32>,
        %mul3A_210 = arith.mulf %get3A_202, %get3A_202 : vector<16xf32>
        %add3A_211 = arith.addf %add3A_197, %mul3A_210 : vector<16xf32>
        %mul3A_212 = arith.mulf %get3A_209, %get3A_209 : vector<16xf32>
        %add3A_213 = arith.addf %add3A_211, %mul3A_212 : vector<16xf32>
        %mul3A_214 = arith.constant 2 : i32
        %mul3A_215 = arith.muli %mul3A_214, %scan3A_148 : i32
        %get3A_216 = arith.index_cast %mul3A_215 : i32 to index
        %get3A_217 = arith.constant 64 : index
        %get3A_218 = tpu.vector_load %arg8[%get3A_216, %get3A_217] {strides = array<i32>} : memref<256x128xf32, #tpu.memory_space<vmem>>, vector<16xf32>,
        %mul3A_219 = arith.constant 2 : i32
        %mul3A_220 = arith.muli %mul3A_219, %scan3A_148 : i32
        %add3A_221 = arith.constant 1 : i32
        %add3A_222 = arith.addi %mul3A_220, %add3A_221 : i32
        %get3A_223 = arith.index_cast %add3A_222 : i32 to index
        %get3A_224 = arith.constant 64 : index
        %get3A_225 = tpu.vector_load %arg8[%get3A_223, %get3A_224] {strides = array<i32>} : memref<256x128xf32, #tpu.memory_space<vmem>>, vector<16xf32>,
        %mul3A_226 = arith.mulf %get3A_218, %get3A_218 : vector<16xf32>
        %add3A_227 = arith.addf %add3A_213, %mul3A_226 : vector<16xf32>
        %mul3A_228 = arith.mulf %get3A_225, %get3A_225 : vector<16xf32>
        %add3A_229 = arith.addf %add3A_227, %mul3A_228 : vector<16xf32>
        %mul3A_230 = arith.constant 2 : i32
        %mul3A_231 = arith.muli %mul3A_230, %scan3A_148 : i32
        %get3A_232 = arith.index_cast %mul3A_231 : i32 to index
        %get3A_233 = arith.constant 80 : index
        %get3A_234 = tpu.vector_load %arg8[%get3A_232, %get3A_233] {strides = array<i32>} : memref<256x128xf32, #tpu.memory_space<vmem>>, vector<16xf32>,
        %mul3A_235 = arith.constant 2 : i32
        %mul3A_236 = arith.muli %mul3A_235, %scan3A_148 : i32
        %add3A_237 = arith.constant 1 : i32
        %add3A_238 = arith.addi %mul3A_236, %add3A_237 : i32
        %get3A_239 = arith.index_cast %add3A_238 : i32 to index
        %get3A_240 = arith.constant 80 : index
        %get3A_241 = tpu.vector_load %arg8[%get3A_239, %get3A_240] {strides = array<i32>} : memref<256x128xf32, #tpu.memory_space<vmem>>, vector<16xf32>,
        %mul3A_242 = arith.mulf %get3A_234, %get3A_234 : vector<16xf32>
        %add3A_243 = arith.addf %add3A_229, %mul3A_242 : vector<16xf32>
        %mul3A_244 = arith.mulf %get3A_241, %get3A_241 : vector<16xf32>
        %add3A_245 = arith.addf %add3A_243, %mul3A_244 : vector<16xf32>
        %mul3A_246 = arith.constant 2 : i32
        %mul3A_247 = arith.muli %mul3A_246, %scan3A_148 : i32
        %get3A_248 = arith.index_cast %mul3A_247 : i32 to index
        %get3A_249 = arith.constant 96 : index
        %get3A_250 = tpu.vector_load %arg8[%get3A_248, %get3A_249] {strides = array<i32>} : memref<256x128xf32, #tpu.memory_space<vmem>>, vector<16xf32>,
        %mul3A_251 = arith.constant 2 : i32
        %mul3A_252 = arith.muli %mul3A_251, %scan3A_148 : i32
        %add3A_253 = arith.constant 1 : i32
        %add3A_254 = arith.addi %mul3A_252, %add3A_253 : i32
        %get3A_255 = arith.index_cast %add3A_254 : i32 to index
        %get3A_256 = arith.constant 96 : index
        %get3A_257 = tpu.vector_load %arg8[%get3A_255, %get3A_256] {strides = array<i32>} : memref<256x128xf32, #tpu.memory_space<vmem>>, vector<16xf32>,
        %mul3A_258 = arith.mulf %get3A_250, %get3A_250 : vector<16xf32>
        %add3A_259 = arith.addf %add3A_245, %mul3A_258 : vector<16xf32>
        %mul3A_260 = arith.mulf %get3A_257, %get3A_257 : vector<16xf32>
        %add3A_261 = arith.addf %add3A_259, %mul3A_260 : vector<16xf32>
        %mul3A_262 = arith.constant 2 : i32
        %mul3A_263 = arith.muli %mul3A_262, %scan3A_148 : i32
        %get3A_264 = arith.index_cast %mul3A_263 : i32 to index
        %get3A_265 = arith.constant 112 : index
        %get3A_266 = tpu.vector_load %arg8[%get3A_264, %get3A_265] {strides = array<i32>} : memref<256x128xf32, #tpu.memory_space<vmem>>, vector<16xf32>,
        %mul3A_267 = arith.constant 2 : i32
        %mul3A_268 = arith.muli %mul3A_267, %scan3A_148 : i32
        %add3A_269 = arith.constant 1 : i32
        %add3A_270 = arith.addi %mul3A_268, %add3A_269 : i32
        %get3A_271 = arith.index_cast %add3A_270 : i32 to index
        %get3A_272 = arith.constant 112 : index
        %get3A_273 = tpu.vector_load %arg8[%get3A_271, %get3A_272] {strides = array<i32>} : memref<256x128xf32, #tpu.memory_space<vmem>>, vector<16xf32>,
        %mul3A_274 = arith.mulf %get3A_266, %get3A_266 : vector<16xf32>
        %add3A_275 = arith.addf %add3A_261, %mul3A_274 : vector<16xf32>
        %mul3A_276 = arith.mulf %get3A_273, %get3A_273 : vector<16xf32>
        %add3A_277 = arith.addf %add3A_275, %mul3A_276 : vector<16xf32>
        scf.yield %add3A_277 : vector<16xf32>
      }
      %scan3A_142 = arith.constant 64 : i32
      %get3A_143 = arith.constant 0 : index
      %get3A_144 = tpu.vector_load %arg19[%get3A_143] {strides = array<i32>} : memref<16xf32, #tpu.memory_space<vmem>>, vector<16xf32>,
      %add3A_145 = arith.addf %get3A_144, %scan3A_141 : vector<16xf32>
      %swap3A_146 = arith.constant 0 : index
      %swap3A_147 = tpu.vector_load %arg19[%swap3A_146] {strides = array<i32>} : memref<16xf32, #tpu.memory_space<vmem>>, vector<16xf32>,
      tpu.vector_store %arg19[%swap3A_146], %add3A_145 {strides = array<i32>} : memref<16xf32, #tpu.memory_space<vmem>>, vector<16xf32>,
    } else {
    }
    %scan3A_104 = arith.constant 0 : i32
    %scan3A_105 = arith.constant 0 : i32
    %scan3A_106 = arith.constant 64 : i32
    %scan3A_107 = arith.addi %scan3A_105, %scan3A_106 : i32
    %scan3A_108 = arith.constant 1 : i32
    %scan3A_109 = scf.for %scan3A_116 = %scan3A_105 to %scan3A_107 step %scan3A_108 iter_args(%scan3A_117 = %scan3A_104) -> (i32)  : i32 {
      %mul3A_118 = arith.constant 16 : i32
      %mul3A_119 = arith.muli %scan3A_116, %mul3A_118 : i32
      %get3A = arith.constant 0 : i32
      %get3A_120 = arith.index_cast %get3A : i32 to index
      %get3A_121 = arith.index_cast %mul3A_119 : i32 to index
      %get3A_122 = tpu.vector_load %arg17[%get3A_120, %get3A_121] {strides = array<i32>} : memref<16x1024xi32, #tpu.memory_space<vmem>>, vector<16xi32>,
      %mul3A_123 = arith.constant 16 : i32
      %mul3A_124 = arith.muli %scan3A_116, %mul3A_123 : i32
      %get3A_125 = arith.constant 1 : i32
      %get3A_126 = arith.index_cast %get3A_125 : i32 to index
      %get3A_127 = arith.index_cast %mul3A_124 : i32 to index
      %get3A_128 = tpu.vector_load %arg17[%get3A_126, %get3A_127] {strides = array<i32>} : memref<16x1024xi32, #tpu.memory_space<vmem>>, vector<16xi32>,
      %add3A_129 = arith.addi %get3A_122, %get3A_128 : vector<16xi32>
      %mul3A_130 = arith.constant 16 : i32
      %mul3A_131 = arith.muli %scan3A_116, %mul3A_130 : i32
      %get3A_132 = arith.constant 2 : i32
      %get3A_133 = arith.index_cast %get3A_132 : i32 to index
      %get3A_134 = arith.index_cast %mul3A_131 : i32 to index
      %get3A_135 = tpu.vector_load %arg17[%get3A_133, %get3A_134] {strides = array<i32>} : memref<16x1024xi32, #tpu.memory_space<vmem>>, vector<16xi32>,
      %add3A_136 = arith.addi %add3A_129, %get3A_135 : vector<16xi32>
      %mul3A_137 = arith.constant 16 : i32
      %mul3A_138 = arith.muli %scan3A_116, %mul3A_137 : i32
      %get3A_139 = arith.constant 3 : i32
      %get3A_140 = arith.index_cast %get3A_139 : i32 to index
      %get3A_141 = arith.index_cast %mul3A_138 : i32 to index
      %get3A_142 = tpu.vector_load %arg17[%get3A_140, %get3A_141] {strides = array<i32>} : memref<16x1024xi32, #tpu.memory_space<vmem>>, vector<16xi32>,
      %add3A_143 = arith.addi %add3A_136, %get3A_142 : vector<16xi32>
      %mul3A_144 = arith.constant 16 : i32
      %mul3A_145 = arith.muli %scan3A_116, %mul3A_144 : i32
      %get3A_146 = arith.constant 4 : i32
      %get3A_147 = arith.index_cast %get3A_146 : i32 to index
      %get3A_148 = arith.index_cast %mul3A_145 : i32 to index
      %get3A_149 = tpu.vector_load %arg17[%get3A_147, %get3A_148] {strides = array<i32>} : memref<16x1024xi32, #tpu.memory_space<vmem>>, vector<16xi32>,
      %add3A_150 = arith.addi %add3A_143, %get3A_149 : vector<16xi32>
      %mul3A_151 = arith.constant 16 : i32
      %mul3A_152 = arith.muli %scan3A_116, %mul3A_151 : i32
      %get3A_153 = arith.constant 5 : i32
      %get3A_154 = arith.index_cast %get3A_153 : i32 to index
      %get3A_155 = arith.index_cast %mul3A_152 : i32 to index
      %get3A_156 = tpu.vector_load %arg17[%get3A_154, %get3A_155] {strides = array<i32>} : memref<16x1024xi32, #tpu.memory_space<vmem>>, vector<16xi32>,
      %add3A_157 = arith.addi %add3A_150, %get3A_156 : vector<16xi32>
      %mul3A_158 = arith.constant 16 : i32
      %mul3A_159 = arith.muli %scan3A_116, %mul3A_158 : i32
      %get3A_160 = arith.constant 6 : i32
      %get3A_161 = arith.index_cast %get3A_160 : i32 to index
      %get3A_162 = arith.index_cast %mul3A_159 : i32 to index
      %get3A_163 = tpu.vector_load %arg17[%get3A_161, %get3A_162] {strides = array<i32>} : memref<16x1024xi32, #tpu.memory_space<vmem>>, vector<16xi32>,
      %add3A_164 = arith.addi %add3A_157, %get3A_163 : vector<16xi32>
      %mul3A_165 = arith.constant 16 : i32
      %mul3A_166 = arith.muli %scan3A_116, %mul3A_165 : i32
      %get3A_167 = arith.constant 7 : i32
      %get3A_168 = arith.index_cast %get3A_167 : i32 to index
      %get3A_169 = arith.index_cast %mul3A_166 : i32 to index
      %get3A_170 = tpu.vector_load %arg17[%get3A_168, %get3A_169] {strides = array<i32>} : memref<16x1024xi32, #tpu.memory_space<vmem>>, vector<16xi32>,
      %add3A_171 = arith.addi %add3A_164, %get3A_170 : vector<16xi32>
      %mul3A_172 = arith.constant 16 : i32
      %mul3A_173 = arith.muli %scan3A_116, %mul3A_172 : i32
      %get3A_174 = arith.constant 8 : i32
      %get3A_175 = arith.index_cast %get3A_174 : i32 to index
      %get3A_176 = arith.index_cast %mul3A_173 : i32 to index
      %get3A_177 = tpu.vector_load %arg17[%get3A_175, %get3A_176] {strides = array<i32>} : memref<16x1024xi32, #tpu.memory_space<vmem>>, vector<16xi32>,
      %add3A_178 = arith.addi %add3A_171, %get3A_177 : vector<16xi32>
      %mul3A_179 = arith.constant 16 : i32
      %mul3A_180 = arith.muli %scan3A_116, %mul3A_179 : i32
      %get3A_181 = arith.constant 9 : i32
      %get3A_182 = arith.index_cast %get3A_181 : i32 to index
      %get3A_183 = arith.index_cast %mul3A_180 : i32 to index
      %get3A_184 = tpu.vector_load %arg17[%get3A_182, %get3A_183] {strides = array<i32>} : memref<16x1024xi32, #tpu.memory_space<vmem>>, vector<16xi32>,
      %add3A_185 = arith.addi %add3A_178, %get3A_184 : vector<16xi32>
      %mul3A_186 = arith.constant 16 : i32
      %mul3A_187 = arith.muli %scan3A_116, %mul3A_186 : i32
      %get3A_188 = arith.constant 10 : i32
      %get3A_189 = arith.index_cast %get3A_188 : i32 to index
      %get3A_190 = arith.index_cast %mul3A_187 : i32 to index
      %get3A_191 = tpu.vector_load %arg17[%get3A_189, %get3A_190] {strides = array<i32>} : memref<16x1024xi32, #tpu.memory_space<vmem>>, vector<16xi32>,
      %add3A_192 = arith.addi %add3A_185, %get3A_191 : vector<16xi32>
      %mul3A_193 = arith.constant 16 : i32
      %mul3A_194 = arith.muli %scan3A_116, %mul3A_193 : i32
      %get3A_195 = arith.constant 11 : i32
      %get3A_196 = arith.index_cast %get3A_195 : i32 to index
      %get3A_197 = arith.index_cast %mul3A_194 : i32 to index
      %get3A_198 = tpu.vector_load %arg17[%get3A_196, %get3A_197] {strides = array<i32>} : memref<16x1024xi32, #tpu.memory_space<vmem>>, vector<16xi32>,
      %add3A_199 = arith.addi %add3A_192, %get3A_198 : vector<16xi32>
      %mul3A_200 = arith.constant 16 : i32
      %mul3A_201 = arith.muli %scan3A_116, %mul3A_200 : i32
      %get3A_202 = arith.constant 12 : i32
      %get3A_203 = arith.index_cast %get3A_202 : i32 to index
      %get3A_204 = arith.index_cast %mul3A_201 : i32 to index
      %get3A_205 = tpu.vector_load %arg17[%get3A_203, %get3A_204] {strides = array<i32>} : memref<16x1024xi32, #tpu.memory_space<vmem>>, vector<16xi32>,
      %add3A_206 = arith.addi %add3A_199, %get3A_205 : vector<16xi32>
      %mul3A_207 = arith.constant 16 : i32
      %mul3A_208 = arith.muli %scan3A_116, %mul3A_207 : i32
      %get3A_209 = arith.constant 13 : i32
      %get3A_210 = arith.index_cast %get3A_209 : i32 to index
      %get3A_211 = arith.index_cast %mul3A_208 : i32 to index
      %get3A_212 = tpu.vector_load %arg17[%get3A_210, %get3A_211] {strides = array<i32>} : memref<16x1024xi32, #tpu.memory_space<vmem>>, vector<16xi32>,
      %add3A_213 = arith.addi %add3A_206, %get3A_212 : vector<16xi32>
      %mul3A_214 = arith.constant 16 : i32
      %mul3A_215 = arith.muli %scan3A_116, %mul3A_214 : i32
      %get3A_216 = arith.constant 14 : i32
      %get3A_217 = arith.index_cast %get3A_216 : i32 to index
      %get3A_218 = arith.index_cast %mul3A_215 : i32 to index
      %get3A_219 = tpu.vector_load %arg17[%get3A_217, %get3A_218] {strides = array<i32>} : memref<16x1024xi32, #tpu.memory_space<vmem>>, vector<16xi32>,
      %add3A_220 = arith.addi %add3A_213, %get3A_219 : vector<16xi32>
      %mul3A_221 = arith.constant 16 : i32
      %mul3A_222 = arith.muli %scan3A_116, %mul3A_221 : i32
      %get3A_223 = arith.constant 15 : i32
      %get3A_224 = arith.index_cast %get3A_223 : i32 to index
      %get3A_225 = arith.index_cast %mul3A_222 : i32 to index
      %get3A_226 = tpu.vector_load %arg17[%get3A_224, %get3A_225] {strides = array<i32>} : memref<16x1024xi32, #tpu.memory_space<vmem>>, vector<16xi32>,
      %add3A_227 = arith.addi %add3A_220, %get3A_226 : vector<16xi32>
      %mul3A_228 = arith.constant 16 : i32
      %mul3A_229 = arith.muli %scan3A_116, %mul3A_228 : i32
      %swap3A_230 = arith.index_cast %mul3A_229 : i32 to index
      %swap3A_231 = tpu.vector_load %arg18[%swap3A_230] {strides = array<i32>} : memref<1024xi32, #tpu.memory_space<vmem>>, vector<16xi32>,
      tpu.vector_store %arg18[%swap3A_230], %add3A_227 {strides = array<i32>} : memref<1024xi32, #tpu.memory_space<vmem>>, vector<16xi32>,
      %scan3A_232 = arith.constant 0 : i32
      scf.yield %scan3A_232 : i32
    }
    %scan3A_110 = arith.constant 64 : i32
    "tpu.region"() ({
      %run_scoped3A = tpu.sem_alloc : memref<!tpu.dma_semaphore, #tpu.memory_space<semaphore_mem>>
      %dma_start3A_116 = arith.constant 0 : i32
      %dma_start3A_117 = tpu.memref_slice %arg5[%add3A, %dma_start3A_116] : memref<32x1024xi32, #tpu.memory_space<hbm>> -> memref<1x1024xi32, #tpu.memory_space<hbm>>
      %dma_start3A_118 = tpu.memref_squeeze %dma_start3A_117 : memref<1x1024xi32, #tpu.memory_space<hbm>> -> memref<1024xi32, #tpu.memory_space<hbm>>
      %dma_start3A_119 = arith.constant 0 : i32
      %dma_start3A_120 = tpu.memref_slice %arg5[%add3A, %dma_start3A_119] : memref<32x1024xi32, #tpu.memory_space<hbm>> -> memref<1x1024xi32, #tpu.memory_space<hbm>>
      %dma_start3A_121 = tpu.memref_squeeze %dma_start3A_120 : memref<1x1024xi32, #tpu.memory_space<hbm>> -> memref<1024xi32, #tpu.memory_space<hbm>>
      tpu.enqueue_dma source(%arg18 : memref<1024xi32, #tpu.memory_space<vmem>>) target(%dma_start3A_121 : memref<1024xi32, #tpu.memory_space<hbm>>) target_semaphore(%run_scoped3A : memref<!tpu.dma_semaphore, #tpu.memory_space<semaphore_mem>>)
      %dma_wait3A = arith.constant 0 : i32
      %dma_wait3A_122 = tpu.memref_slice %arg5[%add3A, %dma_wait3A] : memref<32x1024xi32, #tpu.memory_space<hbm>> -> memref<1x1024xi32, #tpu.memory_space<hbm>>
      %dma_wait3A_123 = tpu.memref_squeeze %dma_wait3A_122 : memref<1x1024xi32, #tpu.memory_space<hbm>> -> memref<1024xi32, #tpu.memory_space<hbm>>
      %dma_wait3A_124 = arith.constant 0 : i32
      %dma_wait3A_125 = tpu.memref_slice %arg5[%add3A, %dma_wait3A_124] : memref<32x1024xi32, #tpu.memory_space<hbm>> -> memref<1x1024xi32, #tpu.memory_space<hbm>>
      %dma_wait3A_126 = tpu.memref_squeeze %dma_wait3A_125 : memref<1x1024xi32, #tpu.memory_space<hbm>> -> memref<1024xi32, #tpu.memory_space<hbm>>
      tpu.wait_dma2 semaphore(%run_scoped3A : memref<!tpu.dma_semaphore, #tpu.memory_space<semaphore_mem>>) src(%arg18 : memref<1024xi32, #tpu.memory_space<vmem>>) dst(%dma_wait3A_126 : memref<1024xi32, #tpu.memory_space<hbm>>)
      tpu.yield
    }) : () -> ()
    "tpu.region"() ({
      %run_scoped3A = tpu.sem_alloc : memref<!tpu.dma_semaphore, #tpu.memory_space<semaphore_mem>>
      %dma_start3A_116 = arith.constant 0 : i32
      %dma_start3A_117 = tpu.memref_slice %arg6[%add3A, %dma_start3A_116] : memref<32x16xf32, #tpu.memory_space<hbm>> -> memref<1x16xf32, #tpu.memory_space<hbm>>
      %dma_start3A_118 = tpu.memref_squeeze %dma_start3A_117 : memref<1x16xf32, #tpu.memory_space<hbm>> -> memref<16xf32, #tpu.memory_space<hbm>>
      %dma_start3A_119 = arith.constant 0 : i32
      %dma_start3A_120 = tpu.memref_slice %arg6[%add3A, %dma_start3A_119] : memref<32x16xf32, #tpu.memory_space<hbm>> -> memref<1x16xf32, #tpu.memory_space<hbm>>
      %dma_start3A_121 = tpu.memref_squeeze %dma_start3A_120 : memref<1x16xf32, #tpu.memory_space<hbm>> -> memref<16xf32, #tpu.memory_space<hbm>>
      tpu.enqueue_dma source(%arg19 : memref<16xf32, #tpu.memory_space<vmem>>) target(%dma_start3A_121 : memref<16xf32, #tpu.memory_space<hbm>>) target_semaphore(%run_scoped3A : memref<!tpu.dma_semaphore, #tpu.memory_space<semaphore_mem>>)
      %dma_wait3A = arith.constant 0 : i32
      %dma_wait3A_122 = tpu.memref_slice %arg6[%add3A, %dma_wait3A] : memref<32x16xf32, #tpu.memory_space<hbm>> -> memref<1x16xf32, #tpu.memory_space<hbm>>
      %dma_wait3A_123 = tpu.memref_squeeze %dma_wait3A_122 : memref<1x16xf32, #tpu.memory_space<hbm>> -> memref<16xf32, #tpu.memory_space<hbm>>
      %dma_wait3A_124 = arith.constant 0 : i32
      %dma_wait3A_125 = tpu.memref_slice %arg6[%add3A, %dma_wait3A_124] : memref<32x16xf32, #tpu.memory_space<hbm>> -> memref<1x16xf32, #tpu.memory_space<hbm>>
      %dma_wait3A_126 = tpu.memref_squeeze %dma_wait3A_125 : memref<1x16xf32, #tpu.memory_space<hbm>> -> memref<16xf32, #tpu.memory_space<hbm>>
      tpu.wait_dma2 semaphore(%run_scoped3A : memref<!tpu.dma_semaphore, #tpu.memory_space<semaphore_mem>>) src(%arg19 : memref<16xf32, #tpu.memory_space<vmem>>) dst(%dma_wait3A_126 : memref<16xf32, #tpu.memory_space<hbm>>)
      tpu.yield
    }) : () -> ()
    %barrier3A_111 = arith.constant 0 : index
    tpu.barrier barrier_id(%barrier3A_111)
    %mul3A_112 = arith.constant 64 : i32
    %mul3A_113 = arith.muli %arg1, %mul3A_112 : i32
    %mul3A_114 = arith.constant 64 : i32
    %mul3A_115 = arith.muli %arg1, %mul3A_114 : i32
    "tpu.region"() ({
      %run_scoped3A = tpu.sem_alloc : memref<!tpu.dma_semaphore, #tpu.memory_space<semaphore_mem>>
      %dma_start3A_116 = arith.constant 0 : i32
      %dma_start3A_117 = tpu.memref_slice %arg4[%arg0, %mul3A_115, %dma_start3A_116] : memref<2x1024x128xf32, #tpu.memory_space<hbm>> -> memref<1x64x128xf32, #tpu.memory_space<hbm>>
      %dma_start3A_118 = tpu.memref_squeeze %dma_start3A_117 : memref<1x64x128xf32, #tpu.memory_space<hbm>> -> memref<64x128xf32, #tpu.memory_space<hbm>>
      %dma_start3A_119 = arith.constant 0 : i32
      %dma_start3A_120 = tpu.memref_slice %arg7[%mul3A_113, %dma_start3A_119] : memref<1024x128xf32, #tpu.memory_space<vmem_shared>> -> memref<64x128xf32, #tpu.memory_space<vmem_shared>>
      tpu.enqueue_dma source(%dma_start3A_120 : memref<64x128xf32, #tpu.memory_space<vmem_shared>>) target(%dma_start3A_118 : memref<64x128xf32, #tpu.memory_space<hbm>>) target_semaphore(%run_scoped3A : memref<!tpu.dma_semaphore, #tpu.memory_space<semaphore_mem>>)
      %dma_wait3A = arith.constant 0 : i32
      %dma_wait3A_121 = tpu.memref_slice %arg4[%arg0, %mul3A_115, %dma_wait3A] : memref<2x1024x128xf32, #tpu.memory_space<hbm>> -> memref<1x64x128xf32, #tpu.memory_space<hbm>>
      %dma_wait3A_122 = tpu.memref_squeeze %dma_wait3A_121 : memref<1x64x128xf32, #tpu.memory_space<hbm>> -> memref<64x128xf32, #tpu.memory_space<hbm>>
      %dma_wait3A_123 = arith.constant 0 : i32
      %dma_wait3A_124 = tpu.memref_slice %arg7[%mul3A_113, %dma_wait3A_123] : memref<1024x128xf32, #tpu.memory_space<vmem_shared>> -> memref<64x128xf32, #tpu.memory_space<vmem_shared>>
      tpu.wait_dma2 semaphore(%run_scoped3A : memref<!tpu.dma_semaphore, #tpu.memory_space<semaphore_mem>>) src(%dma_wait3A_124 : memref<64x128xf32, #tpu.memory_space<vmem_shared>>) dst(%dma_wait3A_122 : memref<64x128xf32, #tpu.memory_space<hbm>>)
      tpu.yield
    }) : () -> ()
    return
  }
}

module attributes {stable_mosaic.version = 14 : i64} {
  func.func @_epi_body(%arg0: memref<2x1024x128xf32, #tpu.memory_space<vmem>>, %arg1: memref<32x1024xi32, #tpu.memory_space<vmem>>, %arg2: memref<32x16xf32, #tpu.memory_space<vmem>>, %arg3: memref<1x1xf32, #tpu.memory_space<vmem>>) attributes {dimension_semantics = [], scalar_prefetch = 0 : i64, scratch_operands = 0 : i64, tpu.core_type = #tpu.core_type<tc>} {
    %get3A = arith.constant 0 : index
    %get3A_0 = arith.constant 0 : index
    %get3A_1 = arith.constant 0 : index
    %get3A_2 = vector.load %arg0[%get3A, %get3A_0, %get3A_1] : memref<2x1024x128xf32, #tpu.memory_space<vmem>>, vector<1x1024x128xf32>
    %get3A_3 = vector.shape_cast %get3A_2 : vector<1x1024x128xf32> to vector<1024x128xf32>
    %get3A_4 = arith.constant 1 : index
    %get3A_5 = arith.constant 0 : index
    %get3A_6 = arith.constant 0 : index
    %get3A_7 = vector.load %arg0[%get3A_4, %get3A_5, %get3A_6] : memref<2x1024x128xf32, #tpu.memory_space<vmem>>, vector<1x1024x128xf32>
    %get3A_8 = vector.shape_cast %get3A_7 : vector<1x1024x128xf32> to vector<1024x128xf32>
    %add3A = arith.addf %get3A_3, %get3A_8 : vector<1024x128xf32>
    %mul3A = arith.mulf %add3A, %add3A : vector<1024x128xf32>
    %reduce_sum3A = arith.constant dense<0.000000e+00> : vector<1024xf32>
    %reduce_sum3A_9 = vector.multi_reduction <add>, %mul3A, %reduce_sum3A [1] : vector<1024x128xf32> to vector<1024xf32>
    %reduce_sum3A_10 = arith.constant dense<0.000000e+00> : vector<128xf32>
    %reduce_sum3A_11 = vector.multi_reduction <add>, %add3A, %reduce_sum3A_10 [0] : vector<1024x128xf32> to vector<128xf32>
    %mul3A_12 = arith.mulf %reduce_sum3A_11, %reduce_sum3A_11 : vector<128xf32>
    %reduce_sum3A_13 = vector.shape_cast %mul3A_12 : vector<128xf32> to vector<1x128xf32>
    %reduce_sum3A_14 = arith.constant dense<0.000000e+00> : vector<1xf32>
    %reduce_sum3A_15 = vector.multi_reduction <add>, %reduce_sum3A_13, %reduce_sum3A_14 [1] : vector<1x128xf32> to vector<1xf32>
    %reduce_sum3A_16 = vector.shape_cast %reduce_sum3A_15 : vector<1xf32> to vector<1x1xf32>
    %reduce_sum3A_17 = vector.extract %reduce_sum3A_16[0, 0] : f32 from vector<1x1xf32>
    %get3A_18 = arith.constant 0 : index
    %get3A_19 = arith.constant 0 : index
    %get3A_20 = vector.load %arg1[%get3A_18, %get3A_19] : memref<32x1024xi32, #tpu.memory_space<vmem>>, vector<32x1024xi32>
    %reduce_sum3A_21 = arith.constant dense<0> : vector<1024xi32>
    %reduce_sum3A_22 = vector.multi_reduction <add>, %get3A_20, %reduce_sum3A_21 [0] : vector<32x1024xi32> to vector<1024xi32>
    %convert_element_type3A = arith.sitofp %reduce_sum3A_22 : vector<1024xi32> to vector<1024xf32>
    %gt3A = arith.constant 0 : i32
    %gt3A_23 = vector.broadcast %gt3A : i32 to vector<1024xi32>
    %gt3A_24 = arith.cmpi sgt, %reduce_sum3A_22, %gt3A_23 : vector<1024xi32>
    %convert_element_type3A_25 = arith.extui %gt3A_24 : vector<1024xi1> to vector<1024xi32>
    %reduce_sum3A_26 = vector.shape_cast %convert_element_type3A_25 : vector<1024xi32> to vector<1x1024xi32>
    %reduce_sum3A_27 = arith.constant dense<0> : vector<1xi32>
    %reduce_sum3A_28 = vector.multi_reduction <add>, %reduce_sum3A_26, %reduce_sum3A_27 [1] : vector<1x1024xi32> to vector<1xi32>
    %reduce_sum3A_29 = vector.shape_cast %reduce_sum3A_28 : vector<1xi32> to vector<1x1xi32>
    %reduce_sum3A_30 = vector.extract %reduce_sum3A_29[0, 0] : i32 from vector<1x1xi32>
    %jit3A = arith.constant 1.000000e+00 : f32
    %broadcast_in_dim3A = vector.broadcast %jit3A : f32 to vector<1024xf32>
    %select_n3A = arith.select %gt3A_24, %convert_element_type3A, %broadcast_in_dim3A : vector<1024xi1>, vector<1024xf32>
    %div3A = arith.divf %reduce_sum3A_9, %select_n3A : vector<1024xf32>
    %reduce_sum3A_31 = vector.shape_cast %div3A : vector<1024xf32> to vector<1x1024xf32>
    %reduce_sum3A_32 = arith.constant dense<0.000000e+00> : vector<1xf32>
    %reduce_sum3A_33 = vector.multi_reduction <add>, %reduce_sum3A_31, %reduce_sum3A_32 [1] : vector<1x1024xf32> to vector<1xf32>
    %reduce_sum3A_34 = vector.shape_cast %reduce_sum3A_33 : vector<1xf32> to vector<1x1xf32>
    %reduce_sum3A_35 = vector.extract %reduce_sum3A_34[0, 0] : f32 from vector<1x1xf32>
    %get3A_36 = arith.constant 0 : index
    %get3A_37 = arith.constant 0 : index
    %get3A_38 = vector.load %arg2[%get3A_36, %get3A_37] : memref<32x16xf32, #tpu.memory_space<vmem>>, vector<32x16xf32>
    %reduce_sum3A_39 = vector.shape_cast %get3A_38 : vector<32x16xf32> to vector<1x32x16xf32>
    %reduce_sum3A_40 = arith.constant dense<0.000000e+00> : vector<1xf32>
    %reduce_sum3A_41 = vector.multi_reduction <add>, %reduce_sum3A_39, %reduce_sum3A_40 [1, 2] : vector<1x32x16xf32> to vector<1xf32>
    %reduce_sum3A_42 = vector.shape_cast %reduce_sum3A_41 : vector<1xf32> to vector<1x1x1xf32>
    %reduce_sum3A_43 = vector.extract %reduce_sum3A_42[0, 0, 0] : f32 from vector<1x1x1xf32>
    %div3A_44 = arith.constant 3.200000e+05 : f32
    %div3A_45 = arith.divf %reduce_sum3A_17, %div3A_44 : f32
    %sub3A = arith.subf %reduce_sum3A_35, %div3A_45 : f32
    %sub3A_46 = arith.subf %reduce_sum3A_43, %reduce_sum3A_35 : f32
    %convert_element_type3A_47 = arith.sitofp %reduce_sum3A_30 : i32 to f32
    %sub3A_48 = arith.constant 3.200000e+05 : f32
    %sub3A_49 = arith.subf %sub3A_48, %convert_element_type3A_47 : f32
    %mul3A_50 = arith.mulf %sub3A, %sub3A_49 : f32
    %sub3A_51 = arith.constant 1.000000e+00 : f32
    %sub3A_52 = arith.subf %convert_element_type3A_47, %sub3A_51 : f32
    %mul3A_53 = arith.mulf %sub3A_52, %sub3A_46 : f32
    %add3A_54 = arith.constant 1.000000e-10 : f32
    %add3A_55 = arith.addf %mul3A_53, %add3A_54 : f32
    %div3A_56 = arith.divf %mul3A_50, %add3A_55 : f32
    %lt3A = arith.constant 2 : i32
    %lt3A_57 = arith.cmpi slt, %reduce_sum3A_30, %lt3A : i32
    %eq3A = arith.constant 320000 : i32
    %eq3A_58 = arith.cmpi eq, %reduce_sum3A_30, %eq3A : i32
    %or3A = arith.ori %lt3A_57, %eq3A_58 : i1
    %neg3A = arith.constant 0.000000e+00 : f32
    %neg3A_59 = arith.subf %neg3A, %div3A_56 : f32
    %jit3A_60 = arith.constant 0.000000e+00 : f32
    %select_n3A_61 = arith.select %or3A, %jit3A_60, %neg3A_59 : f32
    %broadcast_in_dim3A_62 = vector.broadcast %select_n3A_61 : f32 to vector<1x1xf32>
    %swap3A = arith.constant 0 : index
    %swap3A_63 = arith.constant 0 : index
    %swap3A_64 = vector.load %arg3[%swap3A, %swap3A_63] : memref<1x1xf32, #tpu.memory_space<vmem>>, vector<1x1xf32>
    tpu.vector_store %arg3[%swap3A, %swap3A_63], %broadcast_in_dim3A_62 {strides = array<i32>} : memref<1x1xf32, #tpu.memory_space<vmem>>, vector<1x1xf32>,
    return
  }
}

</mosaic_0001>

<sc_bundles>
// kernel: kernel.4.cloned.1.call-start
scs
__scs_entry_jumppad:
0x0: {  	(pc) =	sbr.rel $0x88, $3  }
0x1: {  	(tag) =	ssettag $0x0;
	lr =	simm.s32 $0x1  }
0x2: {  	[smem:$0x3F9F] =	sst lr;
	_ =	strace $0xD0000000  }
0x3: {  	_ = 	snop  }
0x4: {  	_ = 	snop  }
0x5: {  	_ = 	snop  }
0x6: {  	_ = 	snop  }
0x7: {  	_ = 	snop  }
__scs_overlays_trampoline_lowered:
0x8: {  	[smem:$0x3FAE] =	sst s0  }
0x9: {  	[smem:$0x3FAF] =	sst s1  }
0xa: {  	[smem:$0x3FB0] =	sst s2  }
0xb: {  	[smem:$0x3FB1] =	sst s3  }
0xc: {  	[smem:$0x3FB2] =	sst s4  }
0xd: {  	[smem:$0x3FB3] =	sst s5  }
0xe: {  	[smem:$0x3FB4] =	sst s6  }
0xf: {  	[smem:$0x3FB5] =	sst s7  }
0x10: {  	[smem:$0x3FB6] =	sst s8  }
0x11: {  	[smem:$0x3FB7] =	sst s9;
	s0 =	simm.s32 @!p0 $0x0  }
0x12: {  	s1 =	sld [smem:$0x3F9D];
	s0 =	simm.s32 @p0 $0x1  }
0x13: {  	[smem:$0x3FB8] =	sst s0;
	s0 =	simm.s32 @!p1 $0x0  }
0x14: {  	s2 =	sld [smem:$0x3F9C];
	s0 =	simm.s32 @p1 $0x1  }
0x15: {  	[smem:$0x3FB9] =	sst s0;
	s0 =	simm.s32 @!p2 $0x0  }
0x16: {  	s3 =	sld [smem:$0x3FDB];
	s0 =	simm.s32 @p2 $0x1  }
0x17: {  	s4 =	simm.s32 $0x1BF5;
	[smem:$0x3FBB] =	sst s0  }
0x18: {  	s0 =	sld [smem:$0x3F9E];
	_ =	swait.ge [sflag:s4], $0x0  }
0x19: {  	s7 =	sld [smem:$0x3F9F]  }
0x1a: {  	s8 =	sadd.s32 $0xFFFFE003, lr  }
0x1b: {  	s9 =	sadd.s32 $0xFFFFFEF7, lr;
	s5 =	simm.s32 $0xFFFFFFFF;
	p2 =	slt.u32 s8, $0xFFFFF086  }
0x1c: {  	p1 =	slt.u32 s9, $0xF7A;
	s5 =	simm.s32 @!p2 $0x0  }
0x1d: {  	s5 =	simm.s32 @p1 $0x1;
	p0 =	seq.s32 s7, s2  }
0x1e: {  	s7 =	smul.u32 @!p0 $0xF7A, s2;
	p2 =	seq.s32 @!p0 s5, $0x0  }
0x1f: {  	s9 =	smul.u32 $0xF7A, s1;
	s8 =	simm.s32 @!p0 $0x1BF5;
	p2 =	por !p2, p0  }
0x20: {  	[sflag:s8] =	ssyncset.s32 @!p0 $0xFFFFF086;
	s6 =	sadd.s32 @!p0 s3, s7;
	s7 =	simm.s32 @!p0 $0x108  }
0x21: {  	s3 =	sadd.s32 s3, s9;
	s6 =	sadd.s32 @!p0 $0x88, s6;
	s7 =	simm.s32 @p2 $0x1082  }
0x22: {  	[simem:s7], [sflag:s8] =	dma.local @!p0 [hbm:s6], $0xF7A  }
0x23: {  	s9 =	sor.u32 $0xD0000000, s2;
	s6 =	simm.s32 $0x108;
	_ =	swait.ge @!p0 [sflag:s8], $0x0  }
0x24: {  	s3 =	sadd.s32 $0x88, s3;
	s6 =	simm.s32 @!p1 $0x1082;
	[sflag:s4] =	ssyncset.s32 $0xFFFFF086  }
0x25: {  	[simem:s6], [sflag:s4] =	dma.local [hbm:s3], $0xF7A  }
0x26: {  	[smem:$0x3F9F] =	sst s1;
	(tag) =	ssettag s2;
	_ =	strace s9  }
0x27: {  	s1 =	sld [smem:$0x3FAF]  }
0x28: {  	s2 =	sld [smem:$0x3FB0]  }
0x29: {  	s4 =	sld [smem:$0x3FB2]  }
0x2a: {  	p0 =	seq.s32 s5, $0x0;
	s5 =	sld [smem:$0x3FB3]  }
0x2b: {  	s6 =	sld [smem:$0x3FB4]  }
0x2c: {  	s7 =	sld [smem:$0x3FB5]  }
0x2d: {  	s3 =	simm.s32 $0x108;
	s8 =	sld [smem:$0x3FB6]  }
0x2e: {  	s3 =	simm.s32 @!p0 $0x1082;
	s9 =	sld [smem:$0x3FB7]  }
0x2f: {  	lr =	sadd.s32 s0, s3;
	s0 =	sld [smem:$0x3FAE]  }
0x30: {  	s3 =	sld [smem:$0x3FB1]  }
0x31: {  	[smem:$0x3FBA] =	sst s10  }
0x32: {  	s10 =	sld [smem:$0x3FB8];
	_ =	sdelay $0x3  }
0x33: {  	p0 =	seq.s32 s10, $0x1;
	s10 =	sld [smem:$0x3FBA];
	_ =	sdelay $0x3  }
0x34: {  	[smem:$0x3FBA] =	sst s10  }
0x35: {  	s10 =	sld [smem:$0x3FB9];
	_ =	sdelay $0x3  }
0x36: {  	p1 =	seq.s32 s10, $0x1;
	s10 =	sld [smem:$0x3FBA];
	_ =	sdelay $0x3  }
0x37: {  	[smem:$0x3FBA] =	sst s10  }
0x38: {  	s10 =	sld [smem:$0x3FBB]  }
0x39: {  	_ = 	snop;
	(pc) =	sbr.ind lr, $3  }
0x3a: {  	_ = 	snop  }
0x3b: {  	_ = 	snop  }
0x3c: {  	p2 =	seq.s32 s10, $0x1;
	s10 =	sld [smem:$0x3FBA]  }
0x3d: {  	_ =	shalt  }
0x3e: {  	_ =	shalt  }
0x3f: {  	_ =	shalt  }
0x40: {  	_ =	shalt  }
0x41: {  	_ =	shalt  }
0x42: {  	_ =	shalt  }
0x43: {  	_ =	shalt  }
0x44: {  	_ =	shalt  }
0x45: {  	_ =	shalt  }
0x46: {  	_ =	shalt  }
0x47: {  	_ =	shalt  }
0x48: {  	_ =	shalt  }
0x49: {  	_ =	shalt  }
0x4a: {  	_ =	shalt  }
0x4b: {  	_ =	shalt  }
0x4c: {  	_ =	shalt  }
0x4d: {  	_ =	shalt  }
0x4e: {  	_ =	shalt  }
0x4f: {  	_ =	shalt  }
0x50: {  	_ =	shalt  }
0x51: {  	_ =	shalt  }
0x52: {  	_ =	shalt  }
0x53: {  	_ =	shalt  }
0x54: {  	_ =	shalt  }
0x55: {  	_ =	shalt  }
0x56: {  	_ =	shalt  }
0x57: {  	_ =	shalt  }
0x58: {  	_ =	shalt  }
0x59: {  	_ =	shalt  }
0x5a: {  	_ =	shalt  }
0x5b: {  	_ =	shalt  }
0x5c: {  	_ =	shalt  }
0x5d: {  	_ =	shalt  }
0x5e: {  	_ =	shalt  }
0x5f: {  	_ =	shalt  }
0x60: {  	_ =	shalt  }
0x61: {  	_ =	shalt  }
0x62: {  	_ =	shalt  }
0x63: {  	_ =	shalt  }
0x64: {  	_ =	shalt  }
0x65: {  	_ =	shalt  }
0x66: {  	_ =	shalt  }
0x67: {  	_ =	shalt  }
0x68: {  	_ =	shalt  }
0x69: {  	_ =	shalt  }
0x6a: {  	_ =	shalt  }
0x6b: {  	_ =	shalt  }
0x6c: {  	_ =	shalt  }
0x6d: {  	_ =	shalt  }
0x6e: {  	_ =	shalt  }
0x6f: {  	_ =	shalt  }
0x70: {  	_ =	shalt  }
0x71: {  	_ =	shalt  }
0x72: {  	_ =	shalt  }
0x73: {  	_ =	shalt  }
0x74: {  	_ =	shalt  }
0x75: {  	_ =	shalt  }
0x76: {  	_ =	shalt  }
0x77: {  	_ =	shalt  }
0x78: {  	_ =	shalt  }
0x79: {  	_ =	shalt  }
0x7a: {  	_ =	shalt  }
0x7b: {  	_ =	shalt  }
0x7c: {  	_ =	shalt  }
0x7d: {  	_ =	shalt  }
0x7e: {  	_ =	shalt  }
0x7f: {  	_ =	shalt  }
0x80: {  	_ =	shalt  }
0x81: {  	_ =	shalt  }
0x82: {  	_ =	shalt  }
0x83: {  	_ =	shalt  }
0x84: {  	_ =	shalt  }
0x85: {  	_ =	shalt  }
0x86: {  	_ =	shalt  }
0x87: {  	_ =	shalt  }
.Lfunc_end0:
.L_simem_size_0:
called_computation_lowered:
.L_overlay_start_0:
0x88: {  	s2 =	sld [smem:$0x3FD9]  }
0x89: {  	s3 =	sld [smem:$0x3FFE];
	_ =	sdelay $0x1  }
0x8a: {  	s1 =	srdreg.scid  }
0x8b: {  	s0 =	sand.u32 $0x1, s1  }
0x8c: {  	s17 =	sshll.u32 s0, $0xA;
	s2 =	sadd.s32 s3, s2  }
0x8d: {  	s2 =	sadd.s32 s2, s17  }
0x8e: {  	[smem:$0x3FC6] =	sst s2  }
0x8f: {  	_ = 	snop  }
0x90: {  	s2 =	sld [smem:$0x3FC9]  }
0x91: {  	s18 =	sld [smem:$0x3FC8];
	(tm) =	ssettm $0x1  }
0x92: {  	s4 =	sld [smem:$0x3FFB];
	_ =	sdelay $0x3  }
0x93: {  	_ =	strace s4  }
0x94: {  	s4 =	sld [smem:$0x3FFC];
	_ =	sdelay $0x3  }
0x95: {  	_ =	strace s4  }
0x96: {  	s4 =	sld [smem:$0x3FFD];
	_ =	sdelay $0x3  }
0x97: {  	_ =	strace s4  }
0x98: {  	_ =	strace $0x8FFFFFFF  }
0x99: {  	s19 =	sld [smem:$0x3FDB];
	_ =	sdelay $0x1  }
0x9a: {  	s5 =	simm.s32 $_scs_section_size  }
0x9b: {  	s6 =	simm.s32 $_size__tile_overlayer_lowered;
	s7 =	simm.s32 $_tile_overlayer_lowered  }
0x9c: {  	s22 =	simm.s32 $0x1BFF;
	s21 =	sshll.u32 s7, $0x1;
	s4 =	sadd.s32 s5, s19  }
0x9d: {  	s8 =	simm.s32 $0x0;
	s20 =	sshll.u32 s6, $0x1;
	s6 =	sadd.s32 s21, s4  }
0x9e: {  	[timem:s8], [sflag:s22] =	dma.local [hbm:s6], s20  }
0x9f: {  	_ =	swait.ge [sflag:s22], s20  }
0xa0: {  	s5 =	ssub.s32 $0x0, s20;
	[sflag:s22] =	ssyncset.done $0x0  }
0xa1: {  	[sflag:s22] =	ssyncadd.s32 s5;
	_ =	sdelay $0x1  }
0xa2: {  	s23 =	simm.s32 $0x1B8B  }
0xa3: {  	_ =	swait.ge [sflag:s23], $0x1  }
0xa4: {  	[sflag:s23] =	ssyncset.done $0x0  }
0xa5: {  	s25 =	simm.s32 $0x1B8E;
	s24 =	sld [smem:$0x3FFE];
	[sflag:s23] =	ssyncadd.s32 $0xFFFFFFFF  }
0xa6: {  	s26 =	simm.s32 $execute0_lowered;
	[smem:$0x3FD2] =	sst s25  }
0xa7: {  	s6 =	sshll.u32 s26, $0x1;
	_ =	strace $0x80000046;
	[dreg:$0x1] =	wrdreg $0xFFFFFFFF  }
0xa8: {  	s28 =	simm.s32 $_size_execute0_lowered;
	s4 =	sadd.s32 s4, s6;
	[dreg:$0x0] =	wrdreg $0x0  }
0xa9: {  	s6 =	sshll.u32 s28, $0x1;
	[dreg:$0x2] =	wrdreg s4  }
0xaa: {  	[dreg:$0x3] =	wrdreg s6  }
0xab: {  	[dreg:$0x4] =	wrdreg $0xC0  }
0xac: {  	_ =	task [dreg:s8], $0x5FFFF  }
0xad: {  	[dreg:$0x1] =	wrdreg $0xFFFFFFFF  }
0xae: {  	[dreg:$0x0] =	wrdreg $0x60  }
0xaf: {  	[dreg:$0x2] =	wrdreg s2  }
0xb0: {  	[dreg:$0x3] =	wrdreg s18  }
0xb1: {  	[dreg:$0x4] =	wrdreg s24  }
0xb2: {  	[dreg:$0x5] =	wrdreg $0x0  }
0xb3: {  	[dreg:$0x6] =	wrdreg $0x9  }
0xb4: {  	_ =	task.clear_ibuf [dreg:s8], $0x7FFFF;
	_ =	strace $0x90000046  }
0xb5: {  	s29 =	simm.s32 $0x9;
	_ =	strace $0x80000048  }
0xb6: {  	_ =	swait.ge [sflag:s29], $0x1  }
0xb7: {  	[sflag:s29] =	ssyncadd.s32 $0xFFFFFFFF  }
0xb8: {  	_ =	strace $0x90000048  }
0xb9: {  	_ =	sfence  }
0xba: {  	s30 =	sld [smem:$0x0];
	_ =	sdelay $0x2  }
0xbb: {  	s31 =	sshll.u32 s1, $0xD;
	s1 =	sshrl.u32 s1, $0x2  }
0xbc: {  	s3 =	sand.u32 $0x4000, s31;
	s1 =	sadd.s32 s1, s30  }
0xbd: {  	s0 =	sor.u32 s3, s0;
	s1 =	sshll.u32 s1, $0x11  }
0xbe: {  	s0 =	sor.u32 s1, s0  }
0xbf: {  	s0 =	sadd.s32 $0x8F2B, s0  }
0xc0: {  	[sflag:s0] =	ssyncadd.remote.s32 $0x1  }
0xc1: {  	_ =	sfence.sel $0xFFFF  }
0xc2: {  	[dreg:$0x0] =	wrdreg $0xFFFFFFFF;
	(pc) =	sbr.abs _section_cstart, $3  }
0xc3: {  	[dreg:$0x1] =	wrdreg $0xFFFFFFFF  }
0xc4: {  	_ =	task.clear_ibuf [dreg:s8], $0x2FFFF;
	_ =	strace $0x9FFFFFFF  }
0xc5: {  	(tm) =	ssettm $0x7FFFFFFF  }
tec
execute0_lowered:
.L_overlay_start_1:
0x0: {  	(tag) =	ssettag $0x1  }
0x1: {  	s1 =	rddreg [dreg:$0x0]  }
0x2: {  	s2 =	rddreg [dreg:$0x1]  }
0x3: {  	s0 =	rddreg [dreg:$0x2];
	s14 =	stileid.u32  }
0x4: {  	s3 =	srdreg.scid;
	s4 =	rddreg [dreg:$0x3]  }
0x5: {  	s5 =	simm.s32 $0x0;
	s31 =	simm.s32 $0x2000;
	s28 =	simm.s32 $0x3  }
0x6: {  	s29 =	simm.s32 $0x6;
	s3 =	sand.u32 $0x1, s3;
	s6 =	sshll.u32 s14, $0x1  }
0x7: {  	[smem:$0x7FF] =	sst s5;
	s8 =	sshrl.u32 s14, $0x2;
	s11 =	sshll.u32 s14, $0xA  }
0x8: {  	p0 =	sgt.u32 s14, $0x1;
	s6 =	sor.u32 s3, s6;
	_ =	strace $0x80000047  }
0x9: {  	s9 =	sshll.u32 s8, $0xD;
	s8 =	sshll.u32 s8, $0xA;
	s11 =	sadd.s32 s11, s0  }
0xa: {  	s19 =	ssub.s32 $0x2, s3;
	s3 =	sshll.u32 s3, $0xE;
	s12 =	smul.u32 $0x2700, s6  }
0xb: {  	s7 =	sshll.u32 s6, $0x7;
	s20 =	sshrl.u32 s19, $0x1;
	s21 =	smul.u32 $0x27000, s6  }
0xc: {  	s6 =	smul.u32 $0x27, s6;
	s3 =	sadd.s32 s3, s11;
	s10 =	sand.u32 $0x380, s7  }
0xd: {  	s11 =	simm.s32 $0x1A280;
	s7 =	sor.u32 $0x4E000, s7;
	s9 =	sor.u32 s9, s10  }
0xe: {  	s8 =	sor.u32 s8, s10;
	s13 =	sshrl.u32 s12, $0x3;
	s22 =	sadd.s32 $0x100, s12  }
0xf: {  	s10 =	sadd.s32 s1, s21;
	s9 =	sshrl.u32 s9, $0x3;
	s8 =	sshrl.u32 s8, $0x3  }
0x10: {  	s15 =	sadd.s32 s2, s13;
	[dreg:$0x6] =	wrdreg s10;
	s24 =	sshll.u32 s22, $0x4  }
0x11: {  	s25 =	sshrl.u32 s22, $0x3;
	s22 =	sadd.s32 $0xE00, s3;
	[dreg:$0x5] =	wrdreg s15  }
0x12: {  	s9 =	sadd.s32 s9, s0;
	s23 =	sadd.s32 $0x10, s15;
	[dreg:$0x16] =	wrdreg s22  }
0x13: {  	s0 =	sadd.s32 s8, s0;
	s10 =	sadd.s32 s1, s24;
	[dreg:$0x7] =	wrdreg s23  }
0x14: {  	s8 =	ssub.s32 s19, s20;
	s26 =	sadd.s32 $0x30, s15;
	[dreg:$0x8] =	wrdreg s10  }
0x15: {  	s16 =	sadd.s32 $0x50, s15;
	s19 =	sshll.u32 s7, $0x4;
	[dreg:$0xa] =	wrdreg s26  }
0x16: {  	s7 =	sshrl.u32 s7, $0x3;
	s10 =	sadd.s32 s2, s25;
	[dreg:$0xd] =	wrdreg s16  }
0x17: {  	s12 =	sadd.s32 $0x200, s12;
	s7 =	sadd.s32 s2, s7;
	[dreg:$0x9] =	wrdreg s10  }
0x18: {  	v0 =	vimm.s32 $0x2380;
	vm0 =	vcmask $0x300;
	s30 =	sshll.u32 s12, $0x4;
	s21 =	sadd.s32 $0x8E00, s9;
	[dreg:$0x13] =	wrdreg s7  }
0x19: {  	vm14 =	vcmask $0x704;
	v0 =	vsel vm0, $0x0, v0;
	s12 =	sshrl.u32 s12, $0x3;
	s0 =	sadd.s32 $0x9E00, s0;
	[dreg:$0x14] =	wrdreg s21  }
0x1a: {  	vm15 =	vcmask $0xB08;
	v0 =	vsel vm14, $0x80, v0;
	s13 =	sshll.u32 s14, $0xD;
	s23 =	smax.u32 s8, $0x1;
	[dreg:$0x15] =	wrdreg s0  }
0x1b: {  	vm4 =	vcmask $0xF0C;
	v0 =	vsel vm15, $0x100, v0;
	s3 =	simm.s32 $0x1A000;
	s10 =	sadd.s32 s1, s30;
	[dreg:$0x17] =	wrdreg s23  }
0x1c: {  	vm5 =	vcmask $0x1310;
	v0 =	vsel vm4, $0x180, v0;
	s14 =	simm.s32 $0x1;
	[dreg:$0xb] =	wrdreg s10;
	s10 =	sadd.s32 s2, s12  }
0x1d: {  	vm6 =	vcmask $0x1714;
	v0 =	vsel vm5, $0x200, v0;
	s15 =	simm.s32 $0x4;
	s12 =	sadd.s32 s13, s4;
	[dreg:$0xc] =	wrdreg s10  }
0x1e: {  	vm7 =	vcmask $0x1B18;
	v0 =	vsel vm6, $0x280, v0;
	s22 =	simm.s32 $0x7;
	s17 =	sadd.s32 $0x400, s12;
	[dreg:$0xe] =	wrdreg s12  }
0x1f: {  	vm8 =	vcmask $0x1F1C;
	v0 =	vsel vm7, $0x300, v0;
	s8 =	simm.s32 $0x1A180;
	s18 =	sadd.s32 $0x800, s12;
	[dreg:$0xf] =	wrdreg s17  }
0x20: {  	vm9 =	vcmask $0x2320;
	v0 =	vsel vm8, $0x380, v0;
	s9 =	simm.s32 $0x12000;
	s20 =	sadd.s32 $0xC00, s12;
	[dreg:$0x10] =	wrdreg s18  }
0x21: {  	vm10 =	vcmask $0x2724;
	s16 =	simm.s32 $0x0;
	v0 =	vsel vm9, $0x2000, v0;
	s10 =	sadd.s32 s1, s19;
	[dreg:$0x11] =	wrdreg s20  }
0x22: {  	vm11 =	vcmask $0x2B28;
	s0 =	simm.s32 $0x1A100;
	v0 =	vsel vm10, $0x2080, v0;
	s24 =	sadd.s32 $0x1000, s12;
	[dreg:$0x12] =	wrdreg s10  }
0x23: {  	vm12 =	vcmask $0x2F2C;
	s23 =	simm.s32 $0x2;
	s25 =	sadd.s32 $0x1400, s12;
	v0 =	vsel vm11, $0x2100, v0;
	[dreg:$0x18] =	wrdreg s24  }
0x24: {  	vm13 =	vcmask $0x3330;
	s7 =	simm.s32 $0x9;
	s26 =	sadd.s32 $0x1800, s12;
	[dreg:$0x19] =	wrdreg s25;
	v0 =	vsel vm12, $0x2180, v0  }
0x25: {  	vm14 =	vcmask $0x3734;
	s13 =	simm.s32 $0xA;
	s30 =	sadd.s32 $0x1C00, s12;
	[dreg:$0x1a] =	wrdreg s26;
	v1 =	vsel vm13, $0x2200, v0  }
0x26: {  	v3 =	vimm.s32 $0x1;
	vm15 =	vcmask $0x3B38;
	s19 =	simm.s32 $0x1A300;
	[dreg:$0x1b] =	wrdreg s30;
	s10 =	simm.s32 $0x1A200;
	v2 =	vsel vm14, $0x2280, v1  }
0x27: {  	s17 =	simm.s32 $0x80;
	s24 =	simm.s32 $0x5;
	s26 =	simm.s32 $0x8;
	v0 =	vimm.s32 $0x0;
	v1 =	vimm.f32 $0.0e+00;
	v2 =	vsel vm15, $0x2300, v2  }
.LBB2_1:
0x28: {  	[dreg:$0x1c] =	wrdreg s16  }
0x29: {  	s12 =	rddreg [dreg:$0x6]  }
0x2a: {  	[tilespmem:s31], [sflag:$0x1] =	stream.linear.gather [hbm4b:s12+s5], $0x8000, $0x38;
	[tilespmem:$0x1EB80] =	vst v63  }
0x2b: {  	s16 =	rddreg [dreg:$0x5]  }
0x2c: {  	[tilespmem:s3], [sflag:$0x4] =	stream.linear.gather [hbm4b:s16+s5], $0x80, $0x38;
	[tilespmem:$0x1EB80] =	vst v63  }
0x2d: {  	s18 =	rddreg [dreg:$0x7];
	s20 =	simm.s32 $0x1A080  }
0x2e: {  	[tilespmem:s20], [sflag:$0x4] =	stream.linear.gather [hbm4b:s18+s5], $0x80, $0x38;
	[tilespmem:$0x1EB80] =	vst v63  }
0x2f: {  	s21 =	rddreg [dreg:$0x8];
	s25 =	simm.s32 $0xA000  }
0x30: {  	[tilespmem:s25], [sflag:$0x2] =	stream.linear.gather [hbm4b:s21+s5], $0x8000, $0x38;
	[tilespmem:$0x1EB80] =	vst v63  }
0x31: {  	s30 =	rddreg [dreg:$0x9]  }
0x32: {  	[tilespmem:s0], [sflag:$0x5] =	stream.linear.gather [hbm4b:s30+s5], $0x80, $0x38;
	[tilespmem:$0x1EB80] =	vst v63  }
0x33: {  	s16 =	rddreg [dreg:$0xa]  }
0x34: {  	[tilespmem:s8], [sflag:$0x5] =	stream.linear.gather [hbm4b:s16+s5], $0x80, $0x38;
	[tilespmem:$0x1EB80] =	vst v63  }
0x35: {  	s18 =	rddreg [dreg:$0xb]  }
0x36: {  	[tilespmem:s9], [sflag:$0x3] =	stream.linear.gather [hbm4b:s18+s5], $0x8000, $0x38;
	[tilespmem:$0x1EB80] =	vst v63  }
0x37: {  	s20 =	rddreg [dreg:$0xc];
	s25 =	sand.u32 $0x70, s5;
	s30 =	sand.u32 $0x1C00, s5  }
0x38: {  	[tilespmem:s10], [sflag:$0x6] =	stream.linear.gather [hbm4b:s20+s5], $0x80, $0x38;
	[tilespmem:$0x1EB80] =	vst v63  }
0x39: {  	s21 =	rddreg [dreg:$0xd];
	s12 =	sor.u32 s25, s30  }
0x3a: {  	[tilespmem:s11], [sflag:$0x6] =	stream.linear.gather [hbm4b:s21+s5], $0x80, $0x38;
	[tilespmem:$0x1EB80] =	vst v63  }
0x3b: {  	[tilespmem:s12+$0x1A380] =	vst v0  }
0x3c: {  	[tilespmem:s12+$0x1A400] =	vst v0  }
0x3d: {  	[tilespmem:s12+$0x1A480] =	vst v0  }
0x3e: {  	[tilespmem:s12+$0x1A500] =	vst v0  }
0x3f: {  	[tilespmem:s12+$0x1A580] =	vst v0  }
0x40: {  	s16 =	simm.s32 $0x10;
	s18 =	simm.s32 $0x0;
	s20 =	sor.u32 s5, s5;
	[tilespmem:s12+$0x1A600] =	vst v0  }
.LBB2_2:
0x41: {  	p1 =	sne.s32 s16, $0x3F0;
	[tilespmem:s12+$0x1A300] =	vst v0;
	s20 =	sor.u32 $0x380, s20  }
0x42: {  	[tilespmem:s20+$0x1A300] =	vst v0  }
0x43: {  	[tilespmem:s12+$0x1C300] =	vst v0  }
0x44: {  	[tilespmem:s12+$0x1C380] =	vst v0  }
0x45: {  	[tilespmem:s12+$0x1C400] =	vst v0  }
0x46: {  	[tilespmem:s12+$0x1C480] =	vst v0  }
0x47: {  	[tilespmem:s12+$0x1C500] =	vst v0  }
0x48: {  	s18 =	sadd.s32 $0x80, s18;
	[tilespmem:s12+$0x1C580] =	vst v0  }
0x49: {  	s20 =	sand.u32 $0x70, s16;
	s25 =	sand.u32 $0x1C00, s18;
	[tilespmem:s12+$0x1C600] =	vst v0  }
0x4a: {  	[tilespmem:s12+$0x1C680] =	vst v0;
	s12 =	sor.u32 s20, s25  }
0x4b: {  	[tilespmem:s12+$0x1A380] =	vst v0  }
.Ltmp0:
0x4c: {  	[tilespmem:s12+$0x1A400] =	vst v0;
	(pc) =	sbr.rel @p1 .LBB2_2-.Ltmp0, $4  }
0x4d: {  	[tilespmem:s12+$0x1A480] =	vst v0  }
0x4e: {  	[tilespmem:s12+$0x1A500] =	vst v0  }
0x4f: {  	[tilespmem:s12+$0x1A580] =	vst v0  }
0x50: {  	s20 =	sor.u32 s18, s16;
	s16 =	sadd.s32 $0x10, s16;
	[tilespmem:s12+$0x1A600] =	vst v0  }
0x51: {  	[tilespmem:s12+$0x1A300] =	vst v0;
	s16 =	sor.u32 $0x380, s20  }
0x52: {  	[tilespmem:s16+$0x1A300] =	vst v0  }
0x53: {  	[tilespmem:s12+$0x1C300] =	vst v0  }
0x54: {  	[tilespmem:s12+$0x1C380] =	vst v0  }
0x55: {  	[tilespmem:s12+$0x1C400] =	vst v0  }
0x56: {  	[tilespmem:s12+$0x1C480] =	vst v0  }
0x57: {  	[tilespmem:s12+$0x1C500] =	vst v0  }
0x58: {  	[tilespmem:s12+$0x1C580] =	vst v0  }
0x59: {  	[tilespmem:s12+$0x1C600] =	vst v0  }
0x5a: {  	[tilespmem:s12+$0x1C680] =	vst v0  }
0x5b: {  	[tilespmem:$0x1E700] =	vst v1  }
0x5c: {  	[tilespmem:$0x1E780] =	vst v1  }
0x5d: {  	[tilespmem:$0x1E790] =	vst v1  }
0x5e: {  	[tilespmem:$0x1E7A0] =	vst v1  }
0x5f: {  	[tilespmem:$0x1E7B0] =	vst v1  }
0x60: {  	[tilespmem:$0x1E7C0] =	vst v1  }
0x61: {  	[tilespmem:$0x1E7D0] =	vst v1  }
0x62: {  	[tilespmem:$0x1E7E0] =	vst v1  }
0x63: {  	[tilespmem:$0x1E7F0] =	vst v1  }
0x64: {  	[tilespmem:$0x1E800] =	vst v1  }
0x65: {  	[tilespmem:$0x1E810] =	vst v1  }
0x66: {  	[tilespmem:$0x1E820] =	vst v1  }
0x67: {  	[tilespmem:$0x1E830] =	vst v1  }
0x68: {  	[tilespmem:$0x1E840] =	vst v1  }
0x69: {  	[tilespmem:$0x1E850] =	vst v1  }
0x6a: {  	[tilespmem:$0x1E860] =	vst v1  }
0x6b: {  	[tilespmem:$0x1E870] =	vst v1  }
0x6c: {  	[tilespmem:$0x1E880] =	vst v1  }
0x6d: {  	[tilespmem:$0x1E890] =	vst v1  }
0x6e: {  	[tilespmem:$0x1E8A0] =	vst v1  }
0x6f: {  	[tilespmem:$0x1E8B0] =	vst v1  }
0x70: {  	[tilespmem:$0x1E8C0] =	vst v1  }
0x71: {  	[tilespmem:$0x1E8D0] =	vst v1  }
0x72: {  	[tilespmem:$0x1E8E0] =	vst v1  }
0x73: {  	[tilespmem:$0x1E8F0] =	vst v1  }
0x74: {  	[tilespmem:$0x1E900] =	vst v1  }
0x75: {  	[tilespmem:$0x1E910] =	vst v1  }
0x76: {  	[tilespmem:$0x1E920] =	vst v1  }
0x77: {  	[tilespmem:$0x1E930] =	vst v1  }
0x78: {  	[tilespmem:$0x1E940] =	vst v1  }
0x79: {  	[tilespmem:$0x1E950] =	vst v1  }
0x7a: {  	[tilespmem:$0x1E960] =	vst v1  }
0x7b: {  	[tilespmem:$0x1E970] =	vst v1  }
0x7c: {  	[tilespmem:$0x1E980] =	vst v1  }
0x7d: {  	[tilespmem:$0x1E990] =	vst v1  }
0x7e: {  	[tilespmem:$0x1E9A0] =	vst v1  }
0x7f: {  	[tilespmem:$0x1E9B0] =	vst v1  }
0x80: {  	[tilespmem:$0x1E9C0] =	vst v1  }
0x81: {  	[tilespmem:$0x1E9D0] =	vst v1  }
0x82: {  	[tilespmem:$0x1E9E0] =	vst v1  }
0x83: {  	[tilespmem:$0x1E9F0] =	vst v1  }
0x84: {  	[tilespmem:$0x1EA00] =	vst v1  }
0x85: {  	[tilespmem:$0x1EA10] =	vst v1  }
0x86: {  	[tilespmem:$0x1EA20] =	vst v1  }
0x87: {  	[tilespmem:$0x1EA30] =	vst v1  }
0x88: {  	[tilespmem:$0x1EA40] =	vst v1  }
0x89: {  	[tilespmem:$0x1EA50] =	vst v1  }
0x8a: {  	[tilespmem:$0x1EA60] =	vst v1  }
0x8b: {  	[tilespmem:$0x1EA70] =	vst v1  }
0x8c: {  	[tilespmem:$0x1EA80] =	vst v1  }
0x8d: {  	[tilespmem:$0x1EA90] =	vst v1  }
0x8e: {  	[tilespmem:$0x1EAA0] =	vst v1  }
0x8f: {  	[tilespmem:$0x1EAB0] =	vst v1  }
0x90: {  	[tilespmem:$0x1EAC0] =	vst v1  }
0x91: {  	[tilespmem:$0x1EAD0] =	vst v1  }
0x92: {  	[tilespmem:$0x1EAE0] =	vst v1  }
0x93: {  	[tilespmem:$0x1EAF0] =	vst v1  }
0x94: {  	[tilespmem:$0x1EB00] =	vst v1  }
0x95: {  	[tilespmem:$0x1EB10] =	vst v1  }
0x96: {  	[tilespmem:$0x1EB20] =	vst v1  }
0x97: {  	[tilespmem:$0x1EB30] =	vst v1  }
0x98: {  	[tilespmem:$0x1EB40] =	vst v1  }
0x99: {  	[tilespmem:$0x1EB50] =	vst v1  }
0x9a: {  	[tilespmem:$0x1EB60] =	vst v1  }
0x9b: {  	s21 =	rddreg [dreg:$0xe];
	s16 =	simm.s32 $0x1E780;
	[tilespmem:$0x1EB70] =	vst v1  }
0x9c: {  	[spmem:s21] =	stream.linear.scatter [tilespmem:s16], [sflag:$0xA], $0x400, $0x38;
	[tilespmem:$0x1EB80] =	vst v63  }
0x9d: {  	_ =	swait.ge [sflag:s13], $0x400  }
0x9e: {  	[sflag:s13] =	ssyncset.done $0x0  }
0x9f: {  	s25 =	rddreg [dreg:$0xf];
	[sflag:s13] =	ssyncadd.s32 $0xFFFFFC00  }
0xa0: {  	[spmem:s25] =	stream.linear.scatter [tilespmem:s16], [sflag:$0xA], $0x400, $0x38;
	[tilespmem:$0x1EB80] =	vst v63  }
0xa1: {  	_ =	swait.ge [sflag:s13], $0x400  }
0xa2: {  	[sflag:s13] =	ssyncset.done $0x0  }
0xa3: {  	s30 =	rddreg [dreg:$0x10];
	[sflag:s13] =	ssyncadd.s32 $0xFFFFFC00  }
0xa4: {  	[spmem:s30] =	stream.linear.scatter [tilespmem:s16], [sflag:$0xA], $0x400, $0x38;
	[tilespmem:$0x1EB80] =	vst v63  }
0xa5: {  	_ =	swait.ge [sflag:s13], $0x400  }
0xa6: {  	[sflag:s13] =	ssyncset.done $0x0  }
0xa7: {  	s18 =	rddreg [dreg:$0x11];
	[sflag:s13] =	ssyncadd.s32 $0xFFFFFC00  }
0xa8: {  	[spmem:s18] =	stream.linear.scatter [tilespmem:s16], [sflag:$0xA], $0x400, $0x38;
	[tilespmem:$0x1EB80] =	vst v63  }
0xa9: {  	_ =	swait.ge [sflag:s13], $0x400  }
0xaa: {  	[sflag:s13] =	ssyncset.done $0x0  }
0xab: {  	s20 =	rddreg [dreg:$0x18];
	[sflag:s13] =	ssyncadd.s32 $0xFFFFFC00  }
0xac: {  	[spmem:s20] =	stream.linear.scatter [tilespmem:s16], [sflag:$0xA], $0x400, $0x38;
	[tilespmem:$0x1EB80] =	vst v63  }
0xad: {  	_ =	swait.ge [sflag:s13], $0x400  }
0xae: {  	[sflag:s13] =	ssyncset.done $0x0  }
0xaf: {  	s21 =	rddreg [dreg:$0x19];
	[sflag:s13] =	ssyncadd.s32 $0xFFFFFC00  }
0xb0: {  	[spmem:s21] =	stream.linear.scatter [tilespmem:s16], [sflag:$0xA], $0x400, $0x38;
	[tilespmem:$0x1EB80] =	vst v63  }
0xb1: {  	_ =	swait.ge [sflag:s13], $0x400  }
0xb2: {  	[sflag:s13] =	ssyncset.done $0x0  }
0xb3: {  	s25 =	rddreg [dreg:$0x1a];
	[sflag:s13] =	ssyncadd.s32 $0xFFFFFC00  }
0xb4: {  	[spmem:s25] =	stream.linear.scatter [tilespmem:s16], [sflag:$0xA], $0x400, $0x38;
	[tilespmem:$0x1EB80] =	vst v63  }
0xb5: {  	_ =	swait.ge [sflag:s13], $0x400  }
0xb6: {  	[sflag:s13] =	ssyncset.done $0x0  }
0xb7: {  	s30 =	rddreg [dreg:$0x1b];
	[sflag:s13] =	ssyncadd.s32 $0xFFFFFC00  }
0xb8: {  	[spmem:s30] =	stream.linear.scatter [tilespmem:s16], [sflag:$0xA], $0x400, $0x38;
	[tilespmem:$0x1EB80] =	vst v63  }
0xb9: {  	_ =	swait.ge [sflag:s13], $0x400  }
0xba: {  	[sflag:s13] =	ssyncset.done $0x0  }
0xbb: {  	[sflag:s13] =	ssyncadd.s32 $0xFFFFFC00  }
0xbc: {  	s12 =	simm.s32 $0x0;
	[bflag:$0x0] =	sbarrier.arrive $0xFFFF  }
.LBB2_4:
0xbd: {  	_ =	swait.ge [sflag:s14], $0x8000  }
0xbe: {  	[sflag:s14] =	ssyncset.done $0x0  }
0xbf: {  	[sflag:s14] =	ssyncadd.s32 $0xFFFF8000  }
0xc0: {  	_ =	swait.ge [sflag:s15], $0x80  }
0xc1: {  	[sflag:s15] =	ssyncset.done $0x0  }
0xc2: {  	[sflag:s15] =	ssyncadd.s32 $0xFFFFFF80  }
0xc3: {  	_ =	swait.ge [sflag:s15], $0x80  }
0xc4: {  	[sflag:s15] =	ssyncset.done $0x0  }
0xc5: {  	[sflag:s15] =	ssyncadd.s32 $0xFFFFFF80  }
0xc6: {  	[spmem:s4] =	stream.indirect.scatter.add.f32 [tilespmem:s31], [sflag:$0x7], $0x80, s3, s17, $0xb8;
	[tilespmem:$0x1EB80] =	vst v63  }
0xc7: {  	s16 =	simm.s32 $0x1A080;
	s18 =	simm.s32 $0x6000  }
0xc8: {  	[spmem:s4] =	stream.indirect.scatter.add.f32 [tilespmem:s18], [sflag:$0x7], $0x80, s16, s17, $0xb8;
	[tilespmem:$0x1EB80] =	vst v63  }
0xc9: {  	v4 =	vld [tilespmem:$0x1A000];
	_ =	sdelay $0x4  }
0xca: {  	v5 =	vshll.u32 v4, $0x3  }
0xcb: {  	v4 =	vand.u32 $0x7F, v4;
	v5 =	vand.u32 $0xFFFFFC00, v5  }
0xcc: {  	v4 =	vor.u32 v4, v5  }
0xcd: {  	v4 =	vadd.s32 v2, v4;
	_ =	sdelay $0x4  }
0xce: {  	[tilespmem:v4+s19+$0x0] =	vst.idx.add.s32.msk $0xffff, v3  }
0xcf: {  	v4 =	vld [tilespmem:$0x1A010];
	_ =	sdelay $0x4  }
0xd0: {  	v5 =	vshll.u32 v4, $0x3  }
0xd1: {  	v4 =	vand.u32 $0x7F, v4;
	v5 =	vand.u32 $0xFFFFFC00, v5  }
0xd2: {  	v4 =	vor.u32 v4, v5  }
0xd3: {  	v4 =	vadd.s32 v2, v4;
	_ =	sdelay $0x4  }
0xd4: {  	[tilespmem:v4+s19+$0x0] =	vst.idx.add.s32.msk $0xffff, v3  }
0xd5: {  	v4 =	vld [tilespmem:$0x1A020];
	_ =	sdelay $0x4  }
0xd6: {  	v5 =	vshll.u32 v4, $0x3  }
0xd7: {  	v4 =	vand.u32 $0x7F, v4;
	v5 =	vand.u32 $0xFFFFFC00, v5  }
0xd8: {  	v4 =	vor.u32 v4, v5  }
0xd9: {  	v4 =	vadd.s32 v2, v4;
	_ =	sdelay $0x4  }
0xda: {  	[tilespmem:v4+s19+$0x0] =	vst.idx.add.s32.msk $0xffff, v3  }
0xdb: {  	v4 =	vld [tilespmem:$0x1A030];
	_ =	sdelay $0x4  }
0xdc: {  	v5 =	vshll.u32 v4, $0x3  }
0xdd: {  	v4 =	vand.u32 $0x7F, v4;
	v5 =	vand.u32 $0xFFFFFC00, v5  }
0xde: {  	v4 =	vor.u32 v4, v5  }
0xdf: {  	v4 =	vadd.s32 v2, v4;
	_ =	sdelay $0x4  }
0xe0: {  	[tilespmem:v4+s19+$0x0] =	vst.idx.add.s32.msk $0xffff, v3  }
0xe1: {  	v4 =	vld [tilespmem:$0x1A040];
	_ =	sdelay $0x4  }
0xe2: {  	v5 =	vshll.u32 v4, $0x3  }
0xe3: {  	v4 =	vand.u32 $0x7F, v4;
	v5 =	vand.u32 $0xFFFFFC00, v5  }
0xe4: {  	v4 =	vor.u32 v4, v5  }
0xe5: {  	v4 =	vadd.s32 v2, v4;
	_ =	sdelay $0x4  }
0xe6: {  	[tilespmem:v4+s19+$0x0] =	vst.idx.add.s32.msk $0xffff, v3  }
0xe7: {  	v4 =	vld [tilespmem:$0x1A050];
	_ =	sdelay $0x4  }
0xe8: {  	v5 =	vshll.u32 v4, $0x3  }
0xe9: {  	v4 =	vand.u32 $0x7F, v4;
	v5 =	vand.u32 $0xFFFFFC00, v5  }
0xea: {  	v4 =	vor.u32 v4, v5  }
0xeb: {  	v4 =	vadd.s32 v2, v4;
	_ =	sdelay $0x4  }
0xec: {  	[tilespmem:v4+s19+$0x0] =	vst.idx.add.s32.msk $0xffff, v3  }
0xed: {  	v4 =	vld [tilespmem:$0x1A060];
	_ =	sdelay $0x4  }
0xee: {  	v5 =	vshll.u32 v4, $0x3  }
0xef: {  	v4 =	vand.u32 $0x7F, v4;
	v5 =	vand.u32 $0xFFFFFC00, v5  }
0xf0: {  	v4 =	vor.u32 v4, v5  }
0xf1: {  	v4 =	vadd.s32 v2, v4;
	_ =	sdelay $0x4  }
0xf2: {  	[tilespmem:v4+s19+$0x0] =	vst.idx.add.s32.msk $0xffff, v3  }
0xf3: {  	v4 =	vld [tilespmem:$0x1A070];
	_ =	sdelay $0x4  }
0xf4: {  	v5 =	vshll.u32 v4, $0x3  }
0xf5: {  	v4 =	vand.u32 $0x7F, v4;
	v5 =	vand.u32 $0xFFFFFC00, v5  }
0xf6: {  	v4 =	vor.u32 v4, v5  }
0xf7: {  	v4 =	vadd.s32 v2, v4;
	_ =	sdelay $0x4  }
0xf8: {  	[tilespmem:v4+s19+$0x0] =	vst.idx.add.s32.msk $0xffff, v3  }
0xf9: {  	v4 =	vld [tilespmem:$0x1A080];
	_ =	sdelay $0x4  }
0xfa: {  	v5 =	vshll.u32 v4, $0x3  }
0xfb: {  	v4 =	vand.u32 $0x7F, v4;
	v5 =	vand.u32 $0xFFFFFC00, v5  }
0xfc: {  	v4 =	vor.u32 v4, v5  }
0xfd: {  	v4 =	vadd.s32 v2, v4;
	_ =	sdelay $0x4  }
0xfe: {  	[tilespmem:v4+s19+$0x0] =	vst.idx.add.s32.msk $0xffff, v3  }
0xff: {  	v4 =	vld [tilespmem:$0x1A090];
	_ =	sdelay $0x4  }
0x100: {  	v5 =	vshll.u32 v4, $0x3  }
0x101: {  	v4 =	vand.u32 $0x7F, v4;
	v5 =	vand.u32 $0xFFFFFC00, v5  }
0x102: {  	v4 =	vor.u32 v4, v5  }
0x103: {  	v4 =	vadd.s32 v2, v4;
	_ =	sdelay $0x4  }
0x104: {  	[tilespmem:v4+s19+$0x0] =	vst.idx.add.s32.msk $0xffff, v3  }
0x105: {  	v4 =	vld [tilespmem:$0x1A0A0];
	_ =	sdelay $0x4  }
0x106: {  	v5 =	vshll.u32 v4, $0x3  }
0x107: {  	v4 =	vand.u32 $0x7F, v4;
	v5 =	vand.u32 $0xFFFFFC00, v5  }
0x108: {  	v4 =	vor.u32 v4, v5  }
0x109: {  	v4 =	vadd.s32 v2, v4;
	_ =	sdelay $0x4  }
0x10a: {  	[tilespmem:v4+s19+$0x0] =	vst.idx.add.s32.msk $0xffff, v3  }
0x10b: {  	v4 =	vld [tilespmem:$0x1A0B0];
	_ =	sdelay $0x4  }
0x10c: {  	v5 =	vshll.u32 v4, $0x3  }
0x10d: {  	v4 =	vand.u32 $0x7F, v4;
	v5 =	vand.u32 $0xFFFFFC00, v5  }
0x10e: {  	v4 =	vor.u32 v4, v5  }
0x10f: {  	v4 =	vadd.s32 v2, v4;
	_ =	sdelay $0x4  }
0x110: {  	[tilespmem:v4+s19+$0x0] =	vst.idx.add.s32.msk $0xffff, v3  }
0x111: {  	v4 =	vld [tilespmem:$0x1A0C0];
	_ =	sdelay $0x4  }
0x112: {  	v5 =	vshll.u32 v4, $0x3  }
0x113: {  	v4 =	vand.u32 $0x7F, v4;
	v5 =	vand.u32 $0xFFFFFC00, v5  }
0x114: {  	v4 =	vor.u32 v4, v5  }
0x115: {  	v4 =	vadd.s32 v2, v4;
	_ =	sdelay $0x4  }
0x116: {  	[tilespmem:v4+s19+$0x0] =	vst.idx.add.s32.msk $0xffff, v3  }
0x117: {  	v4 =	vld [tilespmem:$0x1A0D0];
	_ =	sdelay $0x4  }
0x118: {  	v5 =	vshll.u32 v4, $0x3  }
0x119: {  	v4 =	vand.u32 $0x7F, v4;
	v5 =	vand.u32 $0xFFFFFC00, v5  }
0x11a: {  	v4 =	vor.u32 v4, v5  }
0x11b: {  	v4 =	vadd.s32 v2, v4;
	_ =	sdelay $0x4  }
0x11c: {  	[tilespmem:v4+s19+$0x0] =	vst.idx.add.s32.msk $0xffff, v3  }
0x11d: {  	v4 =	vld [tilespmem:$0x1A0E0];
	_ =	sdelay $0x4  }
0x11e: {  	v5 =	vshll.u32 v4, $0x3  }
0x11f: {  	v4 =	vand.u32 $0x7F, v4;
	v5 =	vand.u32 $0xFFFFFC00, v5  }
0x120: {  	v4 =	vor.u32 v4, v5  }
0x121: {  	v4 =	vadd.s32 v2, v4;
	_ =	sdelay $0x4  }
0x122: {  	[tilespmem:v4+s19+$0x0] =	vst.idx.add.s32.msk $0xffff, v3  }
0x123: {  	v4 =	vld [tilespmem:$0x1A0F0];
	_ =	sdelay $0x4  }
0x124: {  	v5 =	vshll.u32 v4, $0x3  }
0x125: {  	v4 =	vand.u32 $0x7F, v4;
	v5 =	vand.u32 $0xFFFFFC00, v5  }
0x126: {  	v4 =	vor.u32 v4, v5  }
0x127: {  	v4 =	vadd.s32 v2, v4;
	_ =	sdelay $0x4  }
0x128: {  	s30 =	simm.s32 $0x0;
	[tilespmem:v4+s19+$0x0] =	vst.idx.add.s32.msk $0xffff, v3  }
0x129: {  	v4 =	vld [tilespmem:s30+$0x2000];
	_ =	sdelay $0x1  }
0x12a: {  	v5 =	vld [tilespmem:s30+$0x2080];
	_ =	sdelay $0x1  }
0x12b: {  	v6 =	vld [tilespmem:s30+$0x2010]  }
0x12c: {  	v4 =	vmul.f32 v4, v4  }
0x12d: {  	v7 =	vimm.f32 $0.0e+00;
	v8 =	vld [tilespmem:s30+$0x2090]  }
0x12e: {  	v5 =	vmul.f32 v5, v5;
	v4 =	vadd.f32 v4, v7  }
0x12f: {  	v7 =	vld [tilespmem:s30+$0x2020]  }
0x130: {  	v4 =	vadd.f32 v5, v4;
	v5 =	vmul.f32 v6, v6  }
0x131: {  	v6 =	vld [tilespmem:s30+$0x20A0]  }
0x132: {  	v4 =	vadd.f32 v5, v4;
	v5 =	vmul.f32 v8, v8  }
0x133: {  	v8 =	vld [tilespmem:s30+$0x2030]  }
0x134: {  	v4 =	vadd.f32 v5, v4;
	v5 =	vmul.f32 v7, v7  }
0x135: {  	v7 =	vld [tilespmem:s30+$0x20B0]  }
0x136: {  	v4 =	vadd.f32 v5, v4;
	v5 =	vmul.f32 v6, v6  }
0x137: {  	v6 =	vld [tilespmem:s30+$0x2040]  }
0x138: {  	v4 =	vadd.f32 v5, v4;
	v5 =	vmul.f32 v8, v8  }
0x139: {  	v8 =	vld [tilespmem:s30+$0x20C0]  }
0x13a: {  	v4 =	vadd.f32 v5, v4;
	v5 =	vmul.f32 v7, v7  }
0x13b: {  	v7 =	vld [tilespmem:s30+$0x2050]  }
0x13c: {  	v4 =	vadd.f32 v5, v4;
	v5 =	vmul.f32 v6, v6  }
0x13d: {  	v6 =	vld [tilespmem:s30+$0x20D0]  }
0x13e: {  	v4 =	vadd.f32 v5, v4;
	v5 =	vmul.f32 v8, v8;
	_ =	sdelay $0x1  }
0x13f: {  	v8 =	vld [tilespmem:s30+$0x2060];
	v4 =	vadd.f32 v5, v4;
	v5 =	vmul.f32 v7, v7;
	_ =	sdelay $0x1  }
0x140: {  	v7 =	vld [tilespmem:s30+$0x20E0];
	v4 =	vadd.f32 v5, v4;
	v5 =	vmul.f32 v6, v6;
	_ =	sdelay $0x1  }
0x141: {  	v6 =	vadd.f32 v5, v4;
	v5 =	vld [tilespmem:s30+$0x2070]  }
0x142: {  	v8 =	vmul.f32 v8, v8  }
0x143: {  	v4 =	vld [tilespmem:s30+$0x20F0]  }
0x144: {  	s16 =	simm.s32 $0x100;
	s18 =	simm.s32 $0x800;
	v7 =	vmul.f32 v7, v7;
	v6 =	vadd.f32 v8, v6  }
.LBB2_5:
0x145: {  	p1 =	sne.s32 s18, $0x1FC00;
	v8 =	vld [tilespmem:s16+$0x2000]  }
0x146: {  	v6 =	vadd.f32 v7, v6;
	v5 =	vmul.f32 v5, v5  }
0x147: {  	v7 =	vld [tilespmem:s16+$0x2080]  }
0x148: {  	v5 =	vadd.f32 v5, v6;
	v4 =	vmul.f32 v4, v4  }
0x149: {  	v6 =	vld [tilespmem:s16+$0x2010]  }
0x14a: {  	v8 =	vmul.f32 v8, v8;
	v4 =	vadd.f32 v4, v5  }
0x14b: {  	v5 =	vld [tilespmem:s16+$0x2090]  }
0x14c: {  	v4 =	vadd.f32 v8, v4;
	v7 =	vmul.f32 v7, v7  }
0x14d: {  	v8 =	vld [tilespmem:s16+$0x2020]  }
0x14e: {  	v4 =	vadd.f32 v7, v4;
	v6 =	vmul.f32 v6, v6  }
0x14f: {  	v7 =	vld [tilespmem:s16+$0x20A0]  }
0x150: {  	v4 =	vadd.f32 v6, v4;
	v5 =	vmul.f32 v5, v5  }
0x151: {  	v6 =	vld [tilespmem:s16+$0x2030]  }
0x152: {  	v4 =	vadd.f32 v5, v4;
	v5 =	vmul.f32 v8, v8  }
0x153: {  	v8 =	vld [tilespmem:s16+$0x20B0]  }
0x154: {  	v4 =	vadd.f32 v5, v4;
	v5 =	vmul.f32 v7, v7  }
0x155: {  	v7 =	vld [tilespmem:s16+$0x2040]  }
0x156: {  	v4 =	vadd.f32 v5, v4;
	v5 =	vmul.f32 v6, v6  }
0x157: {  	v6 =	vld [tilespmem:s16+$0x20C0]  }
0x158: {  	v4 =	vadd.f32 v5, v4;
	v5 =	vmul.f32 v8, v8  }
0x159: {  	v8 =	vld [tilespmem:s16+$0x2050]  }
0x15a: {  	v4 =	vadd.f32 v5, v4;
	v5 =	vmul.f32 v7, v7  }
0x15b: {  	v7 =	vld [tilespmem:s16+$0x20D0]  }
0x15c: {  	v4 =	vadd.f32 v5, v4;
	v5 =	vmul.f32 v6, v6  }
0x15d: {  	v6 =	vld [tilespmem:s16+$0x2060]  }
0x15e: {  	v4 =	vadd.f32 v5, v4;
	v5 =	vmul.f32 v8, v8  }
0x15f: {  	v8 =	vld [tilespmem:s16+$0x20E0]  }
.Ltmp1:
0x160: {  	v4 =	vadd.f32 v5, v4;
	v7 =	vmul.f32 v7, v7;
	(pc) =	sbr.rel @p1 .LBB2_5-.Ltmp1, $4  }
0x161: {  	v5 =	vld [tilespmem:s16+$0x2070]  }
0x162: {  	v7 =	vadd.f32 v7, v4;
	v6 =	vmul.f32 v6, v6  }
0x163: {  	v4 =	vld [tilespmem:s16+$0x20F0]  }
0x164: {  	s16 =	sshra.s32 s18, $0x2;
	s18 =	sadd.s32 $0x400, s18;
	v6 =	vadd.f32 v6, v7;
	v7 =	vmul.f32 v8, v8  }
0x165: {  	v8 =	vld [tilespmem:s16+$0x2000]  }
0x166: {  	v6 =	vadd.f32 v7, v6;
	v5 =	vmul.f32 v5, v5  }
0x167: {  	v7 =	vld [tilespmem:s16+$0x2080]  }
0x168: {  	v5 =	vadd.f32 v5, v6;
	v4 =	vmul.f32 v4, v4  }
0x169: {  	v6 =	vld [tilespmem:s16+$0x2010]  }
0x16a: {  	v8 =	vmul.f32 v8, v8;
	v4 =	vadd.f32 v4, v5  }
0x16b: {  	v5 =	vld [tilespmem:s16+$0x2090]  }
0x16c: {  	v7 =	vmul.f32 v7, v7;
	v4 =	vadd.f32 v8, v4  }
0x16d: {  	v8 =	vld [tilespmem:s16+$0x2020]  }
0x16e: {  	v6 =	vmul.f32 v6, v6;
	v4 =	vadd.f32 v7, v4  }
0x16f: {  	v7 =	vld [tilespmem:s16+$0x20A0]  }
0x170: {  	v5 =	vmul.f32 v5, v5;
	v4 =	vadd.f32 v6, v4  }
0x171: {  	v6 =	vld [tilespmem:s16+$0x2030]  }
0x172: {  	v4 =	vadd.f32 v5, v4;
	v5 =	vmul.f32 v8, v8  }
0x173: {  	v8 =	vld [tilespmem:s16+$0x20B0]  }
0x174: {  	v4 =	vadd.f32 v5, v4;
	v5 =	vmul.f32 v7, v7  }
0x175: {  	v7 =	vld [tilespmem:s16+$0x2040]  }
0x176: {  	v4 =	vadd.f32 v5, v4;
	v5 =	vmul.f32 v6, v6  }
0x177: {  	v6 =	vld [tilespmem:s16+$0x20C0]  }
0x178: {  	v4 =	vadd.f32 v5, v4;
	v5 =	vmul.f32 v8, v8  }
0x179: {  	v8 =	vld [tilespmem:s16+$0x2050]  }
0x17a: {  	v4 =	vadd.f32 v5, v4;
	v5 =	vmul.f32 v7, v7  }
0x17b: {  	v7 =	vld [tilespmem:s16+$0x20D0]  }
0x17c: {  	v4 =	vadd.f32 v5, v4;
	v5 =	vmul.f32 v6, v6  }
0x17d: {  	v6 =	vld [tilespmem:s16+$0x2060]  }
0x17e: {  	v4 =	vadd.f32 v5, v4;
	v5 =	vmul.f32 v8, v8  }
0x17f: {  	v8 =	vld [tilespmem:s16+$0x20E0]  }
0x180: {  	v4 =	vadd.f32 v5, v4;
	v5 =	vmul.f32 v7, v7  }
0x181: {  	v7 =	vld [tilespmem:s16+$0x2070]  }
0x182: {  	v4 =	vadd.f32 v5, v4;
	v5 =	vmul.f32 v6, v6  }
0x183: {  	v6 =	vld [tilespmem:s16+$0x20F0]  }
0x184: {  	v4 =	vadd.f32 v5, v4;
	v5 =	vmul.f32 v8, v8;
	_ =	sdelay $0x1  }
0x185: {  	v4 =	vadd.f32 v5, v4;
	v5 =	vmul.f32 v7, v7  }
0x186: {  	v7 =	vld [tilespmem:$0x1E700]  }
0x187: {  	v4 =	vadd.f32 v5, v4;
	v5 =	vmul.f32 v6, v6;
	_ =	sdelay $0x1  }
0x188: {  	v4 =	vadd.f32 v5, v4;
	_ =	sdelay $0x1  }
0x189: {  	v4 =	vadd.f32 v7, v4;
	_ =	sdelay $0x1  }
0x18a: {  	s20 =	smul.u32 $0x3, s12;
	[tilespmem:$0x1E700] =	vst v4  }
0x18b: {  	_ =	swait.ge [sflag:s22], $0x4000  }
0x18c: {  	p1 =	seq.s32 s12, $0xC;
	s16 =	sadd.s32 s6, s20;
	[sflag:s22] =	ssyncset.done $0x0  }
0x18d: {  	s18 =	sshll.u32 @!p1 s16, $0x8;
	[sflag:s22] =	ssyncadd.s32 $0xFFFFC000  }
0x18e: {  	s30 =	simm.s32 @!p1 $0x0;
	s20 =	sadd.s32 @!p1 $0x300, s18;
	_ =	swait.ge [sflag:s22], $0x4000  }
0x18f: {  	s21 =	simm.s32 @!p1 $0x2000;
	s25 =	sshll.u32 @!p1 s20, $0x4;
	[sflag:s22] =	ssyncset.done $0x0  }
0x190: {  	s20 =	sshrl.u32 @!p1 s20, $0x3;
	s25 =	sadd.s32 @!p1 s1, s25;
	[sflag:s22] =	ssyncadd.s32 $0xFFFFC000  }
0x191: {  	[tilespmem:s21], [sflag:$0x1] =	stream.linear.gather @!p1 [hbm4b:s25+s30], $0x8000, $0x38;
	[tilespmem:$0x1EB80] =	vst v63  }
0x192: {  	s20 =	sadd.s32 @!p1 s2, s20;
	s21 =	simm.s32 @!p1 $0x1A000  }
0x193: {  	[tilespmem:s21], [sflag:$0x4] =	stream.linear.gather @!p1 [hbm4b:s20+s30], $0x80, $0x38;
	[tilespmem:$0x1EB80] =	vst v63  }
0x194: {  	s20 =	sshrl.u32 @!p1 s18, $0x3  }
0x195: {  	s25 =	sadd.s32 @!p1 s2, s20  }
0x196: {  	s21 =	simm.s32 @!p1 $0x1A080;
	s20 =	sadd.s32 @!p1 $0x70, s25  }
0x197: {  	[tilespmem:s21], [sflag:$0x4] =	stream.linear.gather @!p1 [hbm4b:s20+s30], $0x80, $0x38;
	[tilespmem:$0x1EB80] =	vst v63  }
0x198: {  	_ =	swait.ge [sflag:s23], $0x8000  }
0x199: {  	[sflag:s23] =	ssyncset.done $0x0  }
0x19a: {  	[sflag:s23] =	ssyncadd.s32 $0xFFFF8000  }
0x19b: {  	_ =	swait.ge [sflag:s24], $0x80  }
0x19c: {  	[sflag:s24] =	ssyncset.done $0x0  }
0x19d: {  	[sflag:s24] =	ssyncadd.s32 $0xFFFFFF80  }
0x19e: {  	_ =	swait.ge [sflag:s24], $0x80  }
0x19f: {  	[sflag:s24] =	ssyncset.done $0x0  }
0x1a0: {  	s21 =	simm.s32 $0xA000;
	[sflag:s24] =	ssyncadd.s32 $0xFFFFFF80  }
0x1a1: {  	[spmem:s4] =	stream.indirect.scatter.add.f32 [tilespmem:s21], [sflag:$0x8], $0x80, s0, s17, $0xb8;
	[tilespmem:$0x1EB80] =	vst v63  }
0x1a2: {  	s21 =	simm.s32 $0xE000  }
0x1a3: {  	[spmem:s4] =	stream.indirect.scatter.add.f32 [tilespmem:s21], [sflag:$0x8], $0x80, s8, s17, $0xb8;
	[tilespmem:$0x1EB80] =	vst v63  }
0x1a4: {  	v4 =	vld [tilespmem:$0x1A100];
	_ =	sdelay $0x4  }
0x1a5: {  	v5 =	vshll.u32 v4, $0x3  }
0x1a6: {  	v4 =	vand.u32 $0x7F, v4;
	v5 =	vand.u32 $0xFFFFFC00, v5  }
0x1a7: {  	v4 =	vor.u32 v4, v5  }
0x1a8: {  	v4 =	vadd.s32 v2, v4;
	_ =	sdelay $0x4  }
0x1a9: {  	[tilespmem:v4+s19+$0x0] =	vst.idx.add.s32.msk $0xffff, v3  }
0x1aa: {  	v4 =	vld [tilespmem:$0x1A110];
	_ =	sdelay $0x4  }
0x1ab: {  	v5 =	vshll.u32 v4, $0x3  }
0x1ac: {  	v4 =	vand.u32 $0x7F, v4;
	v5 =	vand.u32 $0xFFFFFC00, v5  }
0x1ad: {  	v4 =	vor.u32 v4, v5  }
0x1ae: {  	v4 =	vadd.s32 v2, v4;
	_ =	sdelay $0x4  }
0x1af: {  	[tilespmem:v4+s19+$0x0] =	vst.idx.add.s32.msk $0xffff, v3  }
0x1b0: {  	v4 =	vld [tilespmem:$0x1A120];
	_ =	sdelay $0x4  }
0x1b1: {  	v5 =	vshll.u32 v4, $0x3  }
0x1b2: {  	v4 =	vand.u32 $0x7F, v4;
	v5 =	vand.u32 $0xFFFFFC00, v5  }
0x1b3: {  	v4 =	vor.u32 v4, v5  }
0x1b4: {  	v4 =	vadd.s32 v2, v4;
	_ =	sdelay $0x4  }
0x1b5: {  	[tilespmem:v4+s19+$0x0] =	vst.idx.add.s32.msk $0xffff, v3  }
0x1b6: {  	v4 =	vld [tilespmem:$0x1A130];
	_ =	sdelay $0x4  }
0x1b7: {  	v5 =	vshll.u32 v4, $0x3  }
0x1b8: {  	v4 =	vand.u32 $0x7F, v4;
	v5 =	vand.u32 $0xFFFFFC00, v5  }
0x1b9: {  	v4 =	vor.u32 v4, v5  }
0x1ba: {  	v4 =	vadd.s32 v2, v4;
	_ =	sdelay $0x4  }
0x1bb: {  	[tilespmem:v4+s19+$0x0] =	vst.idx.add.s32.msk $0xffff, v3  }
0x1bc: {  	v4 =	vld [tilespmem:$0x1A140];
	_ =	sdelay $0x4  }
0x1bd: {  	v5 =	vshll.u32 v4, $0x3  }
0x1be: {  	v4 =	vand.u32 $0x7F, v4;
	v5 =	vand.u32 $0xFFFFFC00, v5  }
0x1bf: {  	v4 =	vor.u32 v4, v5  }
0x1c0: {  	v4 =	vadd.s32 v2, v4;
	_ =	sdelay $0x4  }
0x1c1: {  	[tilespmem:v4+s19+$0x0] =	vst.idx.add.s32.msk $0xffff, v3  }
0x1c2: {  	v4 =	vld [tilespmem:$0x1A150];
	_ =	sdelay $0x4  }
0x1c3: {  	v5 =	vshll.u32 v4, $0x3  }
0x1c4: {  	v4 =	vand.u32 $0x7F, v4;
	v5 =	vand.u32 $0xFFFFFC00, v5  }
0x1c5: {  	v4 =	vor.u32 v4, v5  }
0x1c6: {  	v4 =	vadd.s32 v2, v4;
	_ =	sdelay $0x4  }
0x1c7: {  	[tilespmem:v4+s19+$0x0] =	vst.idx.add.s32.msk $0xffff, v3  }
0x1c8: {  	v4 =	vld [tilespmem:$0x1A160];
	_ =	sdelay $0x4  }
0x1c9: {  	v5 =	vshll.u32 v4, $0x3  }
0x1ca: {  	v4 =	vand.u32 $0x7F, v4;
	v5 =	vand.u32 $0xFFFFFC00, v5  }
0x1cb: {  	v4 =	vor.u32 v4, v5  }
0x1cc: {  	v4 =	vadd.s32 v2, v4;
	_ =	sdelay $0x4  }
0x1cd: {  	[tilespmem:v4+s19+$0x0] =	vst.idx.add.s32.msk $0xffff, v3  }
0x1ce: {  	v4 =	vld [tilespmem:$0x1A170];
	_ =	sdelay $0x4  }
0x1cf: {  	v5 =	vshll.u32 v4, $0x3  }
0x1d0: {  	v4 =	vand.u32 $0x7F, v4;
	v5 =	vand.u32 $0xFFFFFC00, v5  }
0x1d1: {  	v4 =	vor.u32 v4, v5  }
0x1d2: {  	v4 =	vadd.s32 v2, v4;
	_ =	sdelay $0x4  }
0x1d3: {  	[tilespmem:v4+s19+$0x0] =	vst.idx.add.s32.msk $0xffff, v3  }
0x1d4: {  	v4 =	vld [tilespmem:$0x1A180];
	_ =	sdelay $0x4  }
0x1d5: {  	v5 =	vshll.u32 v4, $0x3  }
0x1d6: {  	v4 =	vand.u32 $0x7F, v4;
	v5 =	vand.u32 $0xFFFFFC00, v5  }
0x1d7: {  	v4 =	vor.u32 v4, v5  }
0x1d8: {  	v4 =	vadd.s32 v2, v4;
	_ =	sdelay $0x4  }
0x1d9: {  	[tilespmem:v4+s19+$0x0] =	vst.idx.add.s32.msk $0xffff, v3  }
0x1da: {  	v4 =	vld [tilespmem:$0x1A190];
	_ =	sdelay $0x4  }
0x1db: {  	v5 =	vshll.u32 v4, $0x3  }
0x1dc: {  	v4 =	vand.u32 $0x7F, v4;
	v5 =	vand.u32 $0xFFFFFC00, v5  }
0x1dd: {  	v4 =	vor.u32 v4, v5  }
0x1de: {  	v4 =	vadd.s32 v2, v4;
	_ =	sdelay $0x4  }
0x1df: {  	[tilespmem:v4+s19+$0x0] =	vst.idx.add.s32.msk $0xffff, v3  }
0x1e0: {  	v4 =	vld [tilespmem:$0x1A1A0];
	_ =	sdelay $0x4  }
0x1e1: {  	v5 =	vshll.u32 v4, $0x3  }
0x1e2: {  	v4 =	vand.u32 $0x7F, v4;
	v5 =	vand.u32 $0xFFFFFC00, v5  }
0x1e3: {  	v4 =	vor.u32 v4, v5  }
0x1e4: {  	v4 =	vadd.s32 v2, v4;
	_ =	sdelay $0x4  }
0x1e5: {  	[tilespmem:v4+s19+$0x0] =	vst.idx.add.s32.msk $0xffff, v3  }
0x1e6: {  	v4 =	vld [tilespmem:$0x1A1B0];
	_ =	sdelay $0x4  }
0x1e7: {  	v5 =	vshll.u32 v4, $0x3  }
0x1e8: {  	v4 =	vand.u32 $0x7F, v4;
	v5 =	vand.u32 $0xFFFFFC00, v5  }
0x1e9: {  	v4 =	vor.u32 v4, v5  }
0x1ea: {  	v4 =	vadd.s32 v2, v4;
	_ =	sdelay $0x4  }
0x1eb: {  	[tilespmem:v4+s19+$0x0] =	vst.idx.add.s32.msk $0xffff, v3  }
0x1ec: {  	v4 =	vld [tilespmem:$0x1A1C0];
	_ =	sdelay $0x4  }
0x1ed: {  	v5 =	vshll.u32 v4, $0x3  }
0x1ee: {  	v4 =	vand.u32 $0x7F, v4;
	v5 =	vand.u32 $0xFFFFFC00, v5  }
0x1ef: {  	v4 =	vor.u32 v4, v5  }
0x1f0: {  	v4 =	vadd.s32 v2, v4;
	_ =	sdelay $0x4  }
0x1f1: {  	[tilespmem:v4+s19+$0x0] =	vst.idx.add.s32.msk $0xffff, v3  }
0x1f2: {  	v4 =	vld [tilespmem:$0x1A1D0];
	_ =	sdelay $0x4  }
0x1f3: {  	v5 =	vshll.u32 v4, $0x3  }
0x1f4: {  	v4 =	vand.u32 $0x7F, v4;
	v5 =	vand.u32 $0xFFFFFC00, v5  }
0x1f5: {  	v4 =	vor.u32 v4, v5  }
0x1f6: {  	v4 =	vadd.s32 v2, v4;
	_ =	sdelay $0x4  }
0x1f7: {  	[tilespmem:v4+s19+$0x0] =	vst.idx.add.s32.msk $0xffff, v3  }
0x1f8: {  	v4 =	vld [tilespmem:$0x1A1E0];
	_ =	sdelay $0x4  }
0x1f9: {  	v5 =	vshll.u32 v4, $0x3  }
0x1fa: {  	v4 =	vand.u32 $0x7F, v4;
	v5 =	vand.u32 $0xFFFFFC00, v5  }
0x1fb: {  	v4 =	vor.u32 v4, v5  }
0x1fc: {  	v4 =	vadd.s32 v2, v4;
	_ =	sdelay $0x4  }
0x1fd: {  	[tilespmem:v4+s19+$0x0] =	vst.idx.add.s32.msk $0xffff, v3  }
0x1fe: {  	v4 =	vld [tilespmem:$0x1A1F0];
	_ =	sdelay $0x4  }
0x1ff: {  	v5 =	vshll.u32 v4, $0x3  }
0x200: {  	v4 =	vand.u32 $0x7F, v4;
	v5 =	vand.u32 $0xFFFFFC00, v5  }
0x201: {  	v4 =	vor.u32 v4, v5  }
0x202: {  	v4 =	vadd.s32 v2, v4;
	_ =	sdelay $0x4  }
0x203: {  	s21 =	simm.s32 $0x0;
	[tilespmem:v4+s19+$0x0] =	vst.idx.add.s32.msk $0xffff, v3  }
0x204: {  	v4 =	vld [tilespmem:s21+$0xA000];
	_ =	sdelay $0x1  }
0x205: {  	v5 =	vld [tilespmem:s21+$0xA080];
	_ =	sdelay $0x1  }
0x206: {  	v6 =	vld [tilespmem:s21+$0xA010]  }
0x207: {  	v4 =	vmul.f32 v4, v4  }
0x208: {  	v7 =	vimm.f32 $0.0e+00;
	v8 =	vld [tilespmem:s21+$0xA090]  }
0x209: {  	v5 =	vmul.f32 v5, v5;
	v4 =	vadd.f32 v4, v7  }
0x20a: {  	v7 =	vld [tilespmem:s21+$0xA020]  }
0x20b: {  	v4 =	vadd.f32 v5, v4;
	v5 =	vmul.f32 v6, v6  }
0x20c: {  	v6 =	vld [tilespmem:s21+$0xA0A0]  }
0x20d: {  	v4 =	vadd.f32 v5, v4;
	v5 =	vmul.f32 v8, v8  }
0x20e: {  	v8 =	vld [tilespmem:s21+$0xA030]  }
0x20f: {  	v4 =	vadd.f32 v5, v4;
	v5 =	vmul.f32 v7, v7  }
0x210: {  	v7 =	vld [tilespmem:s21+$0xA0B0]  }
0x211: {  	v4 =	vadd.f32 v5, v4;
	v5 =	vmul.f32 v6, v6  }
0x212: {  	v6 =	vld [tilespmem:s21+$0xA040]  }
0x213: {  	v4 =	vadd.f32 v5, v4;
	v5 =	vmul.f32 v8, v8  }
0x214: {  	v8 =	vld [tilespmem:s21+$0xA0C0]  }
0x215: {  	v4 =	vadd.f32 v5, v4;
	v5 =	vmul.f32 v7, v7  }
0x216: {  	v7 =	vld [tilespmem:s21+$0xA050]  }
0x217: {  	v4 =	vadd.f32 v5, v4;
	v5 =	vmul.f32 v6, v6  }
0x218: {  	v6 =	vld [tilespmem:s21+$0xA0D0]  }
0x219: {  	v4 =	vadd.f32 v5, v4;
	v5 =	vmul.f32 v8, v8;
	_ =	sdelay $0x1  }
0x21a: {  	v8 =	vld [tilespmem:s21+$0xA060];
	v4 =	vadd.f32 v5, v4;
	v5 =	vmul.f32 v7, v7;
	_ =	sdelay $0x1  }
0x21b: {  	v7 =	vld [tilespmem:s21+$0xA0E0];
	v4 =	vadd.f32 v5, v4;
	v5 =	vmul.f32 v6, v6;
	_ =	sdelay $0x1  }
0x21c: {  	v6 =	vadd.f32 v5, v4;
	v5 =	vld [tilespmem:s21+$0xA070]  }
0x21d: {  	v8 =	vmul.f32 v8, v8  }
0x21e: {  	v4 =	vld [tilespmem:s21+$0xA0F0]  }
0x21f: {  	s30 =	simm.s32 $0x100;
	s20 =	simm.s32 $0x800;
	v7 =	vmul.f32 v7, v7;
	v6 =	vadd.f32 v8, v6  }
.LBB2_7:
0x220: {  	p2 =	sne.s32 s20, $0x1FC00;
	v8 =	vld [tilespmem:s30+$0xA000]  }
0x221: {  	v6 =	vadd.f32 v7, v6;
	v5 =	vmul.f32 v5, v5  }
0x222: {  	v7 =	vld [tilespmem:s30+$0xA080]  }
0x223: {  	v5 =	vadd.f32 v5, v6;
	v4 =	vmul.f32 v4, v4  }
0x224: {  	v6 =	vld [tilespmem:s30+$0xA010]  }
0x225: {  	v8 =	vmul.f32 v8, v8;
	v4 =	vadd.f32 v4, v5  }
0x226: {  	v5 =	vld [tilespmem:s30+$0xA090]  }
0x227: {  	v4 =	vadd.f32 v8, v4;
	v7 =	vmul.f32 v7, v7  }
0x228: {  	v8 =	vld [tilespmem:s30+$0xA020]  }
0x229: {  	v4 =	vadd.f32 v7, v4;
	v6 =	vmul.f32 v6, v6  }
0x22a: {  	v7 =	vld [tilespmem:s30+$0xA0A0]  }
0x22b: {  	v4 =	vadd.f32 v6, v4;
	v5 =	vmul.f32 v5, v5  }
0x22c: {  	v6 =	vld [tilespmem:s30+$0xA030]  }
0x22d: {  	v4 =	vadd.f32 v5, v4;
	v5 =	vmul.f32 v8, v8  }
0x22e: {  	v8 =	vld [tilespmem:s30+$0xA0B0]  }
0x22f: {  	v4 =	vadd.f32 v5, v4;
	v5 =	vmul.f32 v7, v7  }
0x230: {  	v7 =	vld [tilespmem:s30+$0xA040]  }
0x231: {  	v4 =	vadd.f32 v5, v4;
	v5 =	vmul.f32 v6, v6  }
0x232: {  	v6 =	vld [tilespmem:s30+$0xA0C0]  }
0x233: {  	v4 =	vadd.f32 v5, v4;
	v5 =	vmul.f32 v8, v8  }
0x234: {  	v8 =	vld [tilespmem:s30+$0xA050]  }
0x235: {  	v4 =	vadd.f32 v5, v4;
	v5 =	vmul.f32 v7, v7  }
0x236: {  	v7 =	vld [tilespmem:s30+$0xA0D0]  }
0x237: {  	v4 =	vadd.f32 v5, v4;
	v5 =	vmul.f32 v6, v6  }
0x238: {  	v6 =	vld [tilespmem:s30+$0xA060]  }
0x239: {  	v4 =	vadd.f32 v5, v4;
	v5 =	vmul.f32 v8, v8  }
0x23a: {  	v8 =	vld [tilespmem:s30+$0xA0E0]  }
.Ltmp2:
0x23b: {  	v4 =	vadd.f32 v5, v4;
	v7 =	vmul.f32 v7, v7;
	(pc) =	sbr.rel @p2 .LBB2_7-.Ltmp2, $4  }
0x23c: {  	v5 =	vld [tilespmem:s30+$0xA070]  }
0x23d: {  	v7 =	vadd.f32 v7, v4;
	v6 =	vmul.f32 v6, v6  }
0x23e: {  	v4 =	vld [tilespmem:s30+$0xA0F0]  }
0x23f: {  	s30 =	sshra.s32 s20, $0x2;
	s20 =	sadd.s32 $0x400, s20;
	v6 =	vadd.f32 v6, v7;
	v7 =	vmul.f32 v8, v8  }
0x240: {  	v8 =	vld [tilespmem:s30+$0xA000]  }
0x241: {  	v6 =	vadd.f32 v7, v6;
	v5 =	vmul.f32 v5, v5  }
0x242: {  	v7 =	vld [tilespmem:s30+$0xA080]  }
0x243: {  	v5 =	vadd.f32 v5, v6;
	v4 =	vmul.f32 v4, v4  }
0x244: {  	v6 =	vld [tilespmem:s30+$0xA010]  }
0x245: {  	v8 =	vmul.f32 v8, v8;
	v4 =	vadd.f32 v4, v5  }
0x246: {  	v5 =	vld [tilespmem:s30+$0xA090]  }
0x247: {  	v7 =	vmul.f32 v7, v7;
	v4 =	vadd.f32 v8, v4  }
0x248: {  	v8 =	vld [tilespmem:s30+$0xA020]  }
0x249: {  	v6 =	vmul.f32 v6, v6;
	v4 =	vadd.f32 v7, v4  }
0x24a: {  	v7 =	vld [tilespmem:s30+$0xA0A0]  }
0x24b: {  	v5 =	vmul.f32 v5, v5;
	v4 =	vadd.f32 v6, v4  }
0x24c: {  	v6 =	vld [tilespmem:s30+$0xA030]  }
0x24d: {  	v4 =	vadd.f32 v5, v4;
	v5 =	vmul.f32 v8, v8  }
0x24e: {  	v8 =	vld [tilespmem:s30+$0xA0B0]  }
0x24f: {  	v4 =	vadd.f32 v5, v4;
	v5 =	vmul.f32 v7, v7  }
0x250: {  	v7 =	vld [tilespmem:s30+$0xA040]  }
0x251: {  	v4 =	vadd.f32 v5, v4;
	v5 =	vmul.f32 v6, v6  }
0x252: {  	v6 =	vld [tilespmem:s30+$0xA0C0]  }
0x253: {  	v4 =	vadd.f32 v5, v4;
	v5 =	vmul.f32 v8, v8  }
0x254: {  	v8 =	vld [tilespmem:s30+$0xA050]  }
0x255: {  	v4 =	vadd.f32 v5, v4;
	v5 =	vmul.f32 v7, v7  }
0x256: {  	v7 =	vld [tilespmem:s30+$0xA0D0]  }
0x257: {  	v4 =	vadd.f32 v5, v4;
	v5 =	vmul.f32 v6, v6  }
0x258: {  	v6 =	vld [tilespmem:s30+$0xA060]  }
0x259: {  	v4 =	vadd.f32 v5, v4;
	v5 =	vmul.f32 v8, v8  }
0x25a: {  	v8 =	vld [tilespmem:s30+$0xA0E0]  }
0x25b: {  	v4 =	vadd.f32 v5, v4;
	v5 =	vmul.f32 v7, v7  }
0x25c: {  	v7 =	vld [tilespmem:s30+$0xA070]  }
0x25d: {  	v4 =	vadd.f32 v5, v4;
	v5 =	vmul.f32 v6, v6  }
0x25e: {  	v6 =	vld [tilespmem:s30+$0xA0F0]  }
0x25f: {  	v4 =	vadd.f32 v5, v4;
	v5 =	vmul.f32 v8, v8;
	_ =	sdelay $0x1  }
0x260: {  	v4 =	vadd.f32 v5, v4;
	v5 =	vmul.f32 v7, v7  }
0x261: {  	v7 =	vld [tilespmem:$0x1E700]  }
0x262: {  	v4 =	vadd.f32 v5, v4;
	v5 =	vmul.f32 v6, v6;
	_ =	sdelay $0x1  }
0x263: {  	v4 =	vadd.f32 v5, v4;
	_ =	sdelay $0x1  }
0x264: {  	v4 =	vadd.f32 v7, v4;
	_ =	sdelay $0x1  }
0x265: {  	[tilespmem:$0x1E700] =	vst v4  }
0x266: {  	_ =	swait.ge [sflag:s26], $0x4000  }
0x267: {  	[sflag:s26] =	ssyncset.done $0x0  }
0x268: {  	[sflag:s26] =	ssyncadd.s32 $0xFFFFC000  }
0x269: {  	s18 =	sadd.s32 @!p1 $0x400, s18;
	s21 =	simm.s32 @!p1 $0x0;
	_ =	swait.ge [sflag:s26], $0x4000  }
0x26a: {  	s20 =	sshll.u32 @!p1 s18, $0x4;
	s18 =	sshrl.u32 @!p1 s18, $0x3;
	[sflag:s26] =	ssyncset.done $0x0  }
0x26b: {  	s20 =	sadd.s32 @!p1 s1, s20;
	s30 =	simm.s32 @!p1 $0xA000;
	[sflag:s26] =	ssyncadd.s32 $0xFFFFC000  }
0x26c: {  	[tilespmem:s30], [sflag:$0x2] =	stream.linear.gather @!p1 [hbm4b:s20+s21], $0x8000, $0x38;
	[tilespmem:$0x1EB80] =	vst v63  }
0x26d: {  	s18 =	sadd.s32 @!p1 s2, s18;
	s20 =	simm.s32 @!p1 $0x1A100  }
0x26e: {  	[tilespmem:s20], [sflag:$0x5] =	stream.linear.gather @!p1 [hbm4b:s18+s21], $0x80, $0x38;
	[tilespmem:$0x1EB80] =	vst v63  }
0x26f: {  	s18 =	sadd.s32 @!p1 $0x90, s25;
	s20 =	simm.s32 @!p1 $0x1A180  }
0x270: {  	[tilespmem:s20], [sflag:$0x5] =	stream.linear.gather @!p1 [hbm4b:s18+s21], $0x80, $0x38;
	[tilespmem:$0x1EB80] =	vst v63  }
0x271: {  	_ =	swait.ge [sflag:s28], $0x8000  }
0x272: {  	[sflag:s28] =	ssyncset.done $0x0  }
0x273: {  	[sflag:s28] =	ssyncadd.s32 $0xFFFF8000  }
0x274: {  	_ =	swait.ge [sflag:s29], $0x80  }
0x275: {  	[sflag:s29] =	ssyncset.done $0x0  }
0x276: {  	[sflag:s29] =	ssyncadd.s32 $0xFFFFFF80  }
0x277: {  	_ =	swait.ge [sflag:s29], $0x80  }
0x278: {  	[sflag:s29] =	ssyncset.done $0x0  }
0x279: {  	[sflag:s29] =	ssyncadd.s32 $0xFFFFFF80  }
0x27a: {  	[spmem:s4] =	stream.indirect.scatter.add.f32 [tilespmem:s9], [sflag:$0x9], $0x80, s10, s17, $0xb8;
	[tilespmem:$0x1EB80] =	vst v63  }
0x27b: {  	s25 =	simm.s32 $0x16000  }
0x27c: {  	[spmem:s4] =	stream.indirect.scatter.add.f32 [tilespmem:s25], [sflag:$0x9], $0x80, s11, s17, $0xb8;
	[tilespmem:$0x1EB80] =	vst v63  }
0x27d: {  	v4 =	vld [tilespmem:$0x1A200];
	_ =	sdelay $0x4  }
0x27e: {  	v5 =	vshll.u32 v4, $0x3  }
0x27f: {  	v4 =	vand.u32 $0x7F, v4;
	v5 =	vand.u32 $0xFFFFFC00, v5  }
0x280: {  	v4 =	vor.u32 v4, v5  }
0x281: {  	v4 =	vadd.s32 v2, v4;
	_ =	sdelay $0x4  }
0x282: {  	[tilespmem:v4+s19+$0x0] =	vst.idx.add.s32.msk $0xffff, v3  }
0x283: {  	v4 =	vld [tilespmem:$0x1A210];
	_ =	sdelay $0x4  }
0x284: {  	v5 =	vshll.u32 v4, $0x3  }
0x285: {  	v4 =	vand.u32 $0x7F, v4;
	v5 =	vand.u32 $0xFFFFFC00, v5  }
0x286: {  	v4 =	vor.u32 v4, v5  }
0x287: {  	v4 =	vadd.s32 v2, v4;
	_ =	sdelay $0x4  }
0x288: {  	[tilespmem:v4+s19+$0x0] =	vst.idx.add.s32.msk $0xffff, v3  }
0x289: {  	v4 =	vld [tilespmem:$0x1A220];
	_ =	sdelay $0x4  }
0x28a: {  	v5 =	vshll.u32 v4, $0x3  }
0x28b: {  	v4 =	vand.u32 $0x7F, v4;
	v5 =	vand.u32 $0xFFFFFC00, v5  }
0x28c: {  	v4 =	vor.u32 v4, v5  }
0x28d: {  	v4 =	vadd.s32 v2, v4;
	_ =	sdelay $0x4  }
0x28e: {  	[tilespmem:v4+s19+$0x0] =	vst.idx.add.s32.msk $0xffff, v3  }
0x28f: {  	v4 =	vld [tilespmem:$0x1A230];
	_ =	sdelay $0x4  }
0x290: {  	v5 =	vshll.u32 v4, $0x3  }
0x291: {  	v4 =	vand.u32 $0x7F, v4;
	v5 =	vand.u32 $0xFFFFFC00, v5  }
0x292: {  	v4 =	vor.u32 v4, v5  }
0x293: {  	v4 =	vadd.s32 v2, v4;
	_ =	sdelay $0x4  }
0x294: {  	[tilespmem:v4+s19+$0x0] =	vst.idx.add.s32.msk $0xffff, v3  }
0x295: {  	v4 =	vld [tilespmem:$0x1A240];
	_ =	sdelay $0x4  }
0x296: {  	v5 =	vshll.u32 v4, $0x3  }
0x297: {  	v4 =	vand.u32 $0x7F, v4;
	v5 =	vand.u32 $0xFFFFFC00, v5  }
0x298: {  	v4 =	vor.u32 v4, v5  }
0x299: {  	v4 =	vadd.s32 v2, v4;
	_ =	sdelay $0x4  }
0x29a: {  	[tilespmem:v4+s19+$0x0] =	vst.idx.add.s32.msk $0xffff, v3  }
0x29b: {  	v4 =	vld [tilespmem:$0x1A250];
	_ =	sdelay $0x4  }
0x29c: {  	v5 =	vshll.u32 v4, $0x3  }
0x29d: {  	v4 =	vand.u32 $0x7F, v4;
	v5 =	vand.u32 $0xFFFFFC00, v5  }
0x29e: {  	v4 =	vor.u32 v4, v5  }
0x29f: {  	v4 =	vadd.s32 v2, v4;
	_ =	sdelay $0x4  }
0x2a0: {  	[tilespmem:v4+s19+$0x0] =	vst.idx.add.s32.msk $0xffff, v3  }
0x2a1: {  	v4 =	vld [tilespmem:$0x1A260];
	_ =	sdelay $0x4  }
0x2a2: {  	v5 =	vshll.u32 v4, $0x3  }
0x2a3: {  	v4 =	vand.u32 $0x7F, v4;
	v5 =	vand.u32 $0xFFFFFC00, v5  }
0x2a4: {  	v4 =	vor.u32 v4, v5  }
0x2a5: {  	v4 =	vadd.s32 v2, v4;
	_ =	sdelay $0x4  }
0x2a6: {  	[tilespmem:v4+s19+$0x0] =	vst.idx.add.s32.msk $0xffff, v3  }
0x2a7: {  	v4 =	vld [tilespmem:$0x1A270];
	_ =	sdelay $0x4  }
0x2a8: {  	v5 =	vshll.u32 v4, $0x3  }
0x2a9: {  	v4 =	vand.u32 $0x7F, v4;
	v5 =	vand.u32 $0xFFFFFC00, v5  }
0x2aa: {  	v4 =	vor.u32 v4, v5  }
0x2ab: {  	v4 =	vadd.s32 v2, v4;
	_ =	sdelay $0x4  }
0x2ac: {  	[tilespmem:v4+s19+$0x0] =	vst.idx.add.s32.msk $0xffff, v3  }
0x2ad: {  	v4 =	vld [tilespmem:$0x1A280];
	_ =	sdelay $0x4  }
0x2ae: {  	v5 =	vshll.u32 v4, $0x3  }
0x2af: {  	v4 =	vand.u32 $0x7F, v4;
	v5 =	vand.u32 $0xFFFFFC00, v5  }
0x2b0: {  	v4 =	vor.u32 v4, v5  }
0x2b1: {  	v4 =	vadd.s32 v2, v4;
	_ =	sdelay $0x4  }
0x2b2: {  	[tilespmem:v4+s19+$0x0] =	vst.idx.add.s32.msk $0xffff, v3  }
0x2b3: {  	v4 =	vld [tilespmem:$0x1A290];
	_ =	sdelay $0x4  }
0x2b4: {  	v5 =	vshll.u32 v4, $0x3  }
0x2b5: {  	v4 =	vand.u32 $0x7F, v4;
	v5 =	vand.u32 $0xFFFFFC00, v5  }
0x2b6: {  	v4 =	vor.u32 v4, v5  }
0x2b7: {  	v4 =	vadd.s32 v2, v4;
	_ =	sdelay $0x4  }
0x2b8: {  	[tilespmem:v4+s19+$0x0] =	vst.idx.add.s32.msk $0xffff, v3  }
0x2b9: {  	v4 =	vld [tilespmem:$0x1A2A0];
	_ =	sdelay $0x4  }
0x2ba: {  	v5 =	vshll.u32 v4, $0x3  }
0x2bb: {  	v4 =	vand.u32 $0x7F, v4;
	v5 =	vand.u32 $0xFFFFFC00, v5  }
0x2bc: {  	v4 =	vor.u32 v4, v5  }
0x2bd: {  	v4 =	vadd.s32 v2, v4;
	_ =	sdelay $0x4  }
0x2be: {  	[tilespmem:v4+s19+$0x0] =	vst.idx.add.s32.msk $0xffff, v3  }
0x2bf: {  	v4 =	vld [tilespmem:$0x1A2B0];
	_ =	sdelay $0x4  }
0x2c0: {  	v5 =	vshll.u32 v4, $0x3  }
0x2c1: {  	v4 =	vand.u32 $0x7F, v4;
	v5 =	vand.u32 $0xFFFFFC00, v5  }
0x2c2: {  	v4 =	vor.u32 v4, v5  }
0x2c3: {  	v4 =	vadd.s32 v2, v4;
	_ =	sdelay $0x4  }
0x2c4: {  	[tilespmem:v4+s19+$0x0] =	vst.idx.add.s32.msk $0xffff, v3  }
0x2c5: {  	v4 =	vld [tilespmem:$0x1A2C0];
	_ =	sdelay $0x4  }
0x2c6: {  	v5 =	vshll.u32 v4, $0x3  }
0x2c7: {  	v4 =	vand.u32 $0x7F, v4;
	v5 =	vand.u32 $0xFFFFFC00, v5  }
0x2c8: {  	v4 =	vor.u32 v4, v5  }
0x2c9: {  	v4 =	vadd.s32 v2, v4;
	_ =	sdelay $0x4  }
0x2ca: {  	[tilespmem:v4+s19+$0x0] =	vst.idx.add.s32.msk $0xffff, v3  }
0x2cb: {  	v4 =	vld [tilespmem:$0x1A2D0];
	_ =	sdelay $0x4  }
0x2cc: {  	v5 =	vshll.u32 v4, $0x3  }
0x2cd: {  	v4 =	vand.u32 $0x7F, v4;
	v5 =	vand.u32 $0xFFFFFC00, v5  }
0x2ce: {  	v4 =	vor.u32 v4, v5  }
0x2cf: {  	v4 =	vadd.s32 v2, v4;
	_ =	sdelay $0x4  }
0x2d0: {  	[tilespmem:v4+s19+$0x0] =	vst.idx.add.s32.msk $0xffff, v3  }
0x2d1: {  	v4 =	vld [tilespmem:$0x1A2E0];
	_ =	sdelay $0x4  }
0x2d2: {  	v5 =	vshll.u32 v4, $0x3  }
0x2d3: {  	v4 =	vand.u32 $0x7F, v4;
	v5 =	vand.u32 $0xFFFFFC00, v5  }
0x2d4: {  	v4 =	vor.u32 v4, v5  }
0x2d5: {  	v4 =	vadd.s32 v2, v4;
	_ =	sdelay $0x4  }
0x2d6: {  	[tilespmem:v4+s19+$0x0] =	vst.idx.add.s32.msk $0xffff, v3  }
0x2d7: {  	v4 =	vld [tilespmem:$0x1A2F0];
	_ =	sdelay $0x4  }
0x2d8: {  	v5 =	vshll.u32 v4, $0x3  }
0x2d9: {  	v4 =	vand.u32 $0x7F, v4;
	v5 =	vand.u32 $0xFFFFFC00, v5  }
0x2da: {  	v4 =	vor.u32 v4, v5  }
0x2db: {  	v4 =	vadd.s32 v2, v4;
	_ =	sdelay $0x4  }
0x2dc: {  	s30 =	simm.s32 $0x0;
	[tilespmem:v4+s19+$0x0] =	vst.idx.add.s32.msk $0xffff, v3  }
0x2dd: {  	v4 =	vld [tilespmem:s30+$0x12000];
	_ =	sdelay $0x1  }
0x2de: {  	v5 =	vld [tilespmem:s30+$0x12080];
	_ =	sdelay $0x1  }
0x2df: {  	v6 =	vld [tilespmem:s30+$0x12010]  }
0x2e0: {  	v4 =	vmul.f32 v4, v4  }
0x2e1: {  	v7 =	vimm.f32 $0.0e+00;
	v8 =	vld [tilespmem:s30+$0x12090]  }
0x2e2: {  	v5 =	vmul.f32 v5, v5;
	v4 =	vadd.f32 v4, v7  }
0x2e3: {  	v7 =	vld [tilespmem:s30+$0x12020]  }
0x2e4: {  	v4 =	vadd.f32 v5, v4;
	v5 =	vmul.f32 v6, v6  }
0x2e5: {  	v6 =	vld [tilespmem:s30+$0x120A0]  }
0x2e6: {  	v4 =	vadd.f32 v5, v4;
	v5 =	vmul.f32 v8, v8  }
0x2e7: {  	v8 =	vld [tilespmem:s30+$0x12030]  }
0x2e8: {  	v4 =	vadd.f32 v5, v4;
	v5 =	vmul.f32 v7, v7  }
0x2e9: {  	v7 =	vld [tilespmem:s30+$0x120B0]  }
0x2ea: {  	v4 =	vadd.f32 v5, v4;
	v5 =	vmul.f32 v6, v6  }
0x2eb: {  	v6 =	vld [tilespmem:s30+$0x12040]  }
0x2ec: {  	v4 =	vadd.f32 v5, v4;
	v5 =	vmul.f32 v8, v8  }
0x2ed: {  	v8 =	vld [tilespmem:s30+$0x120C0]  }
0x2ee: {  	v4 =	vadd.f32 v5, v4;
	v5 =	vmul.f32 v7, v7  }
0x2ef: {  	v7 =	vld [tilespmem:s30+$0x12050]  }
0x2f0: {  	v4 =	vadd.f32 v5, v4;
	v5 =	vmul.f32 v6, v6  }
0x2f1: {  	v6 =	vld [tilespmem:s30+$0x120D0]  }
0x2f2: {  	v4 =	vadd.f32 v5, v4;
	v5 =	vmul.f32 v8, v8;
	_ =	sdelay $0x1  }
0x2f3: {  	v8 =	vld [tilespmem:s30+$0x12060];
	v4 =	vadd.f32 v5, v4;
	v5 =	vmul.f32 v7, v7;
	_ =	sdelay $0x1  }
0x2f4: {  	v7 =	vld [tilespmem:s30+$0x120E0];
	v4 =	vadd.f32 v5, v4;
	v5 =	vmul.f32 v6, v6;
	_ =	sdelay $0x1  }
0x2f5: {  	v6 =	vadd.f32 v5, v4;
	v5 =	vld [tilespmem:s30+$0x12070]  }
0x2f6: {  	v8 =	vmul.f32 v8, v8  }
0x2f7: {  	v4 =	vld [tilespmem:s30+$0x120F0]  }
0x2f8: {  	s18 =	simm.s32 $0x100;
	s20 =	simm.s32 $0x800;
	v7 =	vmul.f32 v7, v7;
	v6 =	vadd.f32 v8, v6  }
.LBB2_9:
0x2f9: {  	p2 =	sne.s32 s20, $0x1FC00;
	v8 =	vld [tilespmem:s18+$0x12000]  }
0x2fa: {  	v6 =	vadd.f32 v7, v6;
	v5 =	vmul.f32 v5, v5  }
0x2fb: {  	v7 =	vld [tilespmem:s18+$0x12080]  }
0x2fc: {  	v5 =	vadd.f32 v5, v6;
	v4 =	vmul.f32 v4, v4  }
0x2fd: {  	v6 =	vld [tilespmem:s18+$0x12010]  }
0x2fe: {  	v8 =	vmul.f32 v8, v8;
	v4 =	vadd.f32 v4, v5  }
0x2ff: {  	v5 =	vld [tilespmem:s18+$0x12090]  }
0x300: {  	v4 =	vadd.f32 v8, v4;
	v7 =	vmul.f32 v7, v7  }
0x301: {  	v8 =	vld [tilespmem:s18+$0x12020]  }
0x302: {  	v4 =	vadd.f32 v7, v4;
	v6 =	vmul.f32 v6, v6  }
0x303: {  	v7 =	vld [tilespmem:s18+$0x120A0]  }
0x304: {  	v4 =	vadd.f32 v6, v4;
	v5 =	vmul.f32 v5, v5  }
0x305: {  	v6 =	vld [tilespmem:s18+$0x12030]  }
0x306: {  	v4 =	vadd.f32 v5, v4;
	v5 =	vmul.f32 v8, v8  }
0x307: {  	v8 =	vld [tilespmem:s18+$0x120B0]  }
0x308: {  	v4 =	vadd.f32 v5, v4;
	v5 =	vmul.f32 v7, v7  }
0x309: {  	v7 =	vld [tilespmem:s18+$0x12040]  }
0x30a: {  	v4 =	vadd.f32 v5, v4;
	v5 =	vmul.f32 v6, v6  }
0x30b: {  	v6 =	vld [tilespmem:s18+$0x120C0]  }
0x30c: {  	v4 =	vadd.f32 v5, v4;
	v5 =	vmul.f32 v8, v8  }
0x30d: {  	v8 =	vld [tilespmem:s18+$0x12050]  }
0x30e: {  	v4 =	vadd.f32 v5, v4;
	v5 =	vmul.f32 v7, v7  }
0x30f: {  	v7 =	vld [tilespmem:s18+$0x120D0]  }
0x310: {  	v4 =	vadd.f32 v5, v4;
	v5 =	vmul.f32 v6, v6  }
0x311: {  	v6 =	vld [tilespmem:s18+$0x12060]  }
0x312: {  	v4 =	vadd.f32 v5, v4;
	v5 =	vmul.f32 v8, v8  }
0x313: {  	v8 =	vld [tilespmem:s18+$0x120E0]  }
.Ltmp3:
0x314: {  	v4 =	vadd.f32 v5, v4;
	v7 =	vmul.f32 v7, v7;
	(pc) =	sbr.rel @p2 .LBB2_9-.Ltmp3, $4  }
0x315: {  	v5 =	vld [tilespmem:s18+$0x12070]  }
0x316: {  	v7 =	vadd.f32 v7, v4;
	v6 =	vmul.f32 v6, v6  }
0x317: {  	v4 =	vld [tilespmem:s18+$0x120F0]  }
0x318: {  	s18 =	sshra.s32 s20, $0x2;
	s20 =	sadd.s32 $0x400, s20;
	v6 =	vadd.f32 v6, v7;
	v7 =	vmul.f32 v8, v8  }
0x319: {  	v8 =	vld [tilespmem:s18+$0x12000]  }
0x31a: {  	v6 =	vadd.f32 v7, v6;
	v5 =	vmul.f32 v5, v5  }
0x31b: {  	v49 =	vld [tilespmem:s18+$0x12080]  }
0x31c: {  	v5 =	vadd.f32 v5, v6;
	v4 =	vmul.f32 v4, v4  }
0x31d: {  	v50 =	vld [tilespmem:s18+$0x12010]  }
0x31e: {  	v8 =	vmul.f32 v8, v8;
	v4 =	vadd.f32 v4, v5  }
0x31f: {  	v5 =	vld [tilespmem:s18+$0x12090]  }
0x320: {  	v7 =	vmul.f32 v49, v49;
	v4 =	vadd.f32 v8, v4  }
0x321: {  	v51 =	vld [tilespmem:s18+$0x12020]  }
0x322: {  	v6 =	vmul.f32 v50, v50;
	v4 =	vadd.f32 v7, v4  }
0x323: {  	v52 =	vld [tilespmem:s18+$0x120A0]  }
0x324: {  	v5 =	vmul.f32 v5, v5;
	v4 =	vadd.f32 v6, v4  }
0x325: {  	v53 =	vld [tilespmem:s18+$0x12030]  }
0x326: {  	v4 =	vadd.f32 v5, v4;
	v5 =	vmul.f32 v51, v51  }
0x327: {  	v54 =	vld [tilespmem:s18+$0x120B0]  }
0x328: {  	v4 =	vadd.f32 v5, v4;
	v5 =	vmul.f32 v52, v52  }
0x329: {  	v55 =	vld [tilespmem:s18+$0x12040]  }
0x32a: {  	v4 =	vadd.f32 v5, v4;
	v5 =	vmul.f32 v53, v53  }
0x32b: {  	v56 =	vld [tilespmem:s18+$0x120C0]  }
0x32c: {  	v4 =	vadd.f32 v5, v4;
	v5 =	vmul.f32 v54, v54  }
0x32d: {  	v57 =	vld [tilespmem:s18+$0x12050]  }
0x32e: {  	v4 =	vadd.f32 v5, v4;
	v5 =	vmul.f32 v55, v55  }
0x32f: {  	v58 =	vld [tilespmem:s18+$0x120D0]  }
0x330: {  	v4 =	vadd.f32 v5, v4;
	v5 =	vmul.f32 v56, v56  }
0x331: {  	v59 =	vld [tilespmem:s18+$0x12060]  }
0x332: {  	v4 =	vadd.f32 v5, v4;
	v5 =	vmul.f32 v57, v57  }
0x333: {  	v60 =	vld [tilespmem:s18+$0x120E0]  }
0x334: {  	v4 =	vadd.f32 v5, v4;
	v5 =	vmul.f32 v58, v58  }
0x335: {  	v61 =	vld [tilespmem:s18+$0x12070]  }
0x336: {  	v4 =	vadd.f32 v5, v4;
	v5 =	vmul.f32 v59, v59  }
0x337: {  	v62 =	vld [tilespmem:s18+$0x120F0]  }
0x338: {  	v4 =	vadd.f32 v5, v4;
	v5 =	vmul.f32 v60, v60;
	_ =	sdelay $0x1  }
0x339: {  	v4 =	vadd.f32 v5, v4;
	v5 =	vmul.f32 v61, v61  }
0x33a: {  	v63 =	vld [tilespmem:$0x1E700]  }
0x33b: {  	v4 =	vadd.f32 v5, v4;
	v5 =	vmul.f32 v62, v62;
	_ =	sdelay $0x1  }
0x33c: {  	v4 =	vadd.f32 v5, v4;
	_ =	sdelay $0x1  }
0x33d: {  	v4 =	vadd.f32 v63, v4;
	_ =	sdelay $0x1  }
0x33e: {  	[tilespmem:$0x1E700] =	vst v4  }
0x33f: {  	_ =	swait.ge [sflag:s7], $0x4000  }
.Ltmp4:
0x340: {  	[sflag:s7] =	ssyncset.done $0x0;
	(pc) =	sbr.rel @p1 .LBB2_12-.Ltmp4, $4  }
0x341: {  	[sflag:s7] =	ssyncadd.s32 $0xFFFFC000  }
0x342: {  	_ =	swait.ge [sflag:s7], $0x4000  }
0x343: {  	[sflag:s7] =	ssyncset.done $0x0  }
0x344: {  	[sflag:s7] =	ssyncadd.s32 $0xFFFFC000  }
0x345: {  	s16 =	sshll.u32 s16, $0x8  }
0x346: {  	s18 =	sadd.s32 $0x500, s16  }
0x347: {  	s20 =	sshll.u32 s18, $0x4  }
0x348: {  	s20 =	sadd.s32 s1, s20  }
0x349: {  	[tilespmem:s9], [sflag:$0x3] =	stream.linear.gather [hbm4b:s20+s5], $0x8000, $0x38;
	[tilespmem:$0x1EB80] =	vst v63  }
.Ltmp5:
0x34a: {  	s16 =	sshrl.u32 s16, $0x3;
	s18 =	sshrl.u32 s18, $0x3;
	(pc) =	sbr.rel .LBB2_4-.Ltmp5, $4  }
0x34b: {  	s16 =	sadd.s32 s2, s16;
	s18 =	sadd.s32 s2, s18  }
0x34c: {  	[tilespmem:s10], [sflag:$0x6] =	stream.linear.gather [hbm4b:s18+s5], $0x80, $0x38;
	[tilespmem:$0x1EB80] =	vst v63  }
0x34d: {  	s12 =	sadd.s32 $0x1, s12;
	s16 =	sadd.s32 $0xB0, s16  }
0x34e: {  	[tilespmem:s11], [sflag:$0x6] =	stream.linear.gather [hbm4b:s16+s5], $0x80, $0x38;
	[tilespmem:$0x1EB80] =	vst v63  }
.LBB2_12:
.Ltmp6:
0x34f: {  	(pc) =	sbr.rel @p0 .LBB2_16-.Ltmp6, $1  }
0x350: {  	_ =	sdelay $0x3  }
0x351: {  	s12 =	simm.s32 $0x0;
	s16 =	rddreg [dreg:$0x12]  }
0x352: {  	[tilespmem:s31], [sflag:$0xA] =	stream.linear.gather [hbm4b:s16+s12], $0x4000, $0x38;
	[tilespmem:$0x1EB80] =	vst v63  }
0x353: {  	_ =	swait.ge [sflag:s13], $0x4000  }
0x354: {  	[sflag:s13] =	ssyncset.done $0x0  }
0x355: {  	s25 =	rddreg [dreg:$0x13];
	[sflag:s13] =	ssyncadd.s32 $0xFFFFC000  }
0x356: {  	[tilespmem:s3], [sflag:$0xA] =	stream.linear.gather [hbm4b:s25+s12], $0x80, $0x38;
	[tilespmem:$0x1EB80] =	vst v63  }
0x357: {  	_ =	swait.ge [sflag:s13], $0x80  }
0x358: {  	[sflag:s13] =	ssyncset.done $0x0  }
0x359: {  	[sflag:s13] =	ssyncadd.s32 $0xFFFFFF80  }
0x35a: {  	[spmem:s4] =	stream.indirect.scatter.add.f32 [tilespmem:s31], [sflag:$0xA], $0x80, s3, s17, $0xb8;
	[tilespmem:$0x1EB80] =	vst v63  }
0x35b: {  	_ =	swait.ge [sflag:s13], $0x4000  }
0x35c: {  	[sflag:s13] =	ssyncset.done $0x0  }
0x35d: {  	[sflag:s13] =	ssyncadd.s32 $0xFFFFC000  }
0x35e: {  	v4 =	vld [tilespmem:$0x1A000];
	_ =	sdelay $0x4  }
0x35f: {  	v5 =	vshll.u32 v4, $0x3  }
0x360: {  	v4 =	vand.u32 $0x7F, v4;
	v5 =	vand.u32 $0xFFFFFC00, v5  }
0x361: {  	v4 =	vor.u32 v4, v5  }
0x362: {  	v4 =	vadd.s32 v2, v4;
	_ =	sdelay $0x4  }
0x363: {  	[tilespmem:v4+s19+$0x0] =	vst.idx.add.s32.msk $0xffff, v3  }
0x364: {  	v4 =	vld [tilespmem:$0x1A010];
	_ =	sdelay $0x4  }
0x365: {  	v5 =	vshll.u32 v4, $0x3  }
0x366: {  	v4 =	vand.u32 $0x7F, v4;
	v5 =	vand.u32 $0xFFFFFC00, v5  }
0x367: {  	v4 =	vor.u32 v4, v5  }
0x368: {  	v4 =	vadd.s32 v2, v4;
	_ =	sdelay $0x4  }
0x369: {  	[tilespmem:v4+s19+$0x0] =	vst.idx.add.s32.msk $0xffff, v3  }
0x36a: {  	v4 =	vld [tilespmem:$0x1A020];
	_ =	sdelay $0x4  }
0x36b: {  	v5 =	vshll.u32 v4, $0x3  }
0x36c: {  	v4 =	vand.u32 $0x7F, v4;
	v5 =	vand.u32 $0xFFFFFC00, v5  }
0x36d: {  	v4 =	vor.u32 v4, v5  }
0x36e: {  	v4 =	vadd.s32 v2, v4;
	_ =	sdelay $0x4  }
0x36f: {  	[tilespmem:v4+s19+$0x0] =	vst.idx.add.s32.msk $0xffff, v3  }
0x370: {  	v4 =	vld [tilespmem:$0x1A030];
	_ =	sdelay $0x4  }
0x371: {  	v5 =	vshll.u32 v4, $0x3  }
0x372: {  	v4 =	vand.u32 $0x7F, v4;
	v5 =	vand.u32 $0xFFFFFC00, v5  }
0x373: {  	v4 =	vor.u32 v4, v5  }
0x374: {  	v4 =	vadd.s32 v2, v4;
	_ =	sdelay $0x4  }
0x375: {  	[tilespmem:v4+s19+$0x0] =	vst.idx.add.s32.msk $0xffff, v3  }
0x376: {  	v4 =	vld [tilespmem:$0x1A040];
	_ =	sdelay $0x4  }
0x377: {  	v5 =	vshll.u32 v4, $0x3  }
0x378: {  	v4 =	vand.u32 $0x7F, v4;
	v5 =	vand.u32 $0xFFFFFC00, v5  }
0x379: {  	v4 =	vor.u32 v4, v5  }
0x37a: {  	v4 =	vadd.s32 v2, v4;
	_ =	sdelay $0x4  }
0x37b: {  	[tilespmem:v4+s19+$0x0] =	vst.idx.add.s32.msk $0xffff, v3  }
0x37c: {  	v4 =	vld [tilespmem:$0x1A050];
	_ =	sdelay $0x4  }
0x37d: {  	v5 =	vshll.u32 v4, $0x3  }
0x37e: {  	v4 =	vand.u32 $0x7F, v4;
	v5 =	vand.u32 $0xFFFFFC00, v5  }
0x37f: {  	v4 =	vor.u32 v4, v5  }
0x380: {  	v4 =	vadd.s32 v2, v4;
	_ =	sdelay $0x4  }
0x381: {  	[tilespmem:v4+s19+$0x0] =	vst.idx.add.s32.msk $0xffff, v3  }
0x382: {  	v4 =	vld [tilespmem:$0x1A060];
	_ =	sdelay $0x4  }
0x383: {  	v5 =	vshll.u32 v4, $0x3  }
0x384: {  	v4 =	vand.u32 $0x7F, v4;
	v5 =	vand.u32 $0xFFFFFC00, v5  }
0x385: {  	v4 =	vor.u32 v4, v5  }
0x386: {  	v4 =	vadd.s32 v2, v4;
	_ =	sdelay $0x4  }
0x387: {  	[tilespmem:v4+s19+$0x0] =	vst.idx.add.s32.msk $0xffff, v3  }
0x388: {  	v4 =	vld [tilespmem:$0x1A070];
	_ =	sdelay $0x4  }
0x389: {  	v5 =	vshll.u32 v4, $0x3  }
0x38a: {  	v4 =	vand.u32 $0x7F, v4;
	v5 =	vand.u32 $0xFFFFFC00, v5  }
0x38b: {  	v4 =	vor.u32 v4, v5  }
0x38c: {  	v4 =	vadd.s32 v2, v4;
	_ =	sdelay $0x4  }
0x38d: {  	s30 =	simm.s32 $0x0;
	[tilespmem:v4+s19+$0x0] =	vst.idx.add.s32.msk $0xffff, v3  }
0x38e: {  	v4 =	vld [tilespmem:s30+$0x2000];
	_ =	sdelay $0x1  }
0x38f: {  	v5 =	vld [tilespmem:s30+$0x2080];
	_ =	sdelay $0x1  }
0x390: {  	v6 =	vld [tilespmem:s30+$0x2010]  }
0x391: {  	v4 =	vmul.f32 v4, v4  }
0x392: {  	v7 =	vimm.f32 $0.0e+00;
	v8 =	vld [tilespmem:s30+$0x2090]  }
0x393: {  	v5 =	vmul.f32 v5, v5;
	v4 =	vadd.f32 v4, v7  }
0x394: {  	v7 =	vld [tilespmem:s30+$0x2020]  }
0x395: {  	v4 =	vadd.f32 v5, v4;
	v5 =	vmul.f32 v6, v6  }
0x396: {  	v6 =	vld [tilespmem:s30+$0x20A0]  }
0x397: {  	v4 =	vadd.f32 v5, v4;
	v5 =	vmul.f32 v8, v8  }
0x398: {  	v8 =	vld [tilespmem:s30+$0x2030]  }
0x399: {  	v4 =	vadd.f32 v5, v4;
	v5 =	vmul.f32 v7, v7  }
0x39a: {  	v7 =	vld [tilespmem:s30+$0x20B0]  }
0x39b: {  	v4 =	vadd.f32 v5, v4;
	v5 =	vmul.f32 v6, v6  }
0x39c: {  	v6 =	vld [tilespmem:s30+$0x2040]  }
0x39d: {  	v4 =	vadd.f32 v5, v4;
	v5 =	vmul.f32 v8, v8  }
0x39e: {  	v8 =	vld [tilespmem:s30+$0x20C0]  }
0x39f: {  	v4 =	vadd.f32 v5, v4;
	v5 =	vmul.f32 v7, v7  }
0x3a0: {  	v7 =	vld [tilespmem:s30+$0x2050]  }
0x3a1: {  	v4 =	vadd.f32 v5, v4;
	v5 =	vmul.f32 v6, v6  }
0x3a2: {  	v6 =	vld [tilespmem:s30+$0x20D0]  }
0x3a3: {  	v4 =	vadd.f32 v5, v4;
	v5 =	vmul.f32 v8, v8;
	_ =	sdelay $0x1  }
0x3a4: {  	v8 =	vld [tilespmem:s30+$0x2060];
	v4 =	vadd.f32 v5, v4;
	v5 =	vmul.f32 v7, v7;
	_ =	sdelay $0x1  }
0x3a5: {  	v7 =	vld [tilespmem:s30+$0x20E0];
	v4 =	vadd.f32 v5, v4;
	v5 =	vmul.f32 v6, v6;
	_ =	sdelay $0x1  }
0x3a6: {  	v6 =	vadd.f32 v5, v4;
	v5 =	vld [tilespmem:s30+$0x2070]  }
0x3a7: {  	v8 =	vmul.f32 v8, v8  }
0x3a8: {  	v4 =	vld [tilespmem:s30+$0x20F0]  }
0x3a9: {  	s16 =	simm.s32 $0x800;
	s12 =	simm.s32 $0x100;
	v7 =	vmul.f32 v7, v7;
	v6 =	vadd.f32 v8, v6  }
.LBB2_14:
0x3aa: {  	p1 =	sne.s32 s16, $0xFC00;
	v8 =	vld [tilespmem:s12+$0x2000]  }
0x3ab: {  	v6 =	vadd.f32 v7, v6;
	v5 =	vmul.f32 v5, v5  }
0x3ac: {  	v7 =	vld [tilespmem:s12+$0x2080]  }
0x3ad: {  	v5 =	vadd.f32 v5, v6;
	v4 =	vmul.f32 v4, v4  }
0x3ae: {  	v6 =	vld [tilespmem:s12+$0x2010]  }
0x3af: {  	v8 =	vmul.f32 v8, v8;
	v4 =	vadd.f32 v4, v5  }
0x3b0: {  	v5 =	vld [tilespmem:s12+$0x2090]  }
0x3b1: {  	v4 =	vadd.f32 v8, v4;
	v7 =	vmul.f32 v7, v7  }
0x3b2: {  	v8 =	vld [tilespmem:s12+$0x2020]  }
0x3b3: {  	v4 =	vadd.f32 v7, v4;
	v6 =	vmul.f32 v6, v6  }
0x3b4: {  	v7 =	vld [tilespmem:s12+$0x20A0]  }
0x3b5: {  	v4 =	vadd.f32 v6, v4;
	v5 =	vmul.f32 v5, v5  }
0x3b6: {  	v6 =	vld [tilespmem:s12+$0x2030]  }
0x3b7: {  	v4 =	vadd.f32 v5, v4;
	v5 =	vmul.f32 v8, v8  }
0x3b8: {  	v8 =	vld [tilespmem:s12+$0x20B0]  }
0x3b9: {  	v4 =	vadd.f32 v5, v4;
	v5 =	vmul.f32 v7, v7  }
0x3ba: {  	v7 =	vld [tilespmem:s12+$0x2040]  }
0x3bb: {  	v4 =	vadd.f32 v5, v4;
	v5 =	vmul.f32 v6, v6  }
0x3bc: {  	v6 =	vld [tilespmem:s12+$0x20C0]  }
0x3bd: {  	v4 =	vadd.f32 v5, v4;
	v5 =	vmul.f32 v8, v8  }
0x3be: {  	v8 =	vld [tilespmem:s12+$0x2050]  }
0x3bf: {  	v4 =	vadd.f32 v5, v4;
	v5 =	vmul.f32 v7, v7  }
0x3c0: {  	v7 =	vld [tilespmem:s12+$0x20D0]  }
0x3c1: {  	v4 =	vadd.f32 v5, v4;
	v5 =	vmul.f32 v6, v6  }
0x3c2: {  	v6 =	vld [tilespmem:s12+$0x2060]  }
0x3c3: {  	v4 =	vadd.f32 v5, v4;
	v5 =	vmul.f32 v8, v8  }
0x3c4: {  	v8 =	vld [tilespmem:s12+$0x20E0]  }
.Ltmp7:
0x3c5: {  	v4 =	vadd.f32 v5, v4;
	v7 =	vmul.f32 v7, v7;
	(pc) =	sbr.rel @p1 .LBB2_14-.Ltmp7, $4  }
0x3c6: {  	v5 =	vld [tilespmem:s12+$0x2070]  }
0x3c7: {  	v7 =	vadd.f32 v7, v4;
	v6 =	vmul.f32 v6, v6  }
0x3c8: {  	v4 =	vld [tilespmem:s12+$0x20F0]  }
0x3c9: {  	s12 =	sshra.s32 s16, $0x2;
	s16 =	sadd.s32 $0x400, s16;
	v6 =	vadd.f32 v6, v7;
	v7 =	vmul.f32 v8, v8  }
0x3ca: {  	v8 =	vld [tilespmem:s12+$0x2000]  }
0x3cb: {  	v6 =	vadd.f32 v7, v6;
	v5 =	vmul.f32 v5, v5  }
0x3cc: {  	v49 =	vld [tilespmem:s12+$0x2080]  }
0x3cd: {  	v5 =	vadd.f32 v5, v6;
	v4 =	vmul.f32 v4, v4  }
0x3ce: {  	v50 =	vld [tilespmem:s12+$0x2010]  }
0x3cf: {  	v8 =	vmul.f32 v8, v8;
	v4 =	vadd.f32 v4, v5  }
0x3d0: {  	v5 =	vld [tilespmem:s12+$0x2090]  }
0x3d1: {  	v7 =	vmul.f32 v49, v49;
	v4 =	vadd.f32 v8, v4  }
0x3d2: {  	v51 =	vld [tilespmem:s12+$0x2020]  }
0x3d3: {  	v6 =	vmul.f32 v50, v50;
	v4 =	vadd.f32 v7, v4  }
0x3d4: {  	v52 =	vld [tilespmem:s12+$0x20A0]  }
0x3d5: {  	v5 =	vmul.f32 v5, v5;
	v4 =	vadd.f32 v6, v4  }
0x3d6: {  	v53 =	vld [tilespmem:s12+$0x2030]  }
0x3d7: {  	v4 =	vadd.f32 v5, v4;
	v5 =	vmul.f32 v51, v51  }
0x3d8: {  	v54 =	vld [tilespmem:s12+$0x20B0]  }
0x3d9: {  	v4 =	vadd.f32 v5, v4;
	v5 =	vmul.f32 v52, v52  }
0x3da: {  	v55 =	vld [tilespmem:s12+$0x2040]  }
0x3db: {  	v4 =	vadd.f32 v5, v4;
	v5 =	vmul.f32 v53, v53  }
0x3dc: {  	v56 =	vld [tilespmem:s12+$0x20C0]  }
0x3dd: {  	v4 =	vadd.f32 v5, v4;
	v5 =	vmul.f32 v54, v54  }
0x3de: {  	v57 =	vld [tilespmem:s12+$0x2050]  }
0x3df: {  	v4 =	vadd.f32 v5, v4;
	v5 =	vmul.f32 v55, v55  }
0x3e0: {  	v58 =	vld [tilespmem:s12+$0x20D0]  }
0x3e1: {  	v4 =	vadd.f32 v5, v4;
	v5 =	vmul.f32 v56, v56  }
0x3e2: {  	v59 =	vld [tilespmem:s12+$0x2060]  }
0x3e3: {  	v4 =	vadd.f32 v5, v4;
	v5 =	vmul.f32 v57, v57  }
0x3e4: {  	v60 =	vld [tilespmem:s12+$0x20E0]  }
0x3e5: {  	v4 =	vadd.f32 v5, v4;
	v5 =	vmul.f32 v58, v58  }
0x3e6: {  	v61 =	vld [tilespmem:s12+$0x2070]  }
0x3e7: {  	v4 =	vadd.f32 v5, v4;
	v5 =	vmul.f32 v59, v59  }
0x3e8: {  	v62 =	vld [tilespmem:s12+$0x20F0]  }
0x3e9: {  	v4 =	vadd.f32 v5, v4;
	v5 =	vmul.f32 v60, v60;
	_ =	sdelay $0x1  }
0x3ea: {  	v4 =	vadd.f32 v5, v4;
	v5 =	vmul.f32 v61, v61  }
0x3eb: {  	v63 =	vld [tilespmem:$0x1E700]  }
0x3ec: {  	v4 =	vadd.f32 v5, v4;
	v5 =	vmul.f32 v62, v62;
	_ =	sdelay $0x1  }
0x3ed: {  	v4 =	vadd.f32 v5, v4;
	_ =	sdelay $0x1  }
0x3ee: {  	v4 =	vadd.f32 v63, v4;
	_ =	sdelay $0x1  }
0x3ef: {  	[tilespmem:$0x1E700] =	vst v4  }
.LBB2_16:
0x3f0: {  	s12 =	simm.s32 $0x0  }
0x3f1: {  	s16 =	sand.u32 $0x70, s12;
	s12 =	sand.u32 $0x1C00, s12  }
0x3f2: {  	s12 =	sor.u32 s16, s12  }
0x3f3: {  	v4 =	vld [tilespmem:s12+$0x1A380]  }
0x3f4: {  	v5 =	vld [tilespmem:s12+$0x1A300]  }
0x3f5: {  	v6 =	vld [tilespmem:s12+$0x1A400]  }
0x3f6: {  	v7 =	vld [tilespmem:s12+$0x1A480]  }
0x3f7: {  	v8 =	vld [tilespmem:s12+$0x1A500]  }
0x3f8: {  	v9 =	vld [tilespmem:s12+$0x1A580]  }
0x3f9: {  	v4 =	vadd.s32 v5, v4;
	v5 =	vld [tilespmem:s12+$0x1A600]  }
0x3fa: {  	v56 =	vld [tilespmem:s12+$0x1A680];
	v4 =	vadd.s32 v6, v4  }
0x3fb: {  	v57 =	vld [tilespmem:s12+$0x1C300];
	v4 =	vadd.s32 v7, v4  }
0x3fc: {  	v58 =	vld [tilespmem:s12+$0x1C380];
	v4 =	vadd.s32 v8, v4  }
0x3fd: {  	v59 =	vld [tilespmem:s12+$0x1C400];
	v4 =	vadd.s32 v9, v4  }
0x3fe: {  	v4 =	vadd.s32 v5, v4;
	v5 =	vld [tilespmem:s12+$0x1C480]  }
0x3ff: {  	v60 =	vld [tilespmem:s12+$0x1C500];
	v4 =	vadd.s32 v56, v4  }
0x400: {  	v61 =	vld [tilespmem:s12+$0x1C580];
	v4 =	vadd.s32 v57, v4  }
0x401: {  	v62 =	vld [tilespmem:s12+$0x1C600];
	v4 =	vadd.s32 v58, v4  }
0x402: {  	v63 =	vld [tilespmem:s12+$0x1C680];
	v4 =	vadd.s32 v59, v4  }
0x403: {  	v4 =	vadd.s32 v5, v4  }
0x404: {  	v4 =	vadd.s32 v60, v4  }
0x405: {  	v4 =	vadd.s32 v61, v4  }
0x406: {  	s30 =	simm.s32 $0x10;
	s18 =	simm.s32 $0x80;
	v4 =	vadd.s32 v62, v4  }
0x407: {  	s20 =	sand.u32 $0x1C00, s18;
	s16 =	sand.u32 $0x70, s30;
	s12 =	simm.s32 $0x1E300;
	v4 =	vadd.s32 v63, v4  }
0x408: {  	s16 =	sor.u32 s16, s20;
	s20 =	simm.s32 $0x20;
	[tilespmem:s12+$0x0] =	vst v4  }
.LBB2_17:
0x409: {  	p1 =	sne.s32 s20, $0x3F0;
	v4 =	vld [tilespmem:s16+$0x1A380]  }
0x40a: {  	v5 =	vld [tilespmem:s16+$0x1A300]  }
0x40b: {  	v6 =	vld [tilespmem:s16+$0x1A400]  }
0x40c: {  	v7 =	vld [tilespmem:s16+$0x1A480]  }
0x40d: {  	v8 =	vld [tilespmem:s16+$0x1A500]  }
0x40e: {  	v9 =	vld [tilespmem:s16+$0x1A580]  }
0x40f: {  	v4 =	vadd.s32 v5, v4;
	v5 =	vld [tilespmem:s16+$0x1A600]  }
0x410: {  	v4 =	vadd.s32 v6, v4;
	v6 =	vld [tilespmem:s16+$0x1A680]  }
0x411: {  	v4 =	vadd.s32 v7, v4;
	v7 =	vld [tilespmem:s16+$0x1C300]  }
0x412: {  	v4 =	vadd.s32 v8, v4;
	v8 =	vld [tilespmem:s16+$0x1C380]  }
0x413: {  	v4 =	vadd.s32 v9, v4;
	v9 =	vld [tilespmem:s16+$0x1C400]  }
0x414: {  	v4 =	vadd.s32 v5, v4;
	v5 =	vld [tilespmem:s16+$0x1C480]  }
0x415: {  	v4 =	vadd.s32 v6, v4;
	v6 =	vld [tilespmem:s16+$0x1C500]  }
0x416: {  	v4 =	vadd.s32 v7, v4;
	v7 =	vld [tilespmem:s16+$0x1C580]  }
0x417: {  	v4 =	vadd.s32 v8, v4;
	v8 =	vld [tilespmem:s16+$0x1C600]  }
0x418: {  	v4 =	vadd.s32 v9, v4;
	v9 =	vld [tilespmem:s16+$0x1C680]  }
0x419: {  	v4 =	vadd.s32 v5, v4  }
.Ltmp8:
0x41a: {  	v4 =	vadd.s32 v6, v4;
	(pc) =	sbr.rel @p1 .LBB2_17-.Ltmp8, $4  }
0x41b: {  	v4 =	vadd.s32 v7, v4  }
0x41c: {  	s18 =	sadd.s32 $0x80, s18;
	v4 =	vadd.s32 v8, v4  }
0x41d: {  	s12 =	sadd.s32 $0x10, s12;
	s21 =	sand.u32 $0x1C00, s18;
	s16 =	sand.u32 $0x70, s20;
	v4 =	vadd.s32 v9, v4  }
0x41e: {  	s20 =	sadd.s32 $0x10, s20;
	s16 =	sor.u32 s16, s21;
	[tilespmem:s12+$0x0] =	vst v4  }
0x41f: {  	v4 =	vld [tilespmem:s16+$0x1A380]  }
0x420: {  	v5 =	vld [tilespmem:s16+$0x1A300]  }
0x421: {  	v6 =	vld [tilespmem:s16+$0x1A400]  }
0x422: {  	v7 =	vld [tilespmem:s16+$0x1A480]  }
0x423: {  	v8 =	vld [tilespmem:s16+$0x1A500]  }
0x424: {  	v9 =	vld [tilespmem:s16+$0x1A580]  }
0x425: {  	v4 =	vadd.s32 v5, v4;
	v5 =	vld [tilespmem:s16+$0x1A600]  }
0x426: {  	v56 =	vld [tilespmem:s16+$0x1A680];
	v4 =	vadd.s32 v6, v4  }
0x427: {  	v57 =	vld [tilespmem:s16+$0x1C300];
	v4 =	vadd.s32 v7, v4  }
0x428: {  	v58 =	vld [tilespmem:s16+$0x1C380];
	v4 =	vadd.s32 v8, v4  }
0x429: {  	v59 =	vld [tilespmem:s16+$0x1C400];
	v4 =	vadd.s32 v9, v4  }
0x42a: {  	v4 =	vadd.s32 v5, v4;
	v5 =	vld [tilespmem:s16+$0x1C480]  }
0x42b: {  	v60 =	vld [tilespmem:s16+$0x1C500];
	v4 =	vadd.s32 v56, v4  }
0x42c: {  	v61 =	vld [tilespmem:s16+$0x1C580];
	v4 =	vadd.s32 v57, v4  }
0x42d: {  	v62 =	vld [tilespmem:s16+$0x1C600];
	v4 =	vadd.s32 v58, v4  }
0x42e: {  	v63 =	vld [tilespmem:s16+$0x1C680];
	v4 =	vadd.s32 v59, v4  }
0x42f: {  	v4 =	vadd.s32 v5, v4  }
0x430: {  	v4 =	vadd.s32 v60, v4  }
0x431: {  	v4 =	vadd.s32 v61, v4  }
0x432: {  	v4 =	vadd.s32 v62, v4  }
0x433: {  	s12 =	sadd.s32 $0x10, s12;
	v4 =	vadd.s32 v63, v4  }
0x434: {  	s20 =	rddreg [dreg:$0x14];
	s21 =	simm.s32 $0x400;
	s18 =	simm.s32 $0x1E300;
	[tilespmem:s12+$0x0] =	vst v4  }
0x435: {  	[hbm4b:s20+s17] =	stream.strided.scatter [tilespmem:s18], [sflag:$0xA], $0x400, s21, s17, $0x38;
	[tilespmem:$0x1EB80] =	vst v63  }
0x436: {  	_ =	swait.ge [sflag:s13], $0x400  }
0x437: {  	[sflag:s13] =	ssyncset.done $0x0  }
0x438: {  	s30 =	simm.s32 $0x1E700;
	s25 =	rddreg [dreg:$0x15];
	[sflag:s13] =	ssyncadd.s32 $0xFFFFFC00  }
0x439: {  	[hbm4b:s25+s5] =	stream.linear.scatter [tilespmem:s30], [sflag:$0xA], $0x80, $0x38;
	[tilespmem:$0x1EB80] =	vst v63  }
0x43a: {  	_ =	swait.ge [sflag:s13], $0x80  }
0x43b: {  	[sflag:s13] =	ssyncset.done $0x0  }
0x43c: {  	[sflag:s13] =	ssyncadd.s32 $0xFFFFFF80  }
0x43d: {  	s18 =	stileid.u32;
	[bflag:$0x0] =	sbarrier.arrive $0xFFFF  }
0x43e: {  	s12 =	sshll.u32 s18, $0x6;
	s20 =	rddreg [dreg:$0xe]  }
0x43f: {  	s12 =	sor.u32 $0x1C0A, s12;
	s21 =	rddreg [dreg:$0x16];
	s16 =	sshrl.u32 s20, $0x3  }
0x440: {  	[hbm:s21], [sflag:s12] =	dma.local [spmem:s16], $0x400  }
0x441: {  	_ =	swait.ge [sflag:s13], $0x400  }
0x442: {  	s25 =	rddreg [dreg:$0x1c]  }
0x443: {  	s30 =	rddreg [dreg:$0x17];
	s16 =	sadd.s32 $0x1, s25  }
0x444: {  	p1 =	sne.s32 s16, s30  }
.Ltmp9:
0x445: {  	_ = 	snop;
	(pc) =	sbr.rel @p1 .LBB2_1-.Ltmp9, $3  }
0x446: {  	_ =	sdelay $0x1  }
0x447: {  	[sflag:s13] =	ssyncset.done $0x0  }
0x448: {  	[sflag:s13] =	ssyncadd.s32 $0xFFFFFC00  }
0x449: {  	_ =	sfence.sel $0x180000  }
0x44a: {  	[bflag:$0x0] =	sbarrier.arrive $0xFFFF  }
0x44b: {  	_ =	strace $0x90000047  }
0x44c: {  	s0 =	stileid.u32;
	[bflag:$0x2] =	sbarrier.arrive $0xFFFF  }
0x44d: {  	p0 =	sne.s32 s0, $0x0;
	s0 =	rddreg [dreg:$0x4]  }
0x44e: {  	s0 =	sadd.s32 @!p0 $0x100000, s0  }
0x44f: {  	[sflag:s0] =	ssyncadd.tile.s32 @!p0 $0x1;
	_ =	shalt  }
.Lfunc_end2:
_tile_overlayer_lowered:
.L_overlay_start_2:
0x450: {  	(tag) =	ssettag $0x2  }
0x451: {  	s0 =	rddreg [dreg:$0x0];
	s2 =	stileid.u32  }
0x452: {  	s1 =	rddreg [dreg:$0x1];
	p0 =	sne.s32 s2, $0x0  }
0x453: {  	s3 =	rddreg [dreg:$0x2];
	[bflag:$0x3] =	sbarrier.arrive $0xFFFF;
	s2 =	simm.s32 @!p0 $0x1C0A  }
0x454: {  	[timem:s3], [sflag:s2] =	dma.local @!p0 [hbm:s0], s1  }
0x455: {  	s0 =	simm.s32 @!p0 $0xA  }
0x456: {  	_ =	swait.ge @!p0 [sflag:s0], s1  }
0x457: {  	s1 =	ssub.s32 @!p0 $0x0, s1;
	[sflag:s0] =	ssyncset.done @!p0 $0x0  }
0x458: {  	[sflag:s0] =	ssyncadd.s32 @!p0 s1  }
0x459: {  	[bflag:$0x3] =	sbarrier.arrive $0xFFFF  }
0x45a: {  	_ =	shalt  }

</sc_bundles>
